<compile_context>
chip_gen: v7x
topology: tpu7x:2x2x1
jax: 0.10.2.dev20260603
libtpu: 0.0.44.dev20260713+nightly
codegen_flags: <defaults>
</compile_context>

<pallas_src>
import jax
import jax.numpy as jnp
from jax.experimental import pallas as pl
from jax.experimental.pallas import tpu as pltpu
from jax.experimental.pallas import tpu_sc as plsc

HIDDEN = 2048
FC = 512
CODE = 64
CB = 8192
BATCH = 8192

_INV_B = 1.0 / BATCH

TM1 = 1024
TMV = 2048
TM2 = 512
NC = 2048
TM4 = 2048
TM5 = 1024
GW = 256


def _mm(a, b):
    return jax.lax.dot_general(a.astype(jnp.bfloat16), b.astype(jnp.bfloat16),
                               (((1,), (1,)), ((), ())),
                               preferred_element_type=jnp.float32)


def _enc1_body(h_ref, w_ref, cb_ref, x_ref, s_ref, cn_ref, cbp_ref):
    i = pl.program_id(0)
    x = _mm(h_ref[...], w_ref[...])
    x_ref[...] = x

    @pl.when(i == 0)
    def _():
        s_ref[...] = jnp.zeros_like(s_ref)
        cb = cb_ref[...]
        cn_ref[...] = jnp.sum(cb * cb, axis=1, keepdims=True)
        cbp_ref[...] = jnp.concatenate([cb, jnp.zeros_like(cb)], axis=1)

    s_ref[...] += jnp.sum(x, axis=0, keepdims=True)


def _encode1(h, w, cb):
    return pl.pallas_call(
        _enc1_body,
        grid=(BATCH // TM1,),
        in_specs=[
            pl.BlockSpec((TM1, HIDDEN), lambda i: (i, 0)),
            pl.BlockSpec((FC, HIDDEN), lambda i: (0, 0)),
            pl.BlockSpec((CB, CODE), lambda i: (0, 0)),
        ],
        out_specs=[
            pl.BlockSpec((TM1, FC), lambda i: (i, 0)),
            pl.BlockSpec((1, FC), lambda i: (0, 0)),
            pl.BlockSpec((CB, 1), lambda i: (0, 0)),
            pl.BlockSpec((CB, 2 * CODE), lambda i: (0, 0)),
        ],
        out_shape=[
            jax.ShapeDtypeStruct((BATCH, FC), jnp.float32),
            jax.ShapeDtypeStruct((1, FC), jnp.float32),
            jax.ShapeDtypeStruct((CB, 1), jnp.float32),
            jax.ShapeDtypeStruct((CB, 2 * CODE), jnp.float32),
        ],
    )(h, w, cb)


def _var_body(x_ref, s_ref, v_ref):
    i = pl.program_id(0)

    @pl.when(i == 0)
    def _():
        v_ref[...] = jnp.zeros_like(v_ref)

    mean = s_ref[...] * _INV_B
    c = x_ref[...] - mean
    v_ref[...] += jnp.sum(c * c, axis=0, keepdims=True)


def _var_pass(x, s):
    return pl.pallas_call(
        _var_body,
        grid=(BATCH // TMV,),
        in_specs=[
            pl.BlockSpec((TMV, FC), lambda i: (i, 0)),
            pl.BlockSpec((1, FC), lambda i: (0, 0)),
        ],
        out_specs=pl.BlockSpec((1, FC), lambda i: (0, 0)),
        out_shape=jax.ShapeDtypeStruct((1, FC), jnp.float32),
    )(x, s)


def _enc2_body(x_ref, s_ref, v_ref, g_ref, b_ref, w2_ref, b2_ref, cb_ref,
               cn_ref, ze_ref, idx_ref, idxrow_ref):
    mean = s_ref[...] * _INV_B
    var = v_ref[...] * _INV_B
    xn = g_ref[...] * (x_ref[...] - mean) * jax.lax.rsqrt(var + 1e-5) \
        + b_ref[...]
    xn = jnp.where(xn >= 0, xn, 0.01 * xn)
    ze = _mm(xn, w2_ref[...]) + b2_ref[...]
    ze_ref[...] = ze
    zn = jnp.sum(ze * ze, axis=1, keepdims=True)

    best_m = jnp.full((TM2, 1), jnp.inf, jnp.float32)
    best_a = jnp.zeros((TM2, 1), jnp.int32)
    for c in range(CB // NC):
        sc = _mm(ze, cb_ref[c * NC:(c + 1) * NC, :])
        s = (zn - 2.0 * sc) + cn_ref[:, c * NC:(c + 1) * NC]
        mc = jnp.min(s, axis=1, keepdims=True)
        iota = jax.lax.broadcasted_iota(jnp.int32, s.shape, 1) + c * NC
        ac = jnp.min(jnp.where(s == mc, iota, CB), axis=1, keepdims=True)
        take = mc < best_m
        best_m = jnp.where(take, mc.astype(jnp.bfloat16).astype(jnp.float32),
                           best_m)
        best_a = jnp.where(take, ac, best_a)
    idx_ref[...] = best_a
    idxrow_ref[...] = best_a.reshape(1, TM2)


HALF = BATCH // 2


def _encode2(x, xs, xv, g, b, w2, b2, cb, cn_row, half):
    off = half * (HALF // TM2)
    return pl.pallas_call(
        _enc2_body,
        grid=(HALF // TM2,),
        in_specs=[
            pl.BlockSpec((TM2, FC), lambda i: (i + off, 0)),
            pl.BlockSpec((1, FC), lambda i: (0, 0)),
            pl.BlockSpec((1, FC), lambda i: (0, 0)),
            pl.BlockSpec((1, FC), lambda i: (0, 0)),
            pl.BlockSpec((1, FC), lambda i: (0, 0)),
            pl.BlockSpec((CODE, FC), lambda i: (0, 0)),
            pl.BlockSpec((1, CODE), lambda i: (0, 0)),
            pl.BlockSpec((CB, CODE), lambda i: (0, 0)),
            pl.BlockSpec((1, CB), lambda i: (0, 0)),
        ],
        out_specs=[
            pl.BlockSpec((TM2, CODE), lambda i: (i, 0)),
            pl.BlockSpec((TM2, 1), lambda i: (i, 0)),
            pl.BlockSpec((1, TM2), lambda i: (0, i)),
        ],
        out_shape=[
            jax.ShapeDtypeStruct((HALF, CODE), jnp.float32),
            jax.ShapeDtypeStruct((HALF, 1), jnp.int32),
            jax.ShapeDtypeStruct((1, HALF), jnp.int32),
        ],
    )(x, xs, xv, g, b, w2, b2, cb, cn_row)


def _gather_zq(cb_padded, idx_row):
    n = idx_row.shape[1]

    @pl.kernel(out_type=jax.ShapeDtypeStruct((n, 2 * CODE), jnp.float32),
               mesh=plsc.VectorSubcoreMesh(core_axis_name="c",
                                           subcore_axis_name="s"))
    def kern(cb_hbm, i_hbm, o_hbm):
        def body(i_vmem, o_vmem):
            pltpu.sync_copy(cb_hbm.at[i_vmem.at[0]], o_vmem)

        pltpu.emit_pipeline(
            body,
            grid=(n // GW,),
            in_specs=[pl.BlockSpec((1, GW), index_map=lambda i: (0, i))],
            out_specs=[pl.BlockSpec((GW, 2 * CODE),
                                    index_map=lambda i: (i, 0))],
            core_axis_name=("c", "s"),
            dimension_semantics=(pltpu.PARALLEL,),
        )(i_hbm, o_hbm)

    return kern(cb_padded, idx_row)


def _dec1_body(zqp_ref, w_ref, y_ref, s_ref, q_ref, zq_ref):
    i = pl.program_id(0)
    zq = zqp_ref[:, :CODE]
    zq_ref[...] = zq
    y = _mm(zq, w_ref[...])
    y_ref[...] = y

    @pl.when(i == 0)
    def _():
        s_ref[...] = jnp.zeros_like(s_ref)
        q_ref[...] = jnp.zeros_like(q_ref)

    s_ref[...] += jnp.sum(y, axis=0, keepdims=True)
    q_ref[...] += jnp.sum(y * y, axis=0, keepdims=True)


def _decode1(zqp, w):
    n = zqp.shape[0]
    return pl.pallas_call(
        _dec1_body,
        grid=(n // TM4,),
        in_specs=[
            pl.BlockSpec((TM4, 2 * CODE), lambda i: (i, 0)),
            pl.BlockSpec((FC, CODE), lambda i: (0, 0)),
        ],
        out_specs=[
            pl.BlockSpec((TM4, FC), lambda i: (i, 0)),
            pl.BlockSpec((1, FC), lambda i: (0, 0)),
            pl.BlockSpec((1, FC), lambda i: (0, 0)),
            pl.BlockSpec((TM4, CODE), lambda i: (i, 0)),
        ],
        out_shape=[
            jax.ShapeDtypeStruct((n, FC), jnp.float32),
            jax.ShapeDtypeStruct((1, FC), jnp.float32),
            jax.ShapeDtypeStruct((1, FC), jnp.float32),
            jax.ShapeDtypeStruct((n, CODE), jnp.float32),
        ],
    )(zqp, w)


_H5 = HALF // TM5


def _dec2_body(y0_ref, y1_ref, s0_ref, q0_ref, s1_ref, q1_ref, g_ref, b_ref,
               w_ref, b2_ref, o_ref):
    i = pl.program_id(0)
    y = jnp.where(i < _H5, y0_ref[...], y1_ref[...])
    mean = (s0_ref[...] + s1_ref[...]) * _INV_B
    var = (q0_ref[...] + q1_ref[...]) * _INV_B - mean * mean
    yn = g_ref[...] * (y - mean) * jax.lax.rsqrt(var + 1e-5) + b_ref[...]
    yn = jnp.where(yn >= 0, yn, 0.01 * yn)
    o_ref[...] = _mm(yn, w_ref[...]) + b2_ref[...]


def _decode2(y0, y1, s0, q0, s1, q1, g, b, w, b2):
    return pl.pallas_call(
        _dec2_body,
        grid=(BATCH // TM5,),
        in_specs=[
            pl.BlockSpec((TM5, FC), lambda i: (jnp.minimum(i, _H5 - 1), 0)),
            pl.BlockSpec((TM5, FC), lambda i: (jnp.maximum(i - _H5, 0), 0)),
            pl.BlockSpec((1, FC), lambda i: (0, 0)),
            pl.BlockSpec((1, FC), lambda i: (0, 0)),
            pl.BlockSpec((1, FC), lambda i: (0, 0)),
            pl.BlockSpec((1, FC), lambda i: (0, 0)),
            pl.BlockSpec((1, FC), lambda i: (0, 0)),
            pl.BlockSpec((1, FC), lambda i: (0, 0)),
            pl.BlockSpec((HIDDEN, FC), lambda i: (0, 0)),
            pl.BlockSpec((1, HIDDEN), lambda i: (0, 0)),
        ],
        out_specs=pl.BlockSpec((TM5, HIDDEN), lambda i: (i, 0)),
        out_shape=jax.ShapeDtypeStruct((BATCH, HIDDEN), jnp.float32),
    )(y0, y1, s0, q0, s1, q1, g, b, w, b2)


def kernel(h, W_e1, g_e1, be_e1, W_e2, b_e2, W_d1, g_d1, be_d1, W_d2, b_d2,
           codebook):
    x, xs, cn_col, cbp = _encode1(h, W_e1, codebook)
    xv = _var_pass(x, xs)
    cn_row = cn_col.reshape(1, -1)
    g1, b1 = g_e1.reshape(1, -1), be_e1.reshape(1, -1)
    b2r = b_e2.reshape(1, -1)
    ze0, idx0, idxrow0 = _encode2(x, xs, xv, g1, b1, W_e2, b2r, codebook,
                                  cn_row, 0)
    zqp0 = _gather_zq(cbp, idxrow0)
    ze1, idx1, idxrow1 = _encode2(x, xs, xv, g1, b1, W_e2, b2r, codebook,
                                  cn_row, 1)
    zqp1 = _gather_zq(cbp, idxrow1)
    y0, s0, q0, zq0 = _decode1(zqp0, W_d1)
    y1, s1, q1, zq1 = _decode1(zqp1, W_d1)
    h_recon = _decode2(y0, y1, s0, q0, s1, q1, g_d1.reshape(1, -1),
                       be_d1.reshape(1, -1), W_d2, b_d2.reshape(1, -1))
    ze = jnp.concatenate([ze0, ze1], axis=0)
    zq = jnp.concatenate([zq0, zq1], axis=0)
    idx = jnp.concatenate([idx0, idx1], axis=0).reshape(-1)
    return ze, zq, h_recon, idx

# --- scband reference (transcript-rebuilt; emitter-appended) ---
"""Pipeline reference for scband-hidden-state-discretizer-48919677501656 (READ-ONLY COPY).

The authoritative reference and input builder live on the scoring server;
editing this copy changes nothing except your own understanding.
"""

import jax, jax.numpy as jnp
import numpy as np

HIDDEN_DIM = 2048
CODE_DIM = 64
CODEBOOK_SIZE = 8192
FC_DIM = 512
BATCH = 8192


def _batch_norm(x, gamma, beta, eps=1e-5):
    # BatchNorm1d in training mode: normalize with batch statistics (biased var)
    mean = jnp.mean(x, axis=0, keepdims=True)
    var = jnp.var(x, axis=0, keepdims=True)
    return gamma * (x - mean) * jax.lax.rsqrt(var + eps) + beta


def setup_inputs(seed: int = 0) -> dict:
    key = jax.random.key(seed)
    ks = jax.random.split(key, 16)
    h = jax.random.normal(ks[0], (BATCH, HIDDEN_DIM), dtype=jnp.float32)
    # kaiming_uniform_(a=sqrt(3)) -> bound = sqrt(6 / ((1 + 3) * fan_in)) = sqrt(1.5 / fan_in)
    def ku(k, shape, fan_in):
        b = np.sqrt(1.5 / fan_in)
        return jax.random.uniform(k, shape, minval=-b, maxval=b, dtype=jnp.float32)
    def bias(k, shape, fan_in):
        b = 1.0 / np.sqrt(fan_in)
        return jax.random.uniform(k, shape, minval=-b, maxval=b, dtype=jnp.float32)
    # encoder: Linear(hidden->fc, no bias) + BN + LeakyReLU, Linear(fc->code_dim)
    W_e1 = ku(ks[1], (FC_DIM, HIDDEN_DIM), HIDDEN_DIM)
    g_e1 = jnp.ones((FC_DIM,), dtype=jnp.float32)
    be_e1 = jnp.zeros((FC_DIM,), dtype=jnp.float32)
    W_e2 = ku(ks[2], (CODE_DIM, FC_DIM), FC_DIM)
    b_e2 = bias(ks[3], (CODE_DIM,), FC_DIM)
    # decoder: Linear(code_dim->fc, no bias) + BN + LeakyReLU, Linear(fc->hidden)
    W_d1 = ku(ks[4], (FC_DIM, CODE_DIM), CODE_DIM)
    g_d1 = jnp.ones((FC_DIM,), dtype=jnp.float32)
    be_d1 = jnp.zeros((FC_DIM,), dtype=jnp.float32)
    W_d2 = ku(ks[5], (HIDDEN_DIM, FC_DIM), FC_DIM)
    b_d2 = bias(ks[6], (HIDDEN_DIM,), FC_DIM)
    codebook = jax.random.normal(ks[7], (CODEBOOK_SIZE, CODE_DIM), dtype=jnp.float32)
    return {"h": h, "W_e1": W_e1, "g_e1": g_e1, "be_e1": be_e1, "W_e2": W_e2, "b_e2": b_e2,
            "W_d1": W_d1, "g_d1": g_d1, "be_d1": be_d1, "W_d2": W_d2, "b_d2": b_d2,
            "codebook": codebook}


def reference(h, W_e1, g_e1, be_e1, W_e2, b_e2, W_d1, g_d1, be_d1, W_d2, b_d2, codebook):
    # encoder
    x = h @ W_e1.T
    x = _batch_norm(x, g_e1, be_e1)
    x = jax.nn.leaky_relu(x, 0.01)
    z_e = x @ W_e2.T + b_e2
    # NearestEmbed: nearest codebook vector by L2 distance
    d = (jnp.sum(z_e * z_e, axis=1, keepdims=True)
         - 2.0 * (z_e @ codebook.T)
         + jnp.sum(codebook * codebook, axis=1)[None, :])
    code_indices = jnp.argmin(d, axis=1)
    z_q_nn = jnp.take(codebook, code_indices, axis=0)
    # straight-through estimator: z_q = z_e + (z_q - z_e).detach()
    z_q = z_e + jax.lax.stop_gradient(z_q_nn - z_e)
    # decoder
    y = z_q @ W_d1.T
    y = _batch_norm(y, g_d1, be_d1)
    y = jax.nn.leaky_relu(y, 0.01)
    h_recon = y @ W_d2.T + b_d2
    return (z_e, z_q, h_recon, code_indices)

if __name__ == "__main__":
    import jax
    _d = setup_inputs()
    print(jax.jit(kernel)(*tuple(_d.values())))

</pallas_src>

<mosaic_0001>
#map = affine_map<(d0, d1) -> (0, 0)>
module attributes {stable_mosaic.version = 14 : i64} {
  func.func @kern(%arg0: i32, %arg1: i32, %arg2: memref<8192x128xf32, #tpu.memory_space<hbm>>, %arg3: memref<1x4096xi32, #tpu.memory_space<hbm>>, %arg4: memref<4096x128xf32, #tpu.memory_space<hbm>>) attributes {dimension_semantics = [#tpu.dimension_semantics<core_parallel>, #tpu.dimension_semantics<subcore_parallel>], iteration_bounds = array<i64: 2, 16>, scalar_prefetch = 0 : i64, scratch_operands = 0 : i64, tpu.core_type = #tpu.core_type<sc_vector_subcore>, window_params = [{transform_indices = #map}, {transform_indices = #map}, {transform_indices = #map}]} {
    %mul3A = arith.constant 1 : i32
    %mul3A_0 = arith.muli %arg1, %mul3A : i32
    %add3A = arith.constant 0 : i32
    %add3A_1 = arith.addi %add3A, %mul3A_0 : i32
    %mul3A_2 = arith.constant 16 : i32
    %mul3A_3 = arith.muli %arg0, %mul3A_2 : i32
    %add3A_4 = arith.addi %add3A_1, %mul3A_3 : i32
    %lt3A = arith.constant 16 : i32
    %lt3A_5 = arith.cmpi slt, %add3A_4, %lt3A : i32
    %jit3A = arith.constant 1 : i32
    %jit3A_6 = arith.constant 0 : i32
    %select_n3A = arith.select %lt3A_5, %jit3A, %jit3A_6 : i32
    %lt3A_7 = arith.constant 16 : i32
    %lt3A_8 = arith.cmpi slt, %add3A_4, %lt3A_7 : i32
    %mul3A_9 = arith.muli %add3A_4, %select_n3A : i32
    %mul3A_10 = arith.constant 0 : i32
    %mul3A_11 = arith.muli %add3A_4, %mul3A_10 : i32
    %add3A_12 = arith.constant 16 : i32
    %add3A_13 = arith.addi %mul3A_11, %add3A_12 : i32
    %select_n3A_14 = arith.select %lt3A_8, %mul3A_9, %add3A_13 : i32
    %mul3A_15 = arith.constant 1 : i32
    %mul3A_16 = arith.muli %mul3A_15, %select_n3A : i32
    "tpu.region"() ({
      %run_scoped3A = memref.alloca() : memref<2x1x256xi32, #tpu.memory_space<vmem>>
      %run_scoped3A_17 = tpu.sem_alloc : memref<2x!tpu.dma_semaphore, #tpu.memory_space<semaphore_mem>>
      %run_scoped3A_18 = memref.alloca() : memref<2x256x128xf32, #tpu.memory_space<vmem>>
      %run_scoped3A_19 = tpu.sem_alloc : memref<2x!tpu.dma_semaphore, #tpu.memory_space<semaphore_mem>>
      %gt3A = arith.constant 0 : i32
      %gt3A_20 = arith.cmpi sgt, %mul3A_16, %gt3A : i32
      %convert_element_type3A = arith.extui %gt3A_20 : i1 to i32
      %cond3A = arith.constant 0 : i32
      %cond3A_21 = arith.cmpi ne, %convert_element_type3A, %cond3A : i32
      scf.if %cond3A_21 {
        %mul3A_22 = arith.constant 1 : i32
        %mul3A_23 = arith.muli %mul3A_22, %select_n3A : i32
        %sub3A = arith.constant 1 : i32
        %sub3A_24 = arith.subi %mul3A_23, %sub3A : i32
        %eq3A = arith.constant 0 : i32
        %eq3A_25 = arith.cmpi eq, %sub3A_24, %eq3A : i32
        %add3A_26 = arith.constant 0 : i32
        %add3A_27 = arith.addi %add3A_26, %select_n3A_14 : i32
        %select_n3A_28 = arith.constant true
        %select_n3A_29 = arith.constant 0 : i32
        %select_n3A_30 = arith.constant -1 : i32
        %select_n3A_31 = arith.select %select_n3A_28, %select_n3A_30, %select_n3A_29 : i32
        %eq3A_32 = arith.constant -1 : i32
        %eq3A_33 = arith.cmpi eq, %select_n3A_31, %eq3A_32 : i32
        %sub3A_34 = arith.constant 1 : i32
        %sub3A_35 = arith.subi %select_n3A, %sub3A_34 : i32
        %select_n3A_36 = arith.select %eq3A_33, %sub3A_35, %select_n3A_31 : i32
        %add3A_37 = arith.addi %select_n3A_36, %select_n3A_14 : i32
        %select_n3A_38 = arith.constant true
        %select_n3A_39 = arith.constant 0 : i32
        %select_n3A_40 = arith.constant 1 : i32
        %select_n3A_41 = arith.select %select_n3A_38, %select_n3A_40, %select_n3A_39 : i32
        %eq3A_42 = arith.cmpi eq, %select_n3A_41, %select_n3A : i32
        %select_n3A_43 = arith.constant 0 : i32
        %select_n3A_44 = arith.select %eq3A_42, %select_n3A_43, %select_n3A_41 : i32
        %add3A_45 = arith.addi %select_n3A_44, %select_n3A_14 : i32
        %add3A_46 = arith.constant 1 : i32
        %add3A_47 = arith.addi %select_n3A_44, %add3A_46 : i32
        %select_n3A_48 = arith.constant true
        %select_n3A_49 = arith.select %select_n3A_48, %add3A_47, %select_n3A_44 : i32
        %eq3A_50 = arith.cmpi eq, %select_n3A_49, %select_n3A : i32
        %select_n3A_51 = arith.constant 0 : i32
        %select_n3A_52 = arith.select %eq3A_50, %select_n3A_51, %select_n3A_49 : i32
        %add3A_53 = arith.addi %select_n3A_52, %select_n3A_14 : i32
        "tpu.trace_start"() <{level = 10 : i32, message = "ep_initialize_0"}> : () -> ()
        %rem3A = arith.constant 0 : i32
        %rem3A_54 = arith.constant 2 : i32
        %rem3A_55 = arith.remui %rem3A, %rem3A_54 : i32
        %mul3A_56 = arith.constant 256 : i32
        %mul3A_57 = arith.muli %mul3A_56, %add3A_27 : i32
        %dma_start3A = arith.constant 0 : i32
        %dma_start3A_58 = arith.constant 0 : i32
        %dma_start3A_59 = tpu.memref_slice %run_scoped3A[%rem3A_55, %dma_start3A, %dma_start3A_58] : memref<2x1x256xi32, #tpu.memory_space<vmem>> -> memref<1x1x256xi32, #tpu.memory_space<vmem>>
        %dma_start3A_60 = tpu.memref_squeeze %dma_start3A_59 : memref<1x1x256xi32, #tpu.memory_space<vmem>> -> memref<1x256xi32, #tpu.memory_space<vmem>>
        %dma_start3A_61 = arith.constant 0 : i32
        %dma_start3A_62 = tpu.memref_slice %arg3[%dma_start3A_61, %mul3A_57] : memref<1x4096xi32, #tpu.memory_space<hbm>> -> memref<1x256xi32, #tpu.memory_space<hbm>>
        %dma_start3A_63 = tpu.memref_slice %run_scoped3A_17[%rem3A_55] : memref<2x!tpu.dma_semaphore, #tpu.memory_space<semaphore_mem>> -> memref<1x!tpu.dma_semaphore, #tpu.memory_space<semaphore_mem>>
        %dma_start3A_64 = tpu.memref_squeeze %dma_start3A_63 : memref<1x!tpu.dma_semaphore, #tpu.memory_space<semaphore_mem>> -> memref<!tpu.dma_semaphore, #tpu.memory_space<semaphore_mem>>
        %dma_start3A_65 = arith.constant 0 : i32
        %dma_start3A_66 = arith.constant 0 : i32
        %dma_start3A_67 = tpu.memref_slice %run_scoped3A[%rem3A_55, %dma_start3A_65, %dma_start3A_66] : memref<2x1x256xi32, #tpu.memory_space<vmem>> -> memref<1x1x256xi32, #tpu.memory_space<vmem>>
        %dma_start3A_68 = tpu.memref_squeeze %dma_start3A_67 : memref<1x1x256xi32, #tpu.memory_space<vmem>> -> memref<1x256xi32, #tpu.memory_space<vmem>>
        %dma_start3A_69 = arith.constant 0 : i32
        %dma_start3A_70 = tpu.memref_slice %arg3[%dma_start3A_69, %mul3A_57] : memref<1x4096xi32, #tpu.memory_space<hbm>> -> memref<1x256xi32, #tpu.memory_space<hbm>>
        tpu.enqueue_dma source(%dma_start3A_70 : memref<1x256xi32, #tpu.memory_space<hbm>>) target(%dma_start3A_68 : memref<1x256xi32, #tpu.memory_space<vmem>>) target_semaphore(%dma_start3A_64 : memref<!tpu.dma_semaphore, #tpu.memory_space<semaphore_mem>>)
        %add3A_71 = arith.constant 0 : i32
        %add3A_72 = arith.constant 1 : i32
        %add3A_73 = arith.addi %add3A_71, %add3A_72 : i32
        %select_n3A_74 = arith.constant true
        %select_n3A_75 = arith.constant 0 : i32
        %select_n3A_76 = arith.select %select_n3A_74, %add3A_73, %select_n3A_75 : i32
        %while3A = arith.constant 0 : i32
        %while3A_77 = arith.constant 0 : i32
        %while3A_78 = arith.constant 0 : i32
        %while3A_79 = arith.constant 0 : i32
        %while3A_80 = arith.constant 0 : i32
        "tpu.trace_stop"() : () -> ()
        %while3A_81 = arith.subi %mul3A_16, %while3A : i32
        %while3A_82 = arith.addi %while3A, %while3A_81 : i32
        %while3A_83 = arith.constant 1 : i32
        %while3A_84 = arith.divsi %while3A_81, %while3A_83 : i32
        %while3A_85 = arith.muli %while3A_84, %while3A_83 : i32
        %while3A_86 = arith.addi %while3A, %while3A_85 : i32
        %while3A_87 = arith.constant 1 : i32
        %while3A_88:5 = scf.for %while3A_142 = %while3A to %while3A_86 step %while3A_87 iter_args(%while3A_143 = %select_n3A_76, %while3A_144 = %while3A_77, %while3A_145 = %while3A_78, %while3A_146 = %while3A_79, %while3A_147 = %while3A_80) -> (i32, i32, i32, i32, i32)  : i32 {
          %mul3A_148 = arith.constant 1 : i32
          %mul3A_149 = arith.muli %mul3A_148, %select_n3A : i32
          %eq3A_150 = arith.constant 0 : i32
          %eq3A_151 = arith.cmpi eq, %while3A_142, %eq3A_150 : i32
          %sub3A_152 = arith.constant 1 : i32
          %sub3A_153 = arith.subi %mul3A_149, %sub3A_152 : i32
          %eq3A_154 = arith.cmpi eq, %while3A_142, %sub3A_153 : i32
          %add3A_155 = arith.addi %while3A_147, %select_n3A_14 : i32
          %sub3A_156 = arith.constant 1 : i32
          %sub3A_157 = arith.subi %while3A_147, %sub3A_156 : i32
          %select_n3A_158 = arith.constant true
          %select_n3A_159 = arith.select %select_n3A_158, %sub3A_157, %while3A_147 : i32
          %eq3A_160 = arith.constant -1 : i32
          %eq3A_161 = arith.cmpi eq, %select_n3A_159, %eq3A_160 : i32
          %sub3A_162 = arith.constant 1 : i32
          %sub3A_163 = arith.subi %select_n3A, %sub3A_162 : i32
          %select_n3A_164 = arith.select %eq3A_161, %sub3A_163, %select_n3A_159 : i32
          %add3A_165 = arith.addi %select_n3A_164, %select_n3A_14 : i32
          %add3A_166 = arith.constant 1 : i32
          %add3A_167 = arith.addi %while3A_147, %add3A_166 : i32
          %select_n3A_168 = arith.constant true
          %select_n3A_169 = arith.select %select_n3A_168, %add3A_167, %while3A_147 : i32
          %eq3A_170 = arith.cmpi eq, %select_n3A_169, %select_n3A : i32
          %select_n3A_171 = arith.constant 0 : i32
          %select_n3A_172 = arith.select %eq3A_170, %select_n3A_171, %select_n3A_169 : i32
          %add3A_173 = arith.addi %select_n3A_172, %select_n3A_14 : i32
          %add3A_174 = arith.constant 1 : i32
          %add3A_175 = arith.addi %select_n3A_172, %add3A_174 : i32
          %select_n3A_176 = arith.constant true
          %select_n3A_177 = arith.select %select_n3A_176, %add3A_175, %select_n3A_172 : i32
          %eq3A_178 = arith.cmpi eq, %select_n3A_177, %select_n3A : i32
          %select_n3A_179 = arith.constant 0 : i32
          %select_n3A_180 = arith.select %eq3A_178, %select_n3A_179, %select_n3A_177 : i32
          %add3A_181 = arith.addi %select_n3A_180, %select_n3A_14 : i32
          %ne3A = arith.cmpi ne, %add3A_155, %add3A_173 : i32
          %or3A = arith.constant false
          %or3A_182 = arith.ori %or3A, %ne3A : i1
          %sub3A_183 = arith.constant 2 : i32
          %sub3A_184 = arith.subi %mul3A_149, %sub3A_183 : i32
          %add3A_185 = arith.constant 1 : i32
          %add3A_186 = arith.addi %sub3A_184, %add3A_185 : i32
          %ge3A = arith.cmpi sge, %while3A_142, %add3A_186 : i32
          %not3A = arith.constant true
          %not3A_187 = arith.xori %ge3A, %not3A : i1
          %and3A = arith.andi %or3A_182, %not3A_187 : i1
          %convert_element_type3A_188 = arith.extui %and3A : i1 to i32
          %cond3A_189 = arith.constant 0 : i32
          %cond3A_190 = arith.cmpi ne, %convert_element_type3A_188, %cond3A_189 : i32
          scf.if %cond3A_190 {
            "tpu.trace_start"() <{level = 10 : i32, message = "ep_copy_in"}> : () -> ()
            %rem3A_294 = arith.constant 2 : i32
            %rem3A_295 = arith.remui %while3A_143, %rem3A_294 : i32
            %mul3A_296 = arith.constant 256 : i32
            %mul3A_297 = arith.muli %mul3A_296, %add3A_173 : i32
            %dma_start3A_298 = arith.constant 0 : i32
            %dma_start3A_299 = arith.constant 0 : i32
            %dma_start3A_300 = tpu.memref_slice %run_scoped3A[%rem3A_295, %dma_start3A_298, %dma_start3A_299] : memref<2x1x256xi32, #tpu.memory_space<vmem>> -> memref<1x1x256xi32, #tpu.memory_space<vmem>>
            %dma_start3A_301 = tpu.memref_squeeze %dma_start3A_300 : memref<1x1x256xi32, #tpu.memory_space<vmem>> -> memref<1x256xi32, #tpu.memory_space<vmem>>
            %dma_start3A_302 = arith.constant 0 : i32
            %dma_start3A_303 = tpu.memref_slice %arg3[%dma_start3A_302, %mul3A_297] : memref<1x4096xi32, #tpu.memory_space<hbm>> -> memref<1x256xi32, #tpu.memory_space<hbm>>
            %dma_start3A_304 = tpu.memref_slice %run_scoped3A_17[%rem3A_295] : memref<2x!tpu.dma_semaphore, #tpu.memory_space<semaphore_mem>> -> memref<1x!tpu.dma_semaphore, #tpu.memory_space<semaphore_mem>>
            %dma_start3A_305 = tpu.memref_squeeze %dma_start3A_304 : memref<1x!tpu.dma_semaphore, #tpu.memory_space<semaphore_mem>> -> memref<!tpu.dma_semaphore, #tpu.memory_space<semaphore_mem>>
            %dma_start3A_306 = arith.constant 0 : i32
            %dma_start3A_307 = arith.constant 0 : i32
            %dma_start3A_308 = tpu.memref_slice %run_scoped3A[%rem3A_295, %dma_start3A_306, %dma_start3A_307] : memref<2x1x256xi32, #tpu.memory_space<vmem>> -> memref<1x1x256xi32, #tpu.memory_space<vmem>>
            %dma_start3A_309 = tpu.memref_squeeze %dma_start3A_308 : memref<1x1x256xi32, #tpu.memory_space<vmem>> -> memref<1x256xi32, #tpu.memory_space<vmem>>
            %dma_start3A_310 = arith.constant 0 : i32
            %dma_start3A_311 = tpu.memref_slice %arg3[%dma_start3A_310, %mul3A_297] : memref<1x4096xi32, #tpu.memory_space<hbm>> -> memref<1x256xi32, #tpu.memory_space<hbm>>
            tpu.enqueue_dma source(%dma_start3A_311 : memref<1x256xi32, #tpu.memory_space<hbm>>) target(%dma_start3A_309 : memref<1x256xi32, #tpu.memory_space<vmem>>) target_semaphore(%dma_start3A_305 : memref<!tpu.dma_semaphore, #tpu.memory_space<semaphore_mem>>)
            "tpu.trace_stop"() : () -> ()
          } else {
          }
          %and3A_191 = arith.constant true
          %and3A_192 = arith.andi %and3A, %and3A_191 : i1
          %add3A_193 = arith.constant 1 : i32
          %add3A_194 = arith.addi %while3A_143, %add3A_193 : i32
          %select_n3A_195 = arith.select %and3A_192, %add3A_194, %while3A_143 : i32
          %ne3A_196 = arith.cmpi ne, %add3A_155, %add3A_173 : i32
          %or3A_197 = arith.constant false
          %or3A_198 = arith.ori %or3A_197, %ne3A_196 : i1
          %or3A_199 = arith.constant false
          %or3A_200 = arith.ori %or3A_198, %or3A_199 : i1
          %sub3A_201 = arith.constant 2 : i32
          %sub3A_202 = arith.subi %mul3A_149, %sub3A_201 : i32
          %add3A_203 = arith.constant 1 : i32
          %add3A_204 = arith.addi %sub3A_202, %add3A_203 : i32
          %ge3A_205 = arith.cmpi sge, %while3A_142, %add3A_204 : i32
          %not3A_206 = arith.constant true
          %not3A_207 = arith.xori %ge3A_205, %not3A_206 : i1
          %and3A_208 = arith.andi %or3A_200, %not3A_207 : i1
          %ne3A_209 = arith.cmpi ne, %add3A_155, %add3A_165 : i32
          %or3A_210 = arith.constant false
          %or3A_211 = arith.ori %or3A_210, %ne3A_209 : i1
          %or3A_212 = arith.ori %or3A_211, %eq3A_151 : i1
          %convert_element_type3A_213 = arith.extui %or3A_212 : i1 to i32
          %cond3A_214 = arith.constant 0 : i32
          %cond3A_215 = arith.cmpi ne, %convert_element_type3A_213, %cond3A_214 : i32
          scf.if %cond3A_215 {
            "tpu.trace_start"() <{level = 10 : i32, message = "ep_wait_in"}> : () -> ()
            %mul3A_294 = arith.constant 256 : i32
            %mul3A_295 = arith.muli %mul3A_294, %add3A_155 : i32
            %rem3A_296 = arith.constant 2 : i32
            %rem3A_297 = arith.remui %while3A_144, %rem3A_296 : i32
            %dma_wait3A = arith.constant 0 : i32
            %dma_wait3A_298 = arith.constant 0 : i32
            %dma_wait3A_299 = tpu.memref_slice %run_scoped3A[%rem3A_297, %dma_wait3A, %dma_wait3A_298] : memref<2x1x256xi32, #tpu.memory_space<vmem>> -> memref<1x1x256xi32, #tpu.memory_space<vmem>>
            %dma_wait3A_300 = tpu.memref_squeeze %dma_wait3A_299 : memref<1x1x256xi32, #tpu.memory_space<vmem>> -> memref<1x256xi32, #tpu.memory_space<vmem>>
            %dma_wait3A_301 = arith.constant 0 : i32
            %dma_wait3A_302 = tpu.memref_slice %arg3[%dma_wait3A_301, %mul3A_295] : memref<1x4096xi32, #tpu.memory_space<hbm>> -> memref<1x256xi32, #tpu.memory_space<hbm>>
            %dma_wait3A_303 = tpu.memref_slice %run_scoped3A_17[%rem3A_297] : memref<2x!tpu.dma_semaphore, #tpu.memory_space<semaphore_mem>> -> memref<1x!tpu.dma_semaphore, #tpu.memory_space<semaphore_mem>>
            %dma_wait3A_304 = tpu.memref_squeeze %dma_wait3A_303 : memref<1x!tpu.dma_semaphore, #tpu.memory_space<semaphore_mem>> -> memref<!tpu.dma_semaphore, #tpu.memory_space<semaphore_mem>>
            %dma_wait3A_305 = arith.constant 0 : i32
            %dma_wait3A_306 = arith.constant 0 : i32
            %dma_wait3A_307 = tpu.memref_slice %run_scoped3A[%rem3A_297, %dma_wait3A_305, %dma_wait3A_306] : memref<2x1x256xi32, #tpu.memory_space<vmem>> -> memref<1x1x256xi32, #tpu.memory_space<vmem>>
            %dma_wait3A_308 = tpu.memref_squeeze %dma_wait3A_307 : memref<1x1x256xi32, #tpu.memory_space<vmem>> -> memref<1x256xi32, #tpu.memory_space<vmem>>
            %dma_wait3A_309 = arith.constant 0 : i32
            %dma_wait3A_310 = tpu.memref_slice %arg3[%dma_wait3A_309, %mul3A_295] : memref<1x4096xi32, #tpu.memory_space<hbm>> -> memref<1x256xi32, #tpu.memory_space<hbm>>
            tpu.wait_dma2 semaphore(%dma_wait3A_304 : memref<!tpu.dma_semaphore, #tpu.memory_space<semaphore_mem>>) src(%dma_wait3A_310 : memref<1x256xi32, #tpu.memory_space<hbm>>) dst(%dma_wait3A_308 : memref<1x256xi32, #tpu.memory_space<vmem>>)
            "tpu.trace_stop"() : () -> ()
          } else {
          }
          %ne3A_216 = arith.cmpi ne, %add3A_155, %add3A_165 : i32
          %or3A_217 = arith.constant false
          %or3A_218 = arith.ori %or3A_217, %ne3A_216 : i1
          %or3A_219 = arith.constant false
          %or3A_220 = arith.ori %or3A_218, %or3A_219 : i1
          %or3A_221 = arith.ori %or3A_220, %eq3A_151 : i1
          %convert_element_type3A_222 = arith.extui %or3A_221 : i1 to i32
          %cond3A_223 = arith.constant 0 : i32
          %cond3A_224 = arith.cmpi ne, %convert_element_type3A_222, %cond3A_223 : i32
          scf.if %cond3A_224 {
          } else {
          }
          %rem3A_225 = arith.constant 2 : i32
          %rem3A_226 = arith.remui %while3A_144, %rem3A_225 : i32
          %rem3A_227 = arith.constant 2 : i32
          %rem3A_228 = arith.remui %while3A_145, %rem3A_227 : i32
          %run_scoped3A_229 = arith.constant 0 : i32
          "tpu.trace_start"() <{level = 10 : i32, message = "ep_run_kernel"}> : () -> ()
          "tpu.region"() ({
            %run_scoped3A_294 = tpu.sem_alloc : memref<!tpu.dma_semaphore, #tpu.memory_space<semaphore_mem>>
            %dma_start3A_295 = arith.constant 0 : i32
            %dma_start3A_296 = arith.constant 0 : i32
            %dma_start3A_297 = tpu.memref_slice %run_scoped3A_18[%rem3A_228, %dma_start3A_295, %dma_start3A_296] : memref<2x256x128xf32, #tpu.memory_space<vmem>> -> memref<1x256x128xf32, #tpu.memory_space<vmem>>
            %dma_start3A_298 = tpu.memref_squeeze %dma_start3A_297 : memref<1x256x128xf32, #tpu.memory_space<vmem>> -> memref<256x128xf32, #tpu.memory_space<vmem>>
            %dma_start3A_299 = arith.constant 0 : i32
            %dma_start3A_300 = arith.constant 0 : i32
            %dma_start3A_301 = tpu.memref_slice %run_scoped3A[%rem3A_226, %dma_start3A_299, %dma_start3A_300] : memref<2x1x256xi32, #tpu.memory_space<vmem>> -> memref<1x1x256xi32, #tpu.memory_space<vmem>>
            %dma_start3A_302 = tpu.memref_squeeze %dma_start3A_301 : memref<1x1x256xi32, #tpu.memory_space<vmem>> -> memref<1x256xi32, #tpu.memory_space<vmem>>
            %dma_start3A_303 = arith.constant 0 : i32
            %dma_start3A_304 = tpu.memref_slice %dma_start3A_302[%run_scoped3A_229, %dma_start3A_303] : memref<1x256xi32, #tpu.memory_space<vmem>> -> memref<1x256xi32, #tpu.memory_space<vmem>>
            %dma_start3A_305 = tpu.memref_squeeze %dma_start3A_304 : memref<1x256xi32, #tpu.memory_space<vmem>> -> memref<256xi32, #tpu.memory_space<vmem>>
            %dma_start3A_306 = arith.constant 0 : i32
            %dma_start3A_307 = arith.constant 0 : i32
            %dma_start3A_308 = tpu.memref_slice %arg2[%dma_start3A_306, %dma_start3A_307] : memref<8192x128xf32, #tpu.memory_space<hbm>> -> memref<8192x128xf32, #tpu.memory_space<hbm>>
            tpu.enqueue_indirect_dma source(%dma_start3A_308 : memref<8192x128xf32, #tpu.memory_space<hbm>>) target(%dma_start3A_298 : memref<256x128xf32, #tpu.memory_space<vmem>>) offsets(%dma_start3A_305 : memref<256xi32, #tpu.memory_space<vmem>>) semaphore(%run_scoped3A_294 : memref<!tpu.dma_semaphore, #tpu.memory_space<semaphore_mem>>)
            %dma_wait3A = arith.constant 0 : i32
            %dma_wait3A_309 = arith.constant 0 : i32
            %dma_wait3A_310 = tpu.memref_slice %run_scoped3A_18[%rem3A_228, %dma_wait3A, %dma_wait3A_309] : memref<2x256x128xf32, #tpu.memory_space<vmem>> -> memref<1x256x128xf32, #tpu.memory_space<vmem>>
            %dma_wait3A_311 = tpu.memref_squeeze %dma_wait3A_310 : memref<1x256x128xf32, #tpu.memory_space<vmem>> -> memref<256x128xf32, #tpu.memory_space<vmem>>
            %dma_wait3A_312 = arith.constant 0 : i32
            %dma_wait3A_313 = arith.constant 0 : i32
            %dma_wait3A_314 = tpu.memref_slice %run_scoped3A[%rem3A_226, %dma_wait3A_312, %dma_wait3A_313] : memref<2x1x256xi32, #tpu.memory_space<vmem>> -> memref<1x1x256xi32, #tpu.memory_space<vmem>>
            %dma_wait3A_315 = tpu.memref_squeeze %dma_wait3A_314 : memref<1x1x256xi32, #tpu.memory_space<vmem>> -> memref<1x256xi32, #tpu.memory_space<vmem>>
            %dma_wait3A_316 = arith.constant 0 : i32
            %dma_wait3A_317 = tpu.memref_slice %dma_wait3A_315[%run_scoped3A_229, %dma_wait3A_316] : memref<1x256xi32, #tpu.memory_space<vmem>> -> memref<1x256xi32, #tpu.memory_space<vmem>>
            %dma_wait3A_318 = tpu.memref_squeeze %dma_wait3A_317 : memref<1x256xi32, #tpu.memory_space<vmem>> -> memref<256xi32, #tpu.memory_space<vmem>>
            %dma_wait3A_319 = arith.constant 0 : i32
            %dma_wait3A_320 = arith.constant 0 : i32
            %dma_wait3A_321 = tpu.memref_slice %arg2[%dma_wait3A_319, %dma_wait3A_320] : memref<8192x128xf32, #tpu.memory_space<hbm>> -> memref<8192x128xf32, #tpu.memory_space<hbm>>
            tpu.wait_indirect_dma semaphore(%run_scoped3A_294 : memref<!tpu.dma_semaphore, #tpu.memory_space<semaphore_mem>>) src(%dma_wait3A_321 : memref<8192x128xf32, #tpu.memory_space<hbm>>) dst(%dma_wait3A_311 : memref<256x128xf32, #tpu.memory_space<vmem>>)
            tpu.yield
          }) : () -> ()
          "tpu.trace_stop"() : () -> ()
          %ne3A_230 = arith.cmpi ne, %add3A_155, %add3A_173 : i32
          %or3A_231 = arith.constant false
          %or3A_232 = arith.ori %or3A_231, %ne3A_230 : i1
          %or3A_233 = arith.ori %or3A_232, %eq3A_154 : i1
          %convert_element_type3A_234 = arith.extui %or3A_233 : i1 to i32
          %cond3A_235 = arith.constant 0 : i32
          %cond3A_236 = arith.cmpi ne, %convert_element_type3A_234, %cond3A_235 : i32
          scf.if %cond3A_236 {
          } else {
          }
          %and3A_237 = arith.constant false
          %and3A_238 = arith.andi %or3A_233, %and3A_237 : i1
          %ne3A_239 = arith.cmpi ne, %add3A_155, %add3A_173 : i32
          %or3A_240 = arith.constant false
          %or3A_241 = arith.ori %or3A_240, %ne3A_239 : i1
          %or3A_242 = arith.constant false
          %or3A_243 = arith.ori %or3A_241, %or3A_242 : i1
          %or3A_244 = arith.ori %or3A_243, %eq3A_154 : i1
          %convert_element_type3A_245 = arith.extui %or3A_244 : i1 to i32
          %cond3A_246 = arith.constant 0 : i32
          %cond3A_247 = arith.cmpi ne, %convert_element_type3A_245, %cond3A_246 : i32
          scf.if %cond3A_247 {
            "tpu.trace_start"() <{level = 10 : i32, message = "ep_copy_out"}> : () -> ()
            %rem3A_294 = arith.constant 2 : i32
            %rem3A_295 = arith.remui %while3A_145, %rem3A_294 : i32
            %mul3A_296 = arith.constant 256 : i32
            %mul3A_297 = arith.muli %mul3A_296, %add3A_155 : i32
            %dma_start3A_298 = arith.constant 0 : i32
            %dma_start3A_299 = arith.constant 0 : i32
            %dma_start3A_300 = tpu.memref_slice %run_scoped3A_18[%rem3A_295, %dma_start3A_298, %dma_start3A_299] : memref<2x256x128xf32, #tpu.memory_space<vmem>> -> memref<1x256x128xf32, #tpu.memory_space<vmem>>
            %dma_start3A_301 = tpu.memref_squeeze %dma_start3A_300 : memref<1x256x128xf32, #tpu.memory_space<vmem>> -> memref<256x128xf32, #tpu.memory_space<vmem>>
            %dma_start3A_302 = arith.constant 0 : i32
            %dma_start3A_303 = tpu.memref_slice %arg4[%mul3A_297, %dma_start3A_302] : memref<4096x128xf32, #tpu.memory_space<hbm>> -> memref<256x128xf32, #tpu.memory_space<hbm>>
            %dma_start3A_304 = tpu.memref_slice %run_scoped3A_19[%rem3A_295] : memref<2x!tpu.dma_semaphore, #tpu.memory_space<semaphore_mem>> -> memref<1x!tpu.dma_semaphore, #tpu.memory_space<semaphore_mem>>
            %dma_start3A_305 = tpu.memref_squeeze %dma_start3A_304 : memref<1x!tpu.dma_semaphore, #tpu.memory_space<semaphore_mem>> -> memref<!tpu.dma_semaphore, #tpu.memory_space<semaphore_mem>>
            %dma_start3A_306 = arith.constant 0 : i32
            %dma_start3A_307 = tpu.memref_slice %arg4[%mul3A_297, %dma_start3A_306] : memref<4096x128xf32, #tpu.memory_space<hbm>> -> memref<256x128xf32, #tpu.memory_space<hbm>>
            %dma_start3A_308 = arith.constant 0 : i32
            %dma_start3A_309 = arith.constant 0 : i32
            %dma_start3A_310 = tpu.memref_slice %run_scoped3A_18[%rem3A_295, %dma_start3A_308, %dma_start3A_309] : memref<2x256x128xf32, #tpu.memory_space<vmem>> -> memref<1x256x128xf32, #tpu.memory_space<vmem>>
            %dma_start3A_311 = tpu.memref_squeeze %dma_start3A_310 : memref<1x256x128xf32, #tpu.memory_space<vmem>> -> memref<256x128xf32, #tpu.memory_space<vmem>>
            tpu.enqueue_dma source(%dma_start3A_311 : memref<256x128xf32, #tpu.memory_space<vmem>>) target(%dma_start3A_307 : memref<256x128xf32, #tpu.memory_space<hbm>>) target_semaphore(%dma_start3A_305 : memref<!tpu.dma_semaphore, #tpu.memory_space<semaphore_mem>>)
            "tpu.trace_stop"() : () -> ()
          } else {
          }
          %and3A_248 = arith.constant true
          %and3A_249 = arith.andi %or3A_244, %and3A_248 : i1
          %add3A_250 = arith.constant 1 : i32
          %add3A_251 = arith.addi %while3A_145, %add3A_250 : i32
          %select_n3A_252 = arith.select %and3A_249, %add3A_251, %while3A_145 : i32
          %ne3A_253 = arith.cmpi ne, %add3A_155, %add3A_165 : i32
          %or3A_254 = arith.constant false
          %or3A_255 = arith.ori %or3A_254, %ne3A_253 : i1
          %not3A_256 = arith.constant true
          %not3A_257 = arith.xori %eq3A_151, %not3A_256 : i1
          %and3A_258 = arith.andi %or3A_255, %not3A_257 : i1
          %convert_element_type3A_259 = arith.extui %and3A_258 : i1 to i32
          %cond3A_260 = arith.constant 0 : i32
          %cond3A_261 = arith.cmpi ne, %convert_element_type3A_259, %cond3A_260 : i32
          scf.if %cond3A_261 {
          } else {
          }
          %and3A_262 = arith.constant false
          %and3A_263 = arith.andi %and3A_258, %and3A_262 : i1
          %ne3A_264 = arith.cmpi ne, %add3A_155, %add3A_165 : i32
          %or3A_265 = arith.constant false
          %or3A_266 = arith.ori %or3A_265, %ne3A_264 : i1
          %or3A_267 = arith.constant false
          %or3A_268 = arith.ori %or3A_266, %or3A_267 : i1
          %not3A_269 = arith.constant true
          %not3A_270 = arith.xori %eq3A_151, %not3A_269 : i1
          %and3A_271 = arith.andi %or3A_268, %not3A_270 : i1
          %convert_element_type3A_272 = arith.extui %and3A_271 : i1 to i32
          %cond3A_273 = arith.constant 0 : i32
          %cond3A_274 = arith.cmpi ne, %convert_element_type3A_272, %cond3A_273 : i32
          scf.if %cond3A_274 {
            "tpu.trace_start"() <{level = 10 : i32, message = "ep_wait_out"}> : () -> ()
            %rem3A_294 = arith.constant 2 : i32
            %rem3A_295 = arith.remui %while3A_146, %rem3A_294 : i32
            %mul3A_296 = arith.constant 256 : i32
            %mul3A_297 = arith.muli %mul3A_296, %add3A_165 : i32
            %dma_wait3A = arith.constant 0 : i32
            %dma_wait3A_298 = arith.constant 0 : i32
            %dma_wait3A_299 = tpu.memref_slice %run_scoped3A_18[%rem3A_295, %dma_wait3A, %dma_wait3A_298] : memref<2x256x128xf32, #tpu.memory_space<vmem>> -> memref<1x256x128xf32, #tpu.memory_space<vmem>>
            %dma_wait3A_300 = tpu.memref_squeeze %dma_wait3A_299 : memref<1x256x128xf32, #tpu.memory_space<vmem>> -> memref<256x128xf32, #tpu.memory_space<vmem>>
            %dma_wait3A_301 = arith.constant 0 : i32
            %dma_wait3A_302 = tpu.memref_slice %arg4[%mul3A_297, %dma_wait3A_301] : memref<4096x128xf32, #tpu.memory_space<hbm>> -> memref<256x128xf32, #tpu.memory_space<hbm>>
            %dma_wait3A_303 = tpu.memref_slice %run_scoped3A_19[%rem3A_295] : memref<2x!tpu.dma_semaphore, #tpu.memory_space<semaphore_mem>> -> memref<1x!tpu.dma_semaphore, #tpu.memory_space<semaphore_mem>>
            %dma_wait3A_304 = tpu.memref_squeeze %dma_wait3A_303 : memref<1x!tpu.dma_semaphore, #tpu.memory_space<semaphore_mem>> -> memref<!tpu.dma_semaphore, #tpu.memory_space<semaphore_mem>>
            %dma_wait3A_305 = arith.constant 0 : i32
            %dma_wait3A_306 = tpu.memref_slice %arg4[%mul3A_297, %dma_wait3A_305] : memref<4096x128xf32, #tpu.memory_space<hbm>> -> memref<256x128xf32, #tpu.memory_space<hbm>>
            %dma_wait3A_307 = arith.constant 0 : i32
            %dma_wait3A_308 = arith.constant 0 : i32
            %dma_wait3A_309 = tpu.memref_slice %run_scoped3A_18[%rem3A_295, %dma_wait3A_307, %dma_wait3A_308] : memref<2x256x128xf32, #tpu.memory_space<vmem>> -> memref<1x256x128xf32, #tpu.memory_space<vmem>>
            %dma_wait3A_310 = tpu.memref_squeeze %dma_wait3A_309 : memref<1x256x128xf32, #tpu.memory_space<vmem>> -> memref<256x128xf32, #tpu.memory_space<vmem>>
            tpu.wait_dma2 semaphore(%dma_wait3A_304 : memref<!tpu.dma_semaphore, #tpu.memory_space<semaphore_mem>>) src(%dma_wait3A_310 : memref<256x128xf32, #tpu.memory_space<vmem>>) dst(%dma_wait3A_306 : memref<256x128xf32, #tpu.memory_space<hbm>>)
            "tpu.trace_stop"() : () -> ()
          } else {
          }
          %and3A_275 = arith.constant true
          %and3A_276 = arith.andi %and3A_271, %and3A_275 : i1
          %add3A_277 = arith.constant 1 : i32
          %add3A_278 = arith.addi %while3A_146, %add3A_277 : i32
          %select_n3A_279 = arith.select %and3A_276, %add3A_278, %while3A_146 : i32
          %ne3A_280 = arith.cmpi ne, %add3A_155, %add3A_173 : i32
          %or3A_281 = arith.constant false
          %or3A_282 = arith.ori %or3A_281, %ne3A_280 : i1
          %or3A_283 = arith.ori %or3A_282, %eq3A_154 : i1
          %add3A_284 = arith.constant 1 : i32
          %add3A_285 = arith.addi %while3A_144, %add3A_284 : i32
          %select_n3A_286 = arith.select %or3A_283, %add3A_285, %while3A_144 : i32
          %add3A_287 = arith.constant 1 : i32
          %add3A_288 = arith.addi %while3A_147, %add3A_287 : i32
          %select_n3A_289 = arith.constant true
          %select_n3A_290 = arith.select %select_n3A_289, %add3A_288, %while3A_147 : i32
          %eq3A_291 = arith.cmpi eq, %select_n3A_290, %select_n3A : i32
          %select_n3A_292 = arith.constant 0 : i32
          %select_n3A_293 = arith.select %eq3A_291, %select_n3A_292, %select_n3A_290 : i32
          scf.yield %select_n3A_195, %select_n3A_286, %select_n3A_252, %select_n3A_279, %select_n3A_293 : i32, i32, i32, i32, i32
        }
        %while3A_89 = arith.constant 1 : i32
        %while3A_90:5 = scf.for %while3A_142 = %while3A_86 to %while3A_82 step %while3A_89 iter_args(%while3A_143 = %while3A_88#0, %while3A_144 = %while3A_88#1, %while3A_145 = %while3A_88#2, %while3A_146 = %while3A_88#3, %while3A_147 = %while3A_88#4) -> (i32, i32, i32, i32, i32)  : i32 {
          %mul3A_148 = arith.constant 1 : i32
          %mul3A_149 = arith.muli %mul3A_148, %select_n3A : i32
          %eq3A_150 = arith.constant 0 : i32
          %eq3A_151 = arith.cmpi eq, %while3A_142, %eq3A_150 : i32
          %sub3A_152 = arith.constant 1 : i32
          %sub3A_153 = arith.subi %mul3A_149, %sub3A_152 : i32
          %eq3A_154 = arith.cmpi eq, %while3A_142, %sub3A_153 : i32
          %add3A_155 = arith.addi %while3A_147, %select_n3A_14 : i32
          %sub3A_156 = arith.constant 1 : i32
          %sub3A_157 = arith.subi %while3A_147, %sub3A_156 : i32
          %select_n3A_158 = arith.constant true
          %select_n3A_159 = arith.select %select_n3A_158, %sub3A_157, %while3A_147 : i32
          %eq3A_160 = arith.constant -1 : i32
          %eq3A_161 = arith.cmpi eq, %select_n3A_159, %eq3A_160 : i32
          %sub3A_162 = arith.constant 1 : i32
          %sub3A_163 = arith.subi %select_n3A, %sub3A_162 : i32
          %select_n3A_164 = arith.select %eq3A_161, %sub3A_163, %select_n3A_159 : i32
          %add3A_165 = arith.addi %select_n3A_164, %select_n3A_14 : i32
          %add3A_166 = arith.constant 1 : i32
          %add3A_167 = arith.addi %while3A_147, %add3A_166 : i32
          %select_n3A_168 = arith.constant true
          %select_n3A_169 = arith.select %select_n3A_168, %add3A_167, %while3A_147 : i32
          %eq3A_170 = arith.cmpi eq, %select_n3A_169, %select_n3A : i32
          %select_n3A_171 = arith.constant 0 : i32
          %select_n3A_172 = arith.select %eq3A_170, %select_n3A_171, %select_n3A_169 : i32
          %add3A_173 = arith.addi %select_n3A_172, %select_n3A_14 : i32
          %add3A_174 = arith.constant 1 : i32
          %add3A_175 = arith.addi %select_n3A_172, %add3A_174 : i32
          %select_n3A_176 = arith.constant true
          %select_n3A_177 = arith.select %select_n3A_176, %add3A_175, %select_n3A_172 : i32
          %eq3A_178 = arith.cmpi eq, %select_n3A_177, %select_n3A : i32
          %select_n3A_179 = arith.constant 0 : i32
          %select_n3A_180 = arith.select %eq3A_178, %select_n3A_179, %select_n3A_177 : i32
          %add3A_181 = arith.addi %select_n3A_180, %select_n3A_14 : i32
          %ne3A = arith.cmpi ne, %add3A_155, %add3A_173 : i32
          %or3A = arith.constant false
          %or3A_182 = arith.ori %or3A, %ne3A : i1
          %sub3A_183 = arith.constant 2 : i32
          %sub3A_184 = arith.subi %mul3A_149, %sub3A_183 : i32
          %add3A_185 = arith.constant 1 : i32
          %add3A_186 = arith.addi %sub3A_184, %add3A_185 : i32
          %ge3A = arith.cmpi sge, %while3A_142, %add3A_186 : i32
          %not3A = arith.constant true
          %not3A_187 = arith.xori %ge3A, %not3A : i1
          %and3A = arith.andi %or3A_182, %not3A_187 : i1
          %convert_element_type3A_188 = arith.extui %and3A : i1 to i32
          %cond3A_189 = arith.constant 0 : i32
          %cond3A_190 = arith.cmpi ne, %convert_element_type3A_188, %cond3A_189 : i32
          scf.if %cond3A_190 {
            "tpu.trace_start"() <{level = 10 : i32, message = "ep_copy_in"}> : () -> ()
            %rem3A_294 = arith.constant 2 : i32
            %rem3A_295 = arith.remui %while3A_143, %rem3A_294 : i32
            %mul3A_296 = arith.constant 256 : i32
            %mul3A_297 = arith.muli %mul3A_296, %add3A_173 : i32
            %dma_start3A_298 = arith.constant 0 : i32
            %dma_start3A_299 = arith.constant 0 : i32
            %dma_start3A_300 = tpu.memref_slice %run_scoped3A[%rem3A_295, %dma_start3A_298, %dma_start3A_299] : memref<2x1x256xi32, #tpu.memory_space<vmem>> -> memref<1x1x256xi32, #tpu.memory_space<vmem>>
            %dma_start3A_301 = tpu.memref_squeeze %dma_start3A_300 : memref<1x1x256xi32, #tpu.memory_space<vmem>> -> memref<1x256xi32, #tpu.memory_space<vmem>>
            %dma_start3A_302 = arith.constant 0 : i32
            %dma_start3A_303 = tpu.memref_slice %arg3[%dma_start3A_302, %mul3A_297] : memref<1x4096xi32, #tpu.memory_space<hbm>> -> memref<1x256xi32, #tpu.memory_space<hbm>>
            %dma_start3A_304 = tpu.memref_slice %run_scoped3A_17[%rem3A_295] : memref<2x!tpu.dma_semaphore, #tpu.memory_space<semaphore_mem>> -> memref<1x!tpu.dma_semaphore, #tpu.memory_space<semaphore_mem>>
            %dma_start3A_305 = tpu.memref_squeeze %dma_start3A_304 : memref<1x!tpu.dma_semaphore, #tpu.memory_space<semaphore_mem>> -> memref<!tpu.dma_semaphore, #tpu.memory_space<semaphore_mem>>
            %dma_start3A_306 = arith.constant 0 : i32
            %dma_start3A_307 = arith.constant 0 : i32
            %dma_start3A_308 = tpu.memref_slice %run_scoped3A[%rem3A_295, %dma_start3A_306, %dma_start3A_307] : memref<2x1x256xi32, #tpu.memory_space<vmem>> -> memref<1x1x256xi32, #tpu.memory_space<vmem>>
            %dma_start3A_309 = tpu.memref_squeeze %dma_start3A_308 : memref<1x1x256xi32, #tpu.memory_space<vmem>> -> memref<1x256xi32, #tpu.memory_space<vmem>>
            %dma_start3A_310 = arith.constant 0 : i32
            %dma_start3A_311 = tpu.memref_slice %arg3[%dma_start3A_310, %mul3A_297] : memref<1x4096xi32, #tpu.memory_space<hbm>> -> memref<1x256xi32, #tpu.memory_space<hbm>>
            tpu.enqueue_dma source(%dma_start3A_311 : memref<1x256xi32, #tpu.memory_space<hbm>>) target(%dma_start3A_309 : memref<1x256xi32, #tpu.memory_space<vmem>>) target_semaphore(%dma_start3A_305 : memref<!tpu.dma_semaphore, #tpu.memory_space<semaphore_mem>>)
            "tpu.trace_stop"() : () -> ()
          } else {
          }
          %and3A_191 = arith.constant true
          %and3A_192 = arith.andi %and3A, %and3A_191 : i1
          %add3A_193 = arith.constant 1 : i32
          %add3A_194 = arith.addi %while3A_143, %add3A_193 : i32
          %select_n3A_195 = arith.select %and3A_192, %add3A_194, %while3A_143 : i32
          %ne3A_196 = arith.cmpi ne, %add3A_155, %add3A_173 : i32
          %or3A_197 = arith.constant false
          %or3A_198 = arith.ori %or3A_197, %ne3A_196 : i1
          %or3A_199 = arith.constant false
          %or3A_200 = arith.ori %or3A_198, %or3A_199 : i1
          %sub3A_201 = arith.constant 2 : i32
          %sub3A_202 = arith.subi %mul3A_149, %sub3A_201 : i32
          %add3A_203 = arith.constant 1 : i32
          %add3A_204 = arith.addi %sub3A_202, %add3A_203 : i32
          %ge3A_205 = arith.cmpi sge, %while3A_142, %add3A_204 : i32
          %not3A_206 = arith.constant true
          %not3A_207 = arith.xori %ge3A_205, %not3A_206 : i1
          %and3A_208 = arith.andi %or3A_200, %not3A_207 : i1
          %ne3A_209 = arith.cmpi ne, %add3A_155, %add3A_165 : i32
          %or3A_210 = arith.constant false
          %or3A_211 = arith.ori %or3A_210, %ne3A_209 : i1
          %or3A_212 = arith.ori %or3A_211, %eq3A_151 : i1
          %convert_element_type3A_213 = arith.extui %or3A_212 : i1 to i32
          %cond3A_214 = arith.constant 0 : i32
          %cond3A_215 = arith.cmpi ne, %convert_element_type3A_213, %cond3A_214 : i32
          scf.if %cond3A_215 {
            "tpu.trace_start"() <{level = 10 : i32, message = "ep_wait_in"}> : () -> ()
            %mul3A_294 = arith.constant 256 : i32
            %mul3A_295 = arith.muli %mul3A_294, %add3A_155 : i32
            %rem3A_296 = arith.constant 2 : i32
            %rem3A_297 = arith.remui %while3A_144, %rem3A_296 : i32
            %dma_wait3A = arith.constant 0 : i32
            %dma_wait3A_298 = arith.constant 0 : i32
            %dma_wait3A_299 = tpu.memref_slice %run_scoped3A[%rem3A_297, %dma_wait3A, %dma_wait3A_298] : memref<2x1x256xi32, #tpu.memory_space<vmem>> -> memref<1x1x256xi32, #tpu.memory_space<vmem>>
            %dma_wait3A_300 = tpu.memref_squeeze %dma_wait3A_299 : memref<1x1x256xi32, #tpu.memory_space<vmem>> -> memref<1x256xi32, #tpu.memory_space<vmem>>
            %dma_wait3A_301 = arith.constant 0 : i32
            %dma_wait3A_302 = tpu.memref_slice %arg3[%dma_wait3A_301, %mul3A_295] : memref<1x4096xi32, #tpu.memory_space<hbm>> -> memref<1x256xi32, #tpu.memory_space<hbm>>
            %dma_wait3A_303 = tpu.memref_slice %run_scoped3A_17[%rem3A_297] : memref<2x!tpu.dma_semaphore, #tpu.memory_space<semaphore_mem>> -> memref<1x!tpu.dma_semaphore, #tpu.memory_space<semaphore_mem>>
            %dma_wait3A_304 = tpu.memref_squeeze %dma_wait3A_303 : memref<1x!tpu.dma_semaphore, #tpu.memory_space<semaphore_mem>> -> memref<!tpu.dma_semaphore, #tpu.memory_space<semaphore_mem>>
            %dma_wait3A_305 = arith.constant 0 : i32
            %dma_wait3A_306 = arith.constant 0 : i32
            %dma_wait3A_307 = tpu.memref_slice %run_scoped3A[%rem3A_297, %dma_wait3A_305, %dma_wait3A_306] : memref<2x1x256xi32, #tpu.memory_space<vmem>> -> memref<1x1x256xi32, #tpu.memory_space<vmem>>
            %dma_wait3A_308 = tpu.memref_squeeze %dma_wait3A_307 : memref<1x1x256xi32, #tpu.memory_space<vmem>> -> memref<1x256xi32, #tpu.memory_space<vmem>>
            %dma_wait3A_309 = arith.constant 0 : i32
            %dma_wait3A_310 = tpu.memref_slice %arg3[%dma_wait3A_309, %mul3A_295] : memref<1x4096xi32, #tpu.memory_space<hbm>> -> memref<1x256xi32, #tpu.memory_space<hbm>>
            tpu.wait_dma2 semaphore(%dma_wait3A_304 : memref<!tpu.dma_semaphore, #tpu.memory_space<semaphore_mem>>) src(%dma_wait3A_310 : memref<1x256xi32, #tpu.memory_space<hbm>>) dst(%dma_wait3A_308 : memref<1x256xi32, #tpu.memory_space<vmem>>)
            "tpu.trace_stop"() : () -> ()
          } else {
          }
          %ne3A_216 = arith.cmpi ne, %add3A_155, %add3A_165 : i32
          %or3A_217 = arith.constant false
          %or3A_218 = arith.ori %or3A_217, %ne3A_216 : i1
          %or3A_219 = arith.constant false
          %or3A_220 = arith.ori %or3A_218, %or3A_219 : i1
          %or3A_221 = arith.ori %or3A_220, %eq3A_151 : i1
          %convert_element_type3A_222 = arith.extui %or3A_221 : i1 to i32
          %cond3A_223 = arith.constant 0 : i32
          %cond3A_224 = arith.cmpi ne, %convert_element_type3A_222, %cond3A_223 : i32
          scf.if %cond3A_224 {
          } else {
          }
          %rem3A_225 = arith.constant 2 : i32
          %rem3A_226 = arith.remui %while3A_144, %rem3A_225 : i32
          %rem3A_227 = arith.constant 2 : i32
          %rem3A_228 = arith.remui %while3A_145, %rem3A_227 : i32
          %run_scoped3A_229 = arith.constant 0 : i32
          "tpu.trace_start"() <{level = 10 : i32, message = "ep_run_kernel"}> : () -> ()
          "tpu.region"() ({
            %run_scoped3A_294 = tpu.sem_alloc : memref<!tpu.dma_semaphore, #tpu.memory_space<semaphore_mem>>
            %dma_start3A_295 = arith.constant 0 : i32
            %dma_start3A_296 = arith.constant 0 : i32
            %dma_start3A_297 = tpu.memref_slice %run_scoped3A_18[%rem3A_228, %dma_start3A_295, %dma_start3A_296] : memref<2x256x128xf32, #tpu.memory_space<vmem>> -> memref<1x256x128xf32, #tpu.memory_space<vmem>>
            %dma_start3A_298 = tpu.memref_squeeze %dma_start3A_297 : memref<1x256x128xf32, #tpu.memory_space<vmem>> -> memref<256x128xf32, #tpu.memory_space<vmem>>
            %dma_start3A_299 = arith.constant 0 : i32
            %dma_start3A_300 = arith.constant 0 : i32
            %dma_start3A_301 = tpu.memref_slice %run_scoped3A[%rem3A_226, %dma_start3A_299, %dma_start3A_300] : memref<2x1x256xi32, #tpu.memory_space<vmem>> -> memref<1x1x256xi32, #tpu.memory_space<vmem>>
            %dma_start3A_302 = tpu.memref_squeeze %dma_start3A_301 : memref<1x1x256xi32, #tpu.memory_space<vmem>> -> memref<1x256xi32, #tpu.memory_space<vmem>>
            %dma_start3A_303 = arith.constant 0 : i32
            %dma_start3A_304 = tpu.memref_slice %dma_start3A_302[%run_scoped3A_229, %dma_start3A_303] : memref<1x256xi32, #tpu.memory_space<vmem>> -> memref<1x256xi32, #tpu.memory_space<vmem>>
            %dma_start3A_305 = tpu.memref_squeeze %dma_start3A_304 : memref<1x256xi32, #tpu.memory_space<vmem>> -> memref<256xi32, #tpu.memory_space<vmem>>
            %dma_start3A_306 = arith.constant 0 : i32
            %dma_start3A_307 = arith.constant 0 : i32
            %dma_start3A_308 = tpu.memref_slice %arg2[%dma_start3A_306, %dma_start3A_307] : memref<8192x128xf32, #tpu.memory_space<hbm>> -> memref<8192x128xf32, #tpu.memory_space<hbm>>
            tpu.enqueue_indirect_dma source(%dma_start3A_308 : memref<8192x128xf32, #tpu.memory_space<hbm>>) target(%dma_start3A_298 : memref<256x128xf32, #tpu.memory_space<vmem>>) offsets(%dma_start3A_305 : memref<256xi32, #tpu.memory_space<vmem>>) semaphore(%run_scoped3A_294 : memref<!tpu.dma_semaphore, #tpu.memory_space<semaphore_mem>>)
            %dma_wait3A = arith.constant 0 : i32
            %dma_wait3A_309 = arith.constant 0 : i32
            %dma_wait3A_310 = tpu.memref_slice %run_scoped3A_18[%rem3A_228, %dma_wait3A, %dma_wait3A_309] : memref<2x256x128xf32, #tpu.memory_space<vmem>> -> memref<1x256x128xf32, #tpu.memory_space<vmem>>
            %dma_wait3A_311 = tpu.memref_squeeze %dma_wait3A_310 : memref<1x256x128xf32, #tpu.memory_space<vmem>> -> memref<256x128xf32, #tpu.memory_space<vmem>>
            %dma_wait3A_312 = arith.constant 0 : i32
            %dma_wait3A_313 = arith.constant 0 : i32
            %dma_wait3A_314 = tpu.memref_slice %run_scoped3A[%rem3A_226, %dma_wait3A_312, %dma_wait3A_313] : memref<2x1x256xi32, #tpu.memory_space<vmem>> -> memref<1x1x256xi32, #tpu.memory_space<vmem>>
            %dma_wait3A_315 = tpu.memref_squeeze %dma_wait3A_314 : memref<1x1x256xi32, #tpu.memory_space<vmem>> -> memref<1x256xi32, #tpu.memory_space<vmem>>
            %dma_wait3A_316 = arith.constant 0 : i32
            %dma_wait3A_317 = tpu.memref_slice %dma_wait3A_315[%run_scoped3A_229, %dma_wait3A_316] : memref<1x256xi32, #tpu.memory_space<vmem>> -> memref<1x256xi32, #tpu.memory_space<vmem>>
            %dma_wait3A_318 = tpu.memref_squeeze %dma_wait3A_317 : memref<1x256xi32, #tpu.memory_space<vmem>> -> memref<256xi32, #tpu.memory_space<vmem>>
            %dma_wait3A_319 = arith.constant 0 : i32
            %dma_wait3A_320 = arith.constant 0 : i32
            %dma_wait3A_321 = tpu.memref_slice %arg2[%dma_wait3A_319, %dma_wait3A_320] : memref<8192x128xf32, #tpu.memory_space<hbm>> -> memref<8192x128xf32, #tpu.memory_space<hbm>>
            tpu.wait_indirect_dma semaphore(%run_scoped3A_294 : memref<!tpu.dma_semaphore, #tpu.memory_space<semaphore_mem>>) src(%dma_wait3A_321 : memref<8192x128xf32, #tpu.memory_space<hbm>>) dst(%dma_wait3A_311 : memref<256x128xf32, #tpu.memory_space<vmem>>)
            tpu.yield
          }) : () -> ()
          "tpu.trace_stop"() : () -> ()
          %ne3A_230 = arith.cmpi ne, %add3A_155, %add3A_173 : i32
          %or3A_231 = arith.constant false
          %or3A_232 = arith.ori %or3A_231, %ne3A_230 : i1
          %or3A_233 = arith.ori %or3A_232, %eq3A_154 : i1
          %convert_element_type3A_234 = arith.extui %or3A_233 : i1 to i32
          %cond3A_235 = arith.constant 0 : i32
          %cond3A_236 = arith.cmpi ne, %convert_element_type3A_234, %cond3A_235 : i32
          scf.if %cond3A_236 {
          } else {
          }
          %and3A_237 = arith.constant false
          %and3A_238 = arith.andi %or3A_233, %and3A_237 : i1
          %ne3A_239 = arith.cmpi ne, %add3A_155, %add3A_173 : i32
          %or3A_240 = arith.constant false
          %or3A_241 = arith.ori %or3A_240, %ne3A_239 : i1
          %or3A_242 = arith.constant false
          %or3A_243 = arith.ori %or3A_241, %or3A_242 : i1
          %or3A_244 = arith.ori %or3A_243, %eq3A_154 : i1
          %convert_element_type3A_245 = arith.extui %or3A_244 : i1 to i32
          %cond3A_246 = arith.constant 0 : i32
          %cond3A_247 = arith.cmpi ne, %convert_element_type3A_245, %cond3A_246 : i32
          scf.if %cond3A_247 {
            "tpu.trace_start"() <{level = 10 : i32, message = "ep_copy_out"}> : () -> ()
            %rem3A_294 = arith.constant 2 : i32
            %rem3A_295 = arith.remui %while3A_145, %rem3A_294 : i32
            %mul3A_296 = arith.constant 256 : i32
            %mul3A_297 = arith.muli %mul3A_296, %add3A_155 : i32
            %dma_start3A_298 = arith.constant 0 : i32
            %dma_start3A_299 = arith.constant 0 : i32
            %dma_start3A_300 = tpu.memref_slice %run_scoped3A_18[%rem3A_295, %dma_start3A_298, %dma_start3A_299] : memref<2x256x128xf32, #tpu.memory_space<vmem>> -> memref<1x256x128xf32, #tpu.memory_space<vmem>>
            %dma_start3A_301 = tpu.memref_squeeze %dma_start3A_300 : memref<1x256x128xf32, #tpu.memory_space<vmem>> -> memref<256x128xf32, #tpu.memory_space<vmem>>
            %dma_start3A_302 = arith.constant 0 : i32
            %dma_start3A_303 = tpu.memref_slice %arg4[%mul3A_297, %dma_start3A_302] : memref<4096x128xf32, #tpu.memory_space<hbm>> -> memref<256x128xf32, #tpu.memory_space<hbm>>
            %dma_start3A_304 = tpu.memref_slice %run_scoped3A_19[%rem3A_295] : memref<2x!tpu.dma_semaphore, #tpu.memory_space<semaphore_mem>> -> memref<1x!tpu.dma_semaphore, #tpu.memory_space<semaphore_mem>>
            %dma_start3A_305 = tpu.memref_squeeze %dma_start3A_304 : memref<1x!tpu.dma_semaphore, #tpu.memory_space<semaphore_mem>> -> memref<!tpu.dma_semaphore, #tpu.memory_space<semaphore_mem>>
            %dma_start3A_306 = arith.constant 0 : i32
            %dma_start3A_307 = tpu.memref_slice %arg4[%mul3A_297, %dma_start3A_306] : memref<4096x128xf32, #tpu.memory_space<hbm>> -> memref<256x128xf32, #tpu.memory_space<hbm>>
            %dma_start3A_308 = arith.constant 0 : i32
            %dma_start3A_309 = arith.constant 0 : i32
            %dma_start3A_310 = tpu.memref_slice %run_scoped3A_18[%rem3A_295, %dma_start3A_308, %dma_start3A_309] : memref<2x256x128xf32, #tpu.memory_space<vmem>> -> memref<1x256x128xf32, #tpu.memory_space<vmem>>
            %dma_start3A_311 = tpu.memref_squeeze %dma_start3A_310 : memref<1x256x128xf32, #tpu.memory_space<vmem>> -> memref<256x128xf32, #tpu.memory_space<vmem>>
            tpu.enqueue_dma source(%dma_start3A_311 : memref<256x128xf32, #tpu.memory_space<vmem>>) target(%dma_start3A_307 : memref<256x128xf32, #tpu.memory_space<hbm>>) target_semaphore(%dma_start3A_305 : memref<!tpu.dma_semaphore, #tpu.memory_space<semaphore_mem>>)
            "tpu.trace_stop"() : () -> ()
          } else {
          }
          %and3A_248 = arith.constant true
          %and3A_249 = arith.andi %or3A_244, %and3A_248 : i1
          %add3A_250 = arith.constant 1 : i32
          %add3A_251 = arith.addi %while3A_145, %add3A_250 : i32
          %select_n3A_252 = arith.select %and3A_249, %add3A_251, %while3A_145 : i32
          %ne3A_253 = arith.cmpi ne, %add3A_155, %add3A_165 : i32
          %or3A_254 = arith.constant false
          %or3A_255 = arith.ori %or3A_254, %ne3A_253 : i1
          %not3A_256 = arith.constant true
          %not3A_257 = arith.xori %eq3A_151, %not3A_256 : i1
          %and3A_258 = arith.andi %or3A_255, %not3A_257 : i1
          %convert_element_type3A_259 = arith.extui %and3A_258 : i1 to i32
          %cond3A_260 = arith.constant 0 : i32
          %cond3A_261 = arith.cmpi ne, %convert_element_type3A_259, %cond3A_260 : i32
          scf.if %cond3A_261 {
          } else {
          }
          %and3A_262 = arith.constant false
          %and3A_263 = arith.andi %and3A_258, %and3A_262 : i1
          %ne3A_264 = arith.cmpi ne, %add3A_155, %add3A_165 : i32
          %or3A_265 = arith.constant false
          %or3A_266 = arith.ori %or3A_265, %ne3A_264 : i1
          %or3A_267 = arith.constant false
          %or3A_268 = arith.ori %or3A_266, %or3A_267 : i1
          %not3A_269 = arith.constant true
          %not3A_270 = arith.xori %eq3A_151, %not3A_269 : i1
          %and3A_271 = arith.andi %or3A_268, %not3A_270 : i1
          %convert_element_type3A_272 = arith.extui %and3A_271 : i1 to i32
          %cond3A_273 = arith.constant 0 : i32
          %cond3A_274 = arith.cmpi ne, %convert_element_type3A_272, %cond3A_273 : i32
          scf.if %cond3A_274 {
            "tpu.trace_start"() <{level = 10 : i32, message = "ep_wait_out"}> : () -> ()
            %rem3A_294 = arith.constant 2 : i32
            %rem3A_295 = arith.remui %while3A_146, %rem3A_294 : i32
            %mul3A_296 = arith.constant 256 : i32
            %mul3A_297 = arith.muli %mul3A_296, %add3A_165 : i32
            %dma_wait3A = arith.constant 0 : i32
            %dma_wait3A_298 = arith.constant 0 : i32
            %dma_wait3A_299 = tpu.memref_slice %run_scoped3A_18[%rem3A_295, %dma_wait3A, %dma_wait3A_298] : memref<2x256x128xf32, #tpu.memory_space<vmem>> -> memref<1x256x128xf32, #tpu.memory_space<vmem>>
            %dma_wait3A_300 = tpu.memref_squeeze %dma_wait3A_299 : memref<1x256x128xf32, #tpu.memory_space<vmem>> -> memref<256x128xf32, #tpu.memory_space<vmem>>
            %dma_wait3A_301 = arith.constant 0 : i32
            %dma_wait3A_302 = tpu.memref_slice %arg4[%mul3A_297, %dma_wait3A_301] : memref<4096x128xf32, #tpu.memory_space<hbm>> -> memref<256x128xf32, #tpu.memory_space<hbm>>
            %dma_wait3A_303 = tpu.memref_slice %run_scoped3A_19[%rem3A_295] : memref<2x!tpu.dma_semaphore, #tpu.memory_space<semaphore_mem>> -> memref<1x!tpu.dma_semaphore, #tpu.memory_space<semaphore_mem>>
            %dma_wait3A_304 = tpu.memref_squeeze %dma_wait3A_303 : memref<1x!tpu.dma_semaphore, #tpu.memory_space<semaphore_mem>> -> memref<!tpu.dma_semaphore, #tpu.memory_space<semaphore_mem>>
            %dma_wait3A_305 = arith.constant 0 : i32
            %dma_wait3A_306 = tpu.memref_slice %arg4[%mul3A_297, %dma_wait3A_305] : memref<4096x128xf32, #tpu.memory_space<hbm>> -> memref<256x128xf32, #tpu.memory_space<hbm>>
            %dma_wait3A_307 = arith.constant 0 : i32
            %dma_wait3A_308 = arith.constant 0 : i32
            %dma_wait3A_309 = tpu.memref_slice %run_scoped3A_18[%rem3A_295, %dma_wait3A_307, %dma_wait3A_308] : memref<2x256x128xf32, #tpu.memory_space<vmem>> -> memref<1x256x128xf32, #tpu.memory_space<vmem>>
            %dma_wait3A_310 = tpu.memref_squeeze %dma_wait3A_309 : memref<1x256x128xf32, #tpu.memory_space<vmem>> -> memref<256x128xf32, #tpu.memory_space<vmem>>
            tpu.wait_dma2 semaphore(%dma_wait3A_304 : memref<!tpu.dma_semaphore, #tpu.memory_space<semaphore_mem>>) src(%dma_wait3A_310 : memref<256x128xf32, #tpu.memory_space<vmem>>) dst(%dma_wait3A_306 : memref<256x128xf32, #tpu.memory_space<hbm>>)
            "tpu.trace_stop"() : () -> ()
          } else {
          }
          %and3A_275 = arith.constant true
          %and3A_276 = arith.andi %and3A_271, %and3A_275 : i1
          %add3A_277 = arith.constant 1 : i32
          %add3A_278 = arith.addi %while3A_146, %add3A_277 : i32
          %select_n3A_279 = arith.select %and3A_276, %add3A_278, %while3A_146 : i32
          %ne3A_280 = arith.cmpi ne, %add3A_155, %add3A_173 : i32
          %or3A_281 = arith.constant false
          %or3A_282 = arith.ori %or3A_281, %ne3A_280 : i1
          %or3A_283 = arith.ori %or3A_282, %eq3A_154 : i1
          %add3A_284 = arith.constant 1 : i32
          %add3A_285 = arith.addi %while3A_144, %add3A_284 : i32
          %select_n3A_286 = arith.select %or3A_283, %add3A_285, %while3A_144 : i32
          %add3A_287 = arith.constant 1 : i32
          %add3A_288 = arith.addi %while3A_147, %add3A_287 : i32
          %select_n3A_289 = arith.constant true
          %select_n3A_290 = arith.select %select_n3A_289, %add3A_288, %while3A_147 : i32
          %eq3A_291 = arith.cmpi eq, %select_n3A_290, %select_n3A : i32
          %select_n3A_292 = arith.constant 0 : i32
          %select_n3A_293 = arith.select %eq3A_291, %select_n3A_292, %select_n3A_290 : i32
          scf.yield %select_n3A_195, %select_n3A_286, %select_n3A_252, %select_n3A_279, %select_n3A_293 : i32, i32, i32, i32, i32
        }
        %sub3A_91 = arith.constant 1 : i32
        %sub3A_92 = arith.subi %while3A_90#4, %sub3A_91 : i32
        %select_n3A_93 = arith.constant true
        %select_n3A_94 = arith.select %select_n3A_93, %sub3A_92, %while3A_90#4 : i32
        %eq3A_95 = arith.constant -1 : i32
        %eq3A_96 = arith.cmpi eq, %select_n3A_94, %eq3A_95 : i32
        %sub3A_97 = arith.constant 1 : i32
        %sub3A_98 = arith.subi %select_n3A, %sub3A_97 : i32
        %select_n3A_99 = arith.select %eq3A_96, %sub3A_98, %select_n3A_94 : i32
        %sub3A_100 = arith.constant 1 : i32
        %sub3A_101 = arith.subi %mul3A_16, %sub3A_100 : i32
        %mul3A_102 = arith.constant 1 : i32
        %mul3A_103 = arith.muli %mul3A_102, %select_n3A : i32
        %eq3A_104 = arith.constant 0 : i32
        %eq3A_105 = arith.cmpi eq, %sub3A_101, %eq3A_104 : i32
        %sub3A_106 = arith.constant 1 : i32
        %sub3A_107 = arith.subi %mul3A_103, %sub3A_106 : i32
        %eq3A_108 = arith.cmpi eq, %sub3A_101, %sub3A_107 : i32
        %add3A_109 = arith.addi %select_n3A_99, %select_n3A_14 : i32
        %sub3A_110 = arith.constant 1 : i32
        %sub3A_111 = arith.subi %select_n3A_99, %sub3A_110 : i32
        %select_n3A_112 = arith.constant true
        %select_n3A_113 = arith.select %select_n3A_112, %sub3A_111, %select_n3A_99 : i32
        %eq3A_114 = arith.constant -1 : i32
        %eq3A_115 = arith.cmpi eq, %select_n3A_113, %eq3A_114 : i32
        %sub3A_116 = arith.constant 1 : i32
        %sub3A_117 = arith.subi %select_n3A, %sub3A_116 : i32
        %select_n3A_118 = arith.select %eq3A_115, %sub3A_117, %select_n3A_113 : i32
        %add3A_119 = arith.addi %select_n3A_118, %select_n3A_14 : i32
        %add3A_120 = arith.constant 1 : i32
        %add3A_121 = arith.addi %select_n3A_99, %add3A_120 : i32
        %select_n3A_122 = arith.constant true
        %select_n3A_123 = arith.select %select_n3A_122, %add3A_121, %select_n3A_99 : i32
        %eq3A_124 = arith.cmpi eq, %select_n3A_123, %select_n3A : i32
        %select_n3A_125 = arith.constant 0 : i32
        %select_n3A_126 = arith.select %eq3A_124, %select_n3A_125, %select_n3A_123 : i32
        %add3A_127 = arith.addi %select_n3A_126, %select_n3A_14 : i32
        %add3A_128 = arith.constant 1 : i32
        %add3A_129 = arith.addi %select_n3A_126, %add3A_128 : i32
        %select_n3A_130 = arith.constant true
        %select_n3A_131 = arith.select %select_n3A_130, %add3A_129, %select_n3A_126 : i32
        %eq3A_132 = arith.cmpi eq, %select_n3A_131, %select_n3A : i32
        %select_n3A_133 = arith.constant 0 : i32
        %select_n3A_134 = arith.select %eq3A_132, %select_n3A_133, %select_n3A_131 : i32
        %add3A_135 = arith.addi %select_n3A_134, %select_n3A_14 : i32
        %convert_element_type3A_136 = arith.extui %eq3A_108 : i1 to i32
        %cond3A_137 = arith.constant 0 : i32
        %cond3A_138 = arith.cmpi ne, %convert_element_type3A_136, %cond3A_137 : i32
        scf.if %cond3A_138 {
        } else {
        }
        %convert_element_type3A_139 = arith.extui %eq3A_108 : i1 to i32
        %cond3A_140 = arith.constant 0 : i32
        %cond3A_141 = arith.cmpi ne, %convert_element_type3A_139, %cond3A_140 : i32
        scf.if %cond3A_141 {
          "tpu.trace_start"() <{level = 10 : i32, message = "ep_finalize"}> : () -> ()
          %rem3A_142 = arith.constant 2 : i32
          %rem3A_143 = arith.remui %while3A_90#3, %rem3A_142 : i32
          %mul3A_144 = arith.constant 256 : i32
          %mul3A_145 = arith.muli %mul3A_144, %add3A_109 : i32
          %dma_wait3A = arith.constant 0 : i32
          %dma_wait3A_146 = arith.constant 0 : i32
          %dma_wait3A_147 = tpu.memref_slice %run_scoped3A_18[%rem3A_143, %dma_wait3A, %dma_wait3A_146] : memref<2x256x128xf32, #tpu.memory_space<vmem>> -> memref<1x256x128xf32, #tpu.memory_space<vmem>>
          %dma_wait3A_148 = tpu.memref_squeeze %dma_wait3A_147 : memref<1x256x128xf32, #tpu.memory_space<vmem>> -> memref<256x128xf32, #tpu.memory_space<vmem>>
          %dma_wait3A_149 = arith.constant 0 : i32
          %dma_wait3A_150 = tpu.memref_slice %arg4[%mul3A_145, %dma_wait3A_149] : memref<4096x128xf32, #tpu.memory_space<hbm>> -> memref<256x128xf32, #tpu.memory_space<hbm>>
          %dma_wait3A_151 = tpu.memref_slice %run_scoped3A_19[%rem3A_143] : memref<2x!tpu.dma_semaphore, #tpu.memory_space<semaphore_mem>> -> memref<1x!tpu.dma_semaphore, #tpu.memory_space<semaphore_mem>>
          %dma_wait3A_152 = tpu.memref_squeeze %dma_wait3A_151 : memref<1x!tpu.dma_semaphore, #tpu.memory_space<semaphore_mem>> -> memref<!tpu.dma_semaphore, #tpu.memory_space<semaphore_mem>>
          %dma_wait3A_153 = arith.constant 0 : i32
          %dma_wait3A_154 = tpu.memref_slice %arg4[%mul3A_145, %dma_wait3A_153] : memref<4096x128xf32, #tpu.memory_space<hbm>> -> memref<256x128xf32, #tpu.memory_space<hbm>>
          %dma_wait3A_155 = arith.constant 0 : i32
          %dma_wait3A_156 = arith.constant 0 : i32
          %dma_wait3A_157 = tpu.memref_slice %run_scoped3A_18[%rem3A_143, %dma_wait3A_155, %dma_wait3A_156] : memref<2x256x128xf32, #tpu.memory_space<vmem>> -> memref<1x256x128xf32, #tpu.memory_space<vmem>>
          %dma_wait3A_158 = tpu.memref_squeeze %dma_wait3A_157 : memref<1x256x128xf32, #tpu.memory_space<vmem>> -> memref<256x128xf32, #tpu.memory_space<vmem>>
          tpu.wait_dma2 semaphore(%dma_wait3A_152 : memref<!tpu.dma_semaphore, #tpu.memory_space<semaphore_mem>>) src(%dma_wait3A_158 : memref<256x128xf32, #tpu.memory_space<vmem>>) dst(%dma_wait3A_154 : memref<256x128xf32, #tpu.memory_space<hbm>>)
          "tpu.trace_stop"() : () -> ()
        } else {
        }
      } else {
      }
      tpu.yield
    }) : () -> ()
    return
  }
}

#map = affine_map<(d0, d1) -> (0, 0)>
module attributes {stable_mosaic.version = 14 : i64} {
  func.func @kern(%arg0: i32, %arg1: i32, %arg2: memref<8192x128xf32, #tpu.memory_space<hbm>>, %arg3: memref<1x4096xi32, #tpu.memory_space<hbm>>, %arg4: memref<4096x128xf32, #tpu.memory_space<hbm>>) attributes {dimension_semantics = [#tpu.dimension_semantics<core_parallel>, #tpu.dimension_semantics<subcore_parallel>], iteration_bounds = array<i64: 2, 16>, scalar_prefetch = 0 : i64, scratch_operands = 0 : i64, tpu.core_type = #tpu.core_type<sc_vector_subcore>, window_params = [{transform_indices = #map}, {transform_indices = #map}, {transform_indices = #map}]} {
    %mul3A = arith.constant 1 : i32
    %mul3A_0 = arith.muli %arg1, %mul3A : i32
    %add3A = arith.constant 0 : i32
    %add3A_1 = arith.addi %add3A, %mul3A_0 : i32
    %mul3A_2 = arith.constant 16 : i32
    %mul3A_3 = arith.muli %arg0, %mul3A_2 : i32
    %add3A_4 = arith.addi %add3A_1, %mul3A_3 : i32
    %lt3A = arith.constant 16 : i32
    %lt3A_5 = arith.cmpi slt, %add3A_4, %lt3A : i32
    %jit3A = arith.constant 1 : i32
    %jit3A_6 = arith.constant 0 : i32
    %select_n3A = arith.select %lt3A_5, %jit3A, %jit3A_6 : i32
    %lt3A_7 = arith.constant 16 : i32
    %lt3A_8 = arith.cmpi slt, %add3A_4, %lt3A_7 : i32
    %mul3A_9 = arith.muli %add3A_4, %select_n3A : i32
    %mul3A_10 = arith.constant 0 : i32
    %mul3A_11 = arith.muli %add3A_4, %mul3A_10 : i32
    %add3A_12 = arith.constant 16 : i32
    %add3A_13 = arith.addi %mul3A_11, %add3A_12 : i32
    %select_n3A_14 = arith.select %lt3A_8, %mul3A_9, %add3A_13 : i32
    %mul3A_15 = arith.constant 1 : i32
    %mul3A_16 = arith.muli %mul3A_15, %select_n3A : i32
    "tpu.region"() ({
      %run_scoped3A = memref.alloca() : memref<2x1x256xi32, #tpu.memory_space<vmem>>
      %run_scoped3A_17 = tpu.sem_alloc : memref<2x!tpu.dma_semaphore, #tpu.memory_space<semaphore_mem>>
      %run_scoped3A_18 = memref.alloca() : memref<2x256x128xf32, #tpu.memory_space<vmem>>
      %run_scoped3A_19 = tpu.sem_alloc : memref<2x!tpu.dma_semaphore, #tpu.memory_space<semaphore_mem>>
      %gt3A = arith.constant 0 : i32
      %gt3A_20 = arith.cmpi sgt, %mul3A_16, %gt3A : i32
      %convert_element_type3A = arith.extui %gt3A_20 : i1 to i32
      %cond3A = arith.constant 0 : i32
      %cond3A_21 = arith.cmpi ne, %convert_element_type3A, %cond3A : i32
      scf.if %cond3A_21 {
        %mul3A_22 = arith.constant 1 : i32
        %mul3A_23 = arith.muli %mul3A_22, %select_n3A : i32
        %sub3A = arith.constant 1 : i32
        %sub3A_24 = arith.subi %mul3A_23, %sub3A : i32
        %eq3A = arith.constant 0 : i32
        %eq3A_25 = arith.cmpi eq, %sub3A_24, %eq3A : i32
        %add3A_26 = arith.constant 0 : i32
        %add3A_27 = arith.addi %add3A_26, %select_n3A_14 : i32
        %select_n3A_28 = arith.constant true
        %select_n3A_29 = arith.constant 0 : i32
        %select_n3A_30 = arith.constant -1 : i32
        %select_n3A_31 = arith.select %select_n3A_28, %select_n3A_30, %select_n3A_29 : i32
        %eq3A_32 = arith.constant -1 : i32
        %eq3A_33 = arith.cmpi eq, %select_n3A_31, %eq3A_32 : i32
        %sub3A_34 = arith.constant 1 : i32
        %sub3A_35 = arith.subi %select_n3A, %sub3A_34 : i32
        %select_n3A_36 = arith.select %eq3A_33, %sub3A_35, %select_n3A_31 : i32
        %add3A_37 = arith.addi %select_n3A_36, %select_n3A_14 : i32
        %select_n3A_38 = arith.constant true
        %select_n3A_39 = arith.constant 0 : i32
        %select_n3A_40 = arith.constant 1 : i32
        %select_n3A_41 = arith.select %select_n3A_38, %select_n3A_40, %select_n3A_39 : i32
        %eq3A_42 = arith.cmpi eq, %select_n3A_41, %select_n3A : i32
        %select_n3A_43 = arith.constant 0 : i32
        %select_n3A_44 = arith.select %eq3A_42, %select_n3A_43, %select_n3A_41 : i32
        %add3A_45 = arith.addi %select_n3A_44, %select_n3A_14 : i32
        %add3A_46 = arith.constant 1 : i32
        %add3A_47 = arith.addi %select_n3A_44, %add3A_46 : i32
        %select_n3A_48 = arith.constant true
        %select_n3A_49 = arith.select %select_n3A_48, %add3A_47, %select_n3A_44 : i32
        %eq3A_50 = arith.cmpi eq, %select_n3A_49, %select_n3A : i32
        %select_n3A_51 = arith.constant 0 : i32
        %select_n3A_52 = arith.select %eq3A_50, %select_n3A_51, %select_n3A_49 : i32
        %add3A_53 = arith.addi %select_n3A_52, %select_n3A_14 : i32
        "tpu.trace_start"() <{level = 10 : i32, message = "ep_initialize_0"}> : () -> ()
        %rem3A = arith.constant 0 : i32
        %rem3A_54 = arith.constant 2 : i32
        %rem3A_55 = arith.remui %rem3A, %rem3A_54 : i32
        %mul3A_56 = arith.constant 256 : i32
        %mul3A_57 = arith.muli %mul3A_56, %add3A_27 : i32
        %dma_start3A = arith.constant 0 : i32
        %dma_start3A_58 = arith.constant 0 : i32
        %dma_start3A_59 = tpu.memref_slice %run_scoped3A[%rem3A_55, %dma_start3A, %dma_start3A_58] : memref<2x1x256xi32, #tpu.memory_space<vmem>> -> memref<1x1x256xi32, #tpu.memory_space<vmem>>
        %dma_start3A_60 = tpu.memref_squeeze %dma_start3A_59 : memref<1x1x256xi32, #tpu.memory_space<vmem>> -> memref<1x256xi32, #tpu.memory_space<vmem>>
        %dma_start3A_61 = arith.constant 0 : i32
        %dma_start3A_62 = tpu.memref_slice %arg3[%dma_start3A_61, %mul3A_57] : memref<1x4096xi32, #tpu.memory_space<hbm>> -> memref<1x256xi32, #tpu.memory_space<hbm>>
        %dma_start3A_63 = tpu.memref_slice %run_scoped3A_17[%rem3A_55] : memref<2x!tpu.dma_semaphore, #tpu.memory_space<semaphore_mem>> -> memref<1x!tpu.dma_semaphore, #tpu.memory_space<semaphore_mem>>
        %dma_start3A_64 = tpu.memref_squeeze %dma_start3A_63 : memref<1x!tpu.dma_semaphore, #tpu.memory_space<semaphore_mem>> -> memref<!tpu.dma_semaphore, #tpu.memory_space<semaphore_mem>>
        %dma_start3A_65 = arith.constant 0 : i32
        %dma_start3A_66 = arith.constant 0 : i32
        %dma_start3A_67 = tpu.memref_slice %run_scoped3A[%rem3A_55, %dma_start3A_65, %dma_start3A_66] : memref<2x1x256xi32, #tpu.memory_space<vmem>> -> memref<1x1x256xi32, #tpu.memory_space<vmem>>
        %dma_start3A_68 = tpu.memref_squeeze %dma_start3A_67 : memref<1x1x256xi32, #tpu.memory_space<vmem>> -> memref<1x256xi32, #tpu.memory_space<vmem>>
        %dma_start3A_69 = arith.constant 0 : i32
        %dma_start3A_70 = tpu.memref_slice %arg3[%dma_start3A_69, %mul3A_57] : memref<1x4096xi32, #tpu.memory_space<hbm>> -> memref<1x256xi32, #tpu.memory_space<hbm>>
        tpu.enqueue_dma source(%dma_start3A_70 : memref<1x256xi32, #tpu.memory_space<hbm>>) target(%dma_start3A_68 : memref<1x256xi32, #tpu.memory_space<vmem>>) target_semaphore(%dma_start3A_64 : memref<!tpu.dma_semaphore, #tpu.memory_space<semaphore_mem>>)
        %add3A_71 = arith.constant 0 : i32
        %add3A_72 = arith.constant 1 : i32
        %add3A_73 = arith.addi %add3A_71, %add3A_72 : i32
        %select_n3A_74 = arith.constant true
        %select_n3A_75 = arith.constant 0 : i32
        %select_n3A_76 = arith.select %select_n3A_74, %add3A_73, %select_n3A_75 : i32
        %while3A = arith.constant 0 : i32
        %while3A_77 = arith.constant 0 : i32
        %while3A_78 = arith.constant 0 : i32
        %while3A_79 = arith.constant 0 : i32
        %while3A_80 = arith.constant 0 : i32
        "tpu.trace_stop"() : () -> ()
        %while3A_81 = arith.subi %mul3A_16, %while3A : i32
        %while3A_82 = arith.addi %while3A, %while3A_81 : i32
        %while3A_83 = arith.constant 1 : i32
        %while3A_84 = arith.divsi %while3A_81, %while3A_83 : i32
        %while3A_85 = arith.muli %while3A_84, %while3A_83 : i32
        %while3A_86 = arith.addi %while3A, %while3A_85 : i32
        %while3A_87 = arith.constant 1 : i32
        %while3A_88:5 = scf.for %while3A_142 = %while3A to %while3A_86 step %while3A_87 iter_args(%while3A_143 = %select_n3A_76, %while3A_144 = %while3A_77, %while3A_145 = %while3A_78, %while3A_146 = %while3A_79, %while3A_147 = %while3A_80) -> (i32, i32, i32, i32, i32)  : i32 {
          %mul3A_148 = arith.constant 1 : i32
          %mul3A_149 = arith.muli %mul3A_148, %select_n3A : i32
          %eq3A_150 = arith.constant 0 : i32
          %eq3A_151 = arith.cmpi eq, %while3A_142, %eq3A_150 : i32
          %sub3A_152 = arith.constant 1 : i32
          %sub3A_153 = arith.subi %mul3A_149, %sub3A_152 : i32
          %eq3A_154 = arith.cmpi eq, %while3A_142, %sub3A_153 : i32
          %add3A_155 = arith.addi %while3A_147, %select_n3A_14 : i32
          %sub3A_156 = arith.constant 1 : i32
          %sub3A_157 = arith.subi %while3A_147, %sub3A_156 : i32
          %select_n3A_158 = arith.constant true
          %select_n3A_159 = arith.select %select_n3A_158, %sub3A_157, %while3A_147 : i32
          %eq3A_160 = arith.constant -1 : i32
          %eq3A_161 = arith.cmpi eq, %select_n3A_159, %eq3A_160 : i32
          %sub3A_162 = arith.constant 1 : i32
          %sub3A_163 = arith.subi %select_n3A, %sub3A_162 : i32
          %select_n3A_164 = arith.select %eq3A_161, %sub3A_163, %select_n3A_159 : i32
          %add3A_165 = arith.addi %select_n3A_164, %select_n3A_14 : i32
          %add3A_166 = arith.constant 1 : i32
          %add3A_167 = arith.addi %while3A_147, %add3A_166 : i32
          %select_n3A_168 = arith.constant true
          %select_n3A_169 = arith.select %select_n3A_168, %add3A_167, %while3A_147 : i32
          %eq3A_170 = arith.cmpi eq, %select_n3A_169, %select_n3A : i32
          %select_n3A_171 = arith.constant 0 : i32
          %select_n3A_172 = arith.select %eq3A_170, %select_n3A_171, %select_n3A_169 : i32
          %add3A_173 = arith.addi %select_n3A_172, %select_n3A_14 : i32
          %add3A_174 = arith.constant 1 : i32
          %add3A_175 = arith.addi %select_n3A_172, %add3A_174 : i32
          %select_n3A_176 = arith.constant true
          %select_n3A_177 = arith.select %select_n3A_176, %add3A_175, %select_n3A_172 : i32
          %eq3A_178 = arith.cmpi eq, %select_n3A_177, %select_n3A : i32
          %select_n3A_179 = arith.constant 0 : i32
          %select_n3A_180 = arith.select %eq3A_178, %select_n3A_179, %select_n3A_177 : i32
          %add3A_181 = arith.addi %select_n3A_180, %select_n3A_14 : i32
          %ne3A = arith.cmpi ne, %add3A_155, %add3A_173 : i32
          %or3A = arith.constant false
          %or3A_182 = arith.ori %or3A, %ne3A : i1
          %sub3A_183 = arith.constant 2 : i32
          %sub3A_184 = arith.subi %mul3A_149, %sub3A_183 : i32
          %add3A_185 = arith.constant 1 : i32
          %add3A_186 = arith.addi %sub3A_184, %add3A_185 : i32
          %ge3A = arith.cmpi sge, %while3A_142, %add3A_186 : i32
          %not3A = arith.constant true
          %not3A_187 = arith.xori %ge3A, %not3A : i1
          %and3A = arith.andi %or3A_182, %not3A_187 : i1
          %convert_element_type3A_188 = arith.extui %and3A : i1 to i32
          %cond3A_189 = arith.constant 0 : i32
          %cond3A_190 = arith.cmpi ne, %convert_element_type3A_188, %cond3A_189 : i32
          scf.if %cond3A_190 {
            "tpu.trace_start"() <{level = 10 : i32, message = "ep_copy_in"}> : () -> ()
            %rem3A_294 = arith.constant 2 : i32
            %rem3A_295 = arith.remui %while3A_143, %rem3A_294 : i32
            %mul3A_296 = arith.constant 256 : i32
            %mul3A_297 = arith.muli %mul3A_296, %add3A_173 : i32
            %dma_start3A_298 = arith.constant 0 : i32
            %dma_start3A_299 = arith.constant 0 : i32
            %dma_start3A_300 = tpu.memref_slice %run_scoped3A[%rem3A_295, %dma_start3A_298, %dma_start3A_299] : memref<2x1x256xi32, #tpu.memory_space<vmem>> -> memref<1x1x256xi32, #tpu.memory_space<vmem>>
            %dma_start3A_301 = tpu.memref_squeeze %dma_start3A_300 : memref<1x1x256xi32, #tpu.memory_space<vmem>> -> memref<1x256xi32, #tpu.memory_space<vmem>>
            %dma_start3A_302 = arith.constant 0 : i32
            %dma_start3A_303 = tpu.memref_slice %arg3[%dma_start3A_302, %mul3A_297] : memref<1x4096xi32, #tpu.memory_space<hbm>> -> memref<1x256xi32, #tpu.memory_space<hbm>>
            %dma_start3A_304 = tpu.memref_slice %run_scoped3A_17[%rem3A_295] : memref<2x!tpu.dma_semaphore, #tpu.memory_space<semaphore_mem>> -> memref<1x!tpu.dma_semaphore, #tpu.memory_space<semaphore_mem>>
            %dma_start3A_305 = tpu.memref_squeeze %dma_start3A_304 : memref<1x!tpu.dma_semaphore, #tpu.memory_space<semaphore_mem>> -> memref<!tpu.dma_semaphore, #tpu.memory_space<semaphore_mem>>
            %dma_start3A_306 = arith.constant 0 : i32
            %dma_start3A_307 = arith.constant 0 : i32
            %dma_start3A_308 = tpu.memref_slice %run_scoped3A[%rem3A_295, %dma_start3A_306, %dma_start3A_307] : memref<2x1x256xi32, #tpu.memory_space<vmem>> -> memref<1x1x256xi32, #tpu.memory_space<vmem>>
            %dma_start3A_309 = tpu.memref_squeeze %dma_start3A_308 : memref<1x1x256xi32, #tpu.memory_space<vmem>> -> memref<1x256xi32, #tpu.memory_space<vmem>>
            %dma_start3A_310 = arith.constant 0 : i32
            %dma_start3A_311 = tpu.memref_slice %arg3[%dma_start3A_310, %mul3A_297] : memref<1x4096xi32, #tpu.memory_space<hbm>> -> memref<1x256xi32, #tpu.memory_space<hbm>>
            tpu.enqueue_dma source(%dma_start3A_311 : memref<1x256xi32, #tpu.memory_space<hbm>>) target(%dma_start3A_309 : memref<1x256xi32, #tpu.memory_space<vmem>>) target_semaphore(%dma_start3A_305 : memref<!tpu.dma_semaphore, #tpu.memory_space<semaphore_mem>>)
            "tpu.trace_stop"() : () -> ()
          } else {
          }
          %and3A_191 = arith.constant true
          %and3A_192 = arith.andi %and3A, %and3A_191 : i1
          %add3A_193 = arith.constant 1 : i32
          %add3A_194 = arith.addi %while3A_143, %add3A_193 : i32
          %select_n3A_195 = arith.select %and3A_192, %add3A_194, %while3A_143 : i32
          %ne3A_196 = arith.cmpi ne, %add3A_155, %add3A_173 : i32
          %or3A_197 = arith.constant false
          %or3A_198 = arith.ori %or3A_197, %ne3A_196 : i1
          %or3A_199 = arith.constant false
          %or3A_200 = arith.ori %or3A_198, %or3A_199 : i1
          %sub3A_201 = arith.constant 2 : i32
          %sub3A_202 = arith.subi %mul3A_149, %sub3A_201 : i32
          %add3A_203 = arith.constant 1 : i32
          %add3A_204 = arith.addi %sub3A_202, %add3A_203 : i32
          %ge3A_205 = arith.cmpi sge, %while3A_142, %add3A_204 : i32
          %not3A_206 = arith.constant true
          %not3A_207 = arith.xori %ge3A_205, %not3A_206 : i1
          %and3A_208 = arith.andi %or3A_200, %not3A_207 : i1
          %ne3A_209 = arith.cmpi ne, %add3A_155, %add3A_165 : i32
          %or3A_210 = arith.constant false
          %or3A_211 = arith.ori %or3A_210, %ne3A_209 : i1
          %or3A_212 = arith.ori %or3A_211, %eq3A_151 : i1
          %convert_element_type3A_213 = arith.extui %or3A_212 : i1 to i32
          %cond3A_214 = arith.constant 0 : i32
          %cond3A_215 = arith.cmpi ne, %convert_element_type3A_213, %cond3A_214 : i32
          scf.if %cond3A_215 {
            "tpu.trace_start"() <{level = 10 : i32, message = "ep_wait_in"}> : () -> ()
            %mul3A_294 = arith.constant 256 : i32
            %mul3A_295 = arith.muli %mul3A_294, %add3A_155 : i32
            %rem3A_296 = arith.constant 2 : i32
            %rem3A_297 = arith.remui %while3A_144, %rem3A_296 : i32
            %dma_wait3A = arith.constant 0 : i32
            %dma_wait3A_298 = arith.constant 0 : i32
            %dma_wait3A_299 = tpu.memref_slice %run_scoped3A[%rem3A_297, %dma_wait3A, %dma_wait3A_298] : memref<2x1x256xi32, #tpu.memory_space<vmem>> -> memref<1x1x256xi32, #tpu.memory_space<vmem>>
            %dma_wait3A_300 = tpu.memref_squeeze %dma_wait3A_299 : memref<1x1x256xi32, #tpu.memory_space<vmem>> -> memref<1x256xi32, #tpu.memory_space<vmem>>
            %dma_wait3A_301 = arith.constant 0 : i32
            %dma_wait3A_302 = tpu.memref_slice %arg3[%dma_wait3A_301, %mul3A_295] : memref<1x4096xi32, #tpu.memory_space<hbm>> -> memref<1x256xi32, #tpu.memory_space<hbm>>
            %dma_wait3A_303 = tpu.memref_slice %run_scoped3A_17[%rem3A_297] : memref<2x!tpu.dma_semaphore, #tpu.memory_space<semaphore_mem>> -> memref<1x!tpu.dma_semaphore, #tpu.memory_space<semaphore_mem>>
            %dma_wait3A_304 = tpu.memref_squeeze %dma_wait3A_303 : memref<1x!tpu.dma_semaphore, #tpu.memory_space<semaphore_mem>> -> memref<!tpu.dma_semaphore, #tpu.memory_space<semaphore_mem>>
            %dma_wait3A_305 = arith.constant 0 : i32
            %dma_wait3A_306 = arith.constant 0 : i32
            %dma_wait3A_307 = tpu.memref_slice %run_scoped3A[%rem3A_297, %dma_wait3A_305, %dma_wait3A_306] : memref<2x1x256xi32, #tpu.memory_space<vmem>> -> memref<1x1x256xi32, #tpu.memory_space<vmem>>
            %dma_wait3A_308 = tpu.memref_squeeze %dma_wait3A_307 : memref<1x1x256xi32, #tpu.memory_space<vmem>> -> memref<1x256xi32, #tpu.memory_space<vmem>>
            %dma_wait3A_309 = arith.constant 0 : i32
            %dma_wait3A_310 = tpu.memref_slice %arg3[%dma_wait3A_309, %mul3A_295] : memref<1x4096xi32, #tpu.memory_space<hbm>> -> memref<1x256xi32, #tpu.memory_space<hbm>>
            tpu.wait_dma2 semaphore(%dma_wait3A_304 : memref<!tpu.dma_semaphore, #tpu.memory_space<semaphore_mem>>) src(%dma_wait3A_310 : memref<1x256xi32, #tpu.memory_space<hbm>>) dst(%dma_wait3A_308 : memref<1x256xi32, #tpu.memory_space<vmem>>)
            "tpu.trace_stop"() : () -> ()
          } else {
          }
          %ne3A_216 = arith.cmpi ne, %add3A_155, %add3A_165 : i32
          %or3A_217 = arith.constant false
          %or3A_218 = arith.ori %or3A_217, %ne3A_216 : i1
          %or3A_219 = arith.constant false
          %or3A_220 = arith.ori %or3A_218, %or3A_219 : i1
          %or3A_221 = arith.ori %or3A_220, %eq3A_151 : i1
          %convert_element_type3A_222 = arith.extui %or3A_221 : i1 to i32
          %cond3A_223 = arith.constant 0 : i32
          %cond3A_224 = arith.cmpi ne, %convert_element_type3A_222, %cond3A_223 : i32
          scf.if %cond3A_224 {
          } else {
          }
          %rem3A_225 = arith.constant 2 : i32
          %rem3A_226 = arith.remui %while3A_144, %rem3A_225 : i32
          %rem3A_227 = arith.constant 2 : i32
          %rem3A_228 = arith.remui %while3A_145, %rem3A_227 : i32
          %run_scoped3A_229 = arith.constant 0 : i32
          "tpu.trace_start"() <{level = 10 : i32, message = "ep_run_kernel"}> : () -> ()
          "tpu.region"() ({
            %run_scoped3A_294 = tpu.sem_alloc : memref<!tpu.dma_semaphore, #tpu.memory_space<semaphore_mem>>
            %dma_start3A_295 = arith.constant 0 : i32
            %dma_start3A_296 = arith.constant 0 : i32
            %dma_start3A_297 = tpu.memref_slice %run_scoped3A_18[%rem3A_228, %dma_start3A_295, %dma_start3A_296] : memref<2x256x128xf32, #tpu.memory_space<vmem>> -> memref<1x256x128xf32, #tpu.memory_space<vmem>>
            %dma_start3A_298 = tpu.memref_squeeze %dma_start3A_297 : memref<1x256x128xf32, #tpu.memory_space<vmem>> -> memref<256x128xf32, #tpu.memory_space<vmem>>
            %dma_start3A_299 = arith.constant 0 : i32
            %dma_start3A_300 = arith.constant 0 : i32
            %dma_start3A_301 = tpu.memref_slice %run_scoped3A[%rem3A_226, %dma_start3A_299, %dma_start3A_300] : memref<2x1x256xi32, #tpu.memory_space<vmem>> -> memref<1x1x256xi32, #tpu.memory_space<vmem>>
            %dma_start3A_302 = tpu.memref_squeeze %dma_start3A_301 : memref<1x1x256xi32, #tpu.memory_space<vmem>> -> memref<1x256xi32, #tpu.memory_space<vmem>>
            %dma_start3A_303 = arith.constant 0 : i32
            %dma_start3A_304 = tpu.memref_slice %dma_start3A_302[%run_scoped3A_229, %dma_start3A_303] : memref<1x256xi32, #tpu.memory_space<vmem>> -> memref<1x256xi32, #tpu.memory_space<vmem>>
            %dma_start3A_305 = tpu.memref_squeeze %dma_start3A_304 : memref<1x256xi32, #tpu.memory_space<vmem>> -> memref<256xi32, #tpu.memory_space<vmem>>
            %dma_start3A_306 = arith.constant 0 : i32
            %dma_start3A_307 = arith.constant 0 : i32
            %dma_start3A_308 = tpu.memref_slice %arg2[%dma_start3A_306, %dma_start3A_307] : memref<8192x128xf32, #tpu.memory_space<hbm>> -> memref<8192x128xf32, #tpu.memory_space<hbm>>
            tpu.enqueue_indirect_dma source(%dma_start3A_308 : memref<8192x128xf32, #tpu.memory_space<hbm>>) target(%dma_start3A_298 : memref<256x128xf32, #tpu.memory_space<vmem>>) offsets(%dma_start3A_305 : memref<256xi32, #tpu.memory_space<vmem>>) semaphore(%run_scoped3A_294 : memref<!tpu.dma_semaphore, #tpu.memory_space<semaphore_mem>>)
            %dma_wait3A = arith.constant 0 : i32
            %dma_wait3A_309 = arith.constant 0 : i32
            %dma_wait3A_310 = tpu.memref_slice %run_scoped3A_18[%rem3A_228, %dma_wait3A, %dma_wait3A_309] : memref<2x256x128xf32, #tpu.memory_space<vmem>> -> memref<1x256x128xf32, #tpu.memory_space<vmem>>
            %dma_wait3A_311 = tpu.memref_squeeze %dma_wait3A_310 : memref<1x256x128xf32, #tpu.memory_space<vmem>> -> memref<256x128xf32, #tpu.memory_space<vmem>>
            %dma_wait3A_312 = arith.constant 0 : i32
            %dma_wait3A_313 = arith.constant 0 : i32
            %dma_wait3A_314 = tpu.memref_slice %run_scoped3A[%rem3A_226, %dma_wait3A_312, %dma_wait3A_313] : memref<2x1x256xi32, #tpu.memory_space<vmem>> -> memref<1x1x256xi32, #tpu.memory_space<vmem>>
            %dma_wait3A_315 = tpu.memref_squeeze %dma_wait3A_314 : memref<1x1x256xi32, #tpu.memory_space<vmem>> -> memref<1x256xi32, #tpu.memory_space<vmem>>
            %dma_wait3A_316 = arith.constant 0 : i32
            %dma_wait3A_317 = tpu.memref_slice %dma_wait3A_315[%run_scoped3A_229, %dma_wait3A_316] : memref<1x256xi32, #tpu.memory_space<vmem>> -> memref<1x256xi32, #tpu.memory_space<vmem>>
            %dma_wait3A_318 = tpu.memref_squeeze %dma_wait3A_317 : memref<1x256xi32, #tpu.memory_space<vmem>> -> memref<256xi32, #tpu.memory_space<vmem>>
            %dma_wait3A_319 = arith.constant 0 : i32
            %dma_wait3A_320 = arith.constant 0 : i32
            %dma_wait3A_321 = tpu.memref_slice %arg2[%dma_wait3A_319, %dma_wait3A_320] : memref<8192x128xf32, #tpu.memory_space<hbm>> -> memref<8192x128xf32, #tpu.memory_space<hbm>>
            tpu.wait_indirect_dma semaphore(%run_scoped3A_294 : memref<!tpu.dma_semaphore, #tpu.memory_space<semaphore_mem>>) src(%dma_wait3A_321 : memref<8192x128xf32, #tpu.memory_space<hbm>>) dst(%dma_wait3A_311 : memref<256x128xf32, #tpu.memory_space<vmem>>)
            tpu.yield
          }) : () -> ()
          "tpu.trace_stop"() : () -> ()
          %ne3A_230 = arith.cmpi ne, %add3A_155, %add3A_173 : i32
          %or3A_231 = arith.constant false
          %or3A_232 = arith.ori %or3A_231, %ne3A_230 : i1
          %or3A_233 = arith.ori %or3A_232, %eq3A_154 : i1
          %convert_element_type3A_234 = arith.extui %or3A_233 : i1 to i32
          %cond3A_235 = arith.constant 0 : i32
          %cond3A_236 = arith.cmpi ne, %convert_element_type3A_234, %cond3A_235 : i32
          scf.if %cond3A_236 {
          } else {
          }
          %and3A_237 = arith.constant false
          %and3A_238 = arith.andi %or3A_233, %and3A_237 : i1
          %ne3A_239 = arith.cmpi ne, %add3A_155, %add3A_173 : i32
          %or3A_240 = arith.constant false
          %or3A_241 = arith.ori %or3A_240, %ne3A_239 : i1
          %or3A_242 = arith.constant false
          %or3A_243 = arith.ori %or3A_241, %or3A_242 : i1
          %or3A_244 = arith.ori %or3A_243, %eq3A_154 : i1
          %convert_element_type3A_245 = arith.extui %or3A_244 : i1 to i32
          %cond3A_246 = arith.constant 0 : i32
          %cond3A_247 = arith.cmpi ne, %convert_element_type3A_245, %cond3A_246 : i32
          scf.if %cond3A_247 {
            "tpu.trace_start"() <{level = 10 : i32, message = "ep_copy_out"}> : () -> ()
            %rem3A_294 = arith.constant 2 : i32
            %rem3A_295 = arith.remui %while3A_145, %rem3A_294 : i32
            %mul3A_296 = arith.constant 256 : i32
            %mul3A_297 = arith.muli %mul3A_296, %add3A_155 : i32
            %dma_start3A_298 = arith.constant 0 : i32
            %dma_start3A_299 = arith.constant 0 : i32
            %dma_start3A_300 = tpu.memref_slice %run_scoped3A_18[%rem3A_295, %dma_start3A_298, %dma_start3A_299] : memref<2x256x128xf32, #tpu.memory_space<vmem>> -> memref<1x256x128xf32, #tpu.memory_space<vmem>>
            %dma_start3A_301 = tpu.memref_squeeze %dma_start3A_300 : memref<1x256x128xf32, #tpu.memory_space<vmem>> -> memref<256x128xf32, #tpu.memory_space<vmem>>
            %dma_start3A_302 = arith.constant 0 : i32
            %dma_start3A_303 = tpu.memref_slice %arg4[%mul3A_297, %dma_start3A_302] : memref<4096x128xf32, #tpu.memory_space<hbm>> -> memref<256x128xf32, #tpu.memory_space<hbm>>
            %dma_start3A_304 = tpu.memref_slice %run_scoped3A_19[%rem3A_295] : memref<2x!tpu.dma_semaphore, #tpu.memory_space<semaphore_mem>> -> memref<1x!tpu.dma_semaphore, #tpu.memory_space<semaphore_mem>>
            %dma_start3A_305 = tpu.memref_squeeze %dma_start3A_304 : memref<1x!tpu.dma_semaphore, #tpu.memory_space<semaphore_mem>> -> memref<!tpu.dma_semaphore, #tpu.memory_space<semaphore_mem>>
            %dma_start3A_306 = arith.constant 0 : i32
            %dma_start3A_307 = tpu.memref_slice %arg4[%mul3A_297, %dma_start3A_306] : memref<4096x128xf32, #tpu.memory_space<hbm>> -> memref<256x128xf32, #tpu.memory_space<hbm>>
            %dma_start3A_308 = arith.constant 0 : i32
            %dma_start3A_309 = arith.constant 0 : i32
            %dma_start3A_310 = tpu.memref_slice %run_scoped3A_18[%rem3A_295, %dma_start3A_308, %dma_start3A_309] : memref<2x256x128xf32, #tpu.memory_space<vmem>> -> memref<1x256x128xf32, #tpu.memory_space<vmem>>
            %dma_start3A_311 = tpu.memref_squeeze %dma_start3A_310 : memref<1x256x128xf32, #tpu.memory_space<vmem>> -> memref<256x128xf32, #tpu.memory_space<vmem>>
            tpu.enqueue_dma source(%dma_start3A_311 : memref<256x128xf32, #tpu.memory_space<vmem>>) target(%dma_start3A_307 : memref<256x128xf32, #tpu.memory_space<hbm>>) target_semaphore(%dma_start3A_305 : memref<!tpu.dma_semaphore, #tpu.memory_space<semaphore_mem>>)
            "tpu.trace_stop"() : () -> ()
          } else {
          }
          %and3A_248 = arith.constant true
          %and3A_249 = arith.andi %or3A_244, %and3A_248 : i1
          %add3A_250 = arith.constant 1 : i32
          %add3A_251 = arith.addi %while3A_145, %add3A_250 : i32
          %select_n3A_252 = arith.select %and3A_249, %add3A_251, %while3A_145 : i32
          %ne3A_253 = arith.cmpi ne, %add3A_155, %add3A_165 : i32
          %or3A_254 = arith.constant false
          %or3A_255 = arith.ori %or3A_254, %ne3A_253 : i1
          %not3A_256 = arith.constant true
          %not3A_257 = arith.xori %eq3A_151, %not3A_256 : i1
          %and3A_258 = arith.andi %or3A_255, %not3A_257 : i1
          %convert_element_type3A_259 = arith.extui %and3A_258 : i1 to i32
          %cond3A_260 = arith.constant 0 : i32
          %cond3A_261 = arith.cmpi ne, %convert_element_type3A_259, %cond3A_260 : i32
          scf.if %cond3A_261 {
          } else {
          }
          %and3A_262 = arith.constant false
          %and3A_263 = arith.andi %and3A_258, %and3A_262 : i1
          %ne3A_264 = arith.cmpi ne, %add3A_155, %add3A_165 : i32
          %or3A_265 = arith.constant false
          %or3A_266 = arith.ori %or3A_265, %ne3A_264 : i1
          %or3A_267 = arith.constant false
          %or3A_268 = arith.ori %or3A_266, %or3A_267 : i1
          %not3A_269 = arith.constant true
          %not3A_270 = arith.xori %eq3A_151, %not3A_269 : i1
          %and3A_271 = arith.andi %or3A_268, %not3A_270 : i1
          %convert_element_type3A_272 = arith.extui %and3A_271 : i1 to i32
          %cond3A_273 = arith.constant 0 : i32
          %cond3A_274 = arith.cmpi ne, %convert_element_type3A_272, %cond3A_273 : i32
          scf.if %cond3A_274 {
            "tpu.trace_start"() <{level = 10 : i32, message = "ep_wait_out"}> : () -> ()
            %rem3A_294 = arith.constant 2 : i32
            %rem3A_295 = arith.remui %while3A_146, %rem3A_294 : i32
            %mul3A_296 = arith.constant 256 : i32
            %mul3A_297 = arith.muli %mul3A_296, %add3A_165 : i32
            %dma_wait3A = arith.constant 0 : i32
            %dma_wait3A_298 = arith.constant 0 : i32
            %dma_wait3A_299 = tpu.memref_slice %run_scoped3A_18[%rem3A_295, %dma_wait3A, %dma_wait3A_298] : memref<2x256x128xf32, #tpu.memory_space<vmem>> -> memref<1x256x128xf32, #tpu.memory_space<vmem>>
            %dma_wait3A_300 = tpu.memref_squeeze %dma_wait3A_299 : memref<1x256x128xf32, #tpu.memory_space<vmem>> -> memref<256x128xf32, #tpu.memory_space<vmem>>
            %dma_wait3A_301 = arith.constant 0 : i32
            %dma_wait3A_302 = tpu.memref_slice %arg4[%mul3A_297, %dma_wait3A_301] : memref<4096x128xf32, #tpu.memory_space<hbm>> -> memref<256x128xf32, #tpu.memory_space<hbm>>
            %dma_wait3A_303 = tpu.memref_slice %run_scoped3A_19[%rem3A_295] : memref<2x!tpu.dma_semaphore, #tpu.memory_space<semaphore_mem>> -> memref<1x!tpu.dma_semaphore, #tpu.memory_space<semaphore_mem>>
            %dma_wait3A_304 = tpu.memref_squeeze %dma_wait3A_303 : memref<1x!tpu.dma_semaphore, #tpu.memory_space<semaphore_mem>> -> memref<!tpu.dma_semaphore, #tpu.memory_space<semaphore_mem>>
            %dma_wait3A_305 = arith.constant 0 : i32
            %dma_wait3A_306 = tpu.memref_slice %arg4[%mul3A_297, %dma_wait3A_305] : memref<4096x128xf32, #tpu.memory_space<hbm>> -> memref<256x128xf32, #tpu.memory_space<hbm>>
            %dma_wait3A_307 = arith.constant 0 : i32
            %dma_wait3A_308 = arith.constant 0 : i32
            %dma_wait3A_309 = tpu.memref_slice %run_scoped3A_18[%rem3A_295, %dma_wait3A_307, %dma_wait3A_308] : memref<2x256x128xf32, #tpu.memory_space<vmem>> -> memref<1x256x128xf32, #tpu.memory_space<vmem>>
            %dma_wait3A_310 = tpu.memref_squeeze %dma_wait3A_309 : memref<1x256x128xf32, #tpu.memory_space<vmem>> -> memref<256x128xf32, #tpu.memory_space<vmem>>
            tpu.wait_dma2 semaphore(%dma_wait3A_304 : memref<!tpu.dma_semaphore, #tpu.memory_space<semaphore_mem>>) src(%dma_wait3A_310 : memref<256x128xf32, #tpu.memory_space<vmem>>) dst(%dma_wait3A_306 : memref<256x128xf32, #tpu.memory_space<hbm>>)
            "tpu.trace_stop"() : () -> ()
          } else {
          }
          %and3A_275 = arith.constant true
          %and3A_276 = arith.andi %and3A_271, %and3A_275 : i1
          %add3A_277 = arith.constant 1 : i32
          %add3A_278 = arith.addi %while3A_146, %add3A_277 : i32
          %select_n3A_279 = arith.select %and3A_276, %add3A_278, %while3A_146 : i32
          %ne3A_280 = arith.cmpi ne, %add3A_155, %add3A_173 : i32
          %or3A_281 = arith.constant false
          %or3A_282 = arith.ori %or3A_281, %ne3A_280 : i1
          %or3A_283 = arith.ori %or3A_282, %eq3A_154 : i1
          %add3A_284 = arith.constant 1 : i32
          %add3A_285 = arith.addi %while3A_144, %add3A_284 : i32
          %select_n3A_286 = arith.select %or3A_283, %add3A_285, %while3A_144 : i32
          %add3A_287 = arith.constant 1 : i32
          %add3A_288 = arith.addi %while3A_147, %add3A_287 : i32
          %select_n3A_289 = arith.constant true
          %select_n3A_290 = arith.select %select_n3A_289, %add3A_288, %while3A_147 : i32
          %eq3A_291 = arith.cmpi eq, %select_n3A_290, %select_n3A : i32
          %select_n3A_292 = arith.constant 0 : i32
          %select_n3A_293 = arith.select %eq3A_291, %select_n3A_292, %select_n3A_290 : i32
          scf.yield %select_n3A_195, %select_n3A_286, %select_n3A_252, %select_n3A_279, %select_n3A_293 : i32, i32, i32, i32, i32
        }
        %while3A_89 = arith.constant 1 : i32
        %while3A_90:5 = scf.for %while3A_142 = %while3A_86 to %while3A_82 step %while3A_89 iter_args(%while3A_143 = %while3A_88#0, %while3A_144 = %while3A_88#1, %while3A_145 = %while3A_88#2, %while3A_146 = %while3A_88#3, %while3A_147 = %while3A_88#4) -> (i32, i32, i32, i32, i32)  : i32 {
          %mul3A_148 = arith.constant 1 : i32
          %mul3A_149 = arith.muli %mul3A_148, %select_n3A : i32
          %eq3A_150 = arith.constant 0 : i32
          %eq3A_151 = arith.cmpi eq, %while3A_142, %eq3A_150 : i32
          %sub3A_152 = arith.constant 1 : i32
          %sub3A_153 = arith.subi %mul3A_149, %sub3A_152 : i32
          %eq3A_154 = arith.cmpi eq, %while3A_142, %sub3A_153 : i32
          %add3A_155 = arith.addi %while3A_147, %select_n3A_14 : i32
          %sub3A_156 = arith.constant 1 : i32
          %sub3A_157 = arith.subi %while3A_147, %sub3A_156 : i32
          %select_n3A_158 = arith.constant true
          %select_n3A_159 = arith.select %select_n3A_158, %sub3A_157, %while3A_147 : i32
          %eq3A_160 = arith.constant -1 : i32
          %eq3A_161 = arith.cmpi eq, %select_n3A_159, %eq3A_160 : i32
          %sub3A_162 = arith.constant 1 : i32
          %sub3A_163 = arith.subi %select_n3A, %sub3A_162 : i32
          %select_n3A_164 = arith.select %eq3A_161, %sub3A_163, %select_n3A_159 : i32
          %add3A_165 = arith.addi %select_n3A_164, %select_n3A_14 : i32
          %add3A_166 = arith.constant 1 : i32
          %add3A_167 = arith.addi %while3A_147, %add3A_166 : i32
          %select_n3A_168 = arith.constant true
          %select_n3A_169 = arith.select %select_n3A_168, %add3A_167, %while3A_147 : i32
          %eq3A_170 = arith.cmpi eq, %select_n3A_169, %select_n3A : i32
          %select_n3A_171 = arith.constant 0 : i32
          %select_n3A_172 = arith.select %eq3A_170, %select_n3A_171, %select_n3A_169 : i32
          %add3A_173 = arith.addi %select_n3A_172, %select_n3A_14 : i32
          %add3A_174 = arith.constant 1 : i32
          %add3A_175 = arith.addi %select_n3A_172, %add3A_174 : i32
          %select_n3A_176 = arith.constant true
          %select_n3A_177 = arith.select %select_n3A_176, %add3A_175, %select_n3A_172 : i32
          %eq3A_178 = arith.cmpi eq, %select_n3A_177, %select_n3A : i32
          %select_n3A_179 = arith.constant 0 : i32
          %select_n3A_180 = arith.select %eq3A_178, %select_n3A_179, %select_n3A_177 : i32
          %add3A_181 = arith.addi %select_n3A_180, %select_n3A_14 : i32
          %ne3A = arith.cmpi ne, %add3A_155, %add3A_173 : i32
          %or3A = arith.constant false
          %or3A_182 = arith.ori %or3A, %ne3A : i1
          %sub3A_183 = arith.constant 2 : i32
          %sub3A_184 = arith.subi %mul3A_149, %sub3A_183 : i32
          %add3A_185 = arith.constant 1 : i32
          %add3A_186 = arith.addi %sub3A_184, %add3A_185 : i32
          %ge3A = arith.cmpi sge, %while3A_142, %add3A_186 : i32
          %not3A = arith.constant true
          %not3A_187 = arith.xori %ge3A, %not3A : i1
          %and3A = arith.andi %or3A_182, %not3A_187 : i1
          %convert_element_type3A_188 = arith.extui %and3A : i1 to i32
          %cond3A_189 = arith.constant 0 : i32
          %cond3A_190 = arith.cmpi ne, %convert_element_type3A_188, %cond3A_189 : i32
          scf.if %cond3A_190 {
            "tpu.trace_start"() <{level = 10 : i32, message = "ep_copy_in"}> : () -> ()
            %rem3A_294 = arith.constant 2 : i32
            %rem3A_295 = arith.remui %while3A_143, %rem3A_294 : i32
            %mul3A_296 = arith.constant 256 : i32
            %mul3A_297 = arith.muli %mul3A_296, %add3A_173 : i32
            %dma_start3A_298 = arith.constant 0 : i32
            %dma_start3A_299 = arith.constant 0 : i32
            %dma_start3A_300 = tpu.memref_slice %run_scoped3A[%rem3A_295, %dma_start3A_298, %dma_start3A_299] : memref<2x1x256xi32, #tpu.memory_space<vmem>> -> memref<1x1x256xi32, #tpu.memory_space<vmem>>
            %dma_start3A_301 = tpu.memref_squeeze %dma_start3A_300 : memref<1x1x256xi32, #tpu.memory_space<vmem>> -> memref<1x256xi32, #tpu.memory_space<vmem>>
            %dma_start3A_302 = arith.constant 0 : i32
            %dma_start3A_303 = tpu.memref_slice %arg3[%dma_start3A_302, %mul3A_297] : memref<1x4096xi32, #tpu.memory_space<hbm>> -> memref<1x256xi32, #tpu.memory_space<hbm>>
            %dma_start3A_304 = tpu.memref_slice %run_scoped3A_17[%rem3A_295] : memref<2x!tpu.dma_semaphore, #tpu.memory_space<semaphore_mem>> -> memref<1x!tpu.dma_semaphore, #tpu.memory_space<semaphore_mem>>
            %dma_start3A_305 = tpu.memref_squeeze %dma_start3A_304 : memref<1x!tpu.dma_semaphore, #tpu.memory_space<semaphore_mem>> -> memref<!tpu.dma_semaphore, #tpu.memory_space<semaphore_mem>>
            %dma_start3A_306 = arith.constant 0 : i32
            %dma_start3A_307 = arith.constant 0 : i32
            %dma_start3A_308 = tpu.memref_slice %run_scoped3A[%rem3A_295, %dma_start3A_306, %dma_start3A_307] : memref<2x1x256xi32, #tpu.memory_space<vmem>> -> memref<1x1x256xi32, #tpu.memory_space<vmem>>
            %dma_start3A_309 = tpu.memref_squeeze %dma_start3A_308 : memref<1x1x256xi32, #tpu.memory_space<vmem>> -> memref<1x256xi32, #tpu.memory_space<vmem>>
            %dma_start3A_310 = arith.constant 0 : i32
            %dma_start3A_311 = tpu.memref_slice %arg3[%dma_start3A_310, %mul3A_297] : memref<1x4096xi32, #tpu.memory_space<hbm>> -> memref<1x256xi32, #tpu.memory_space<hbm>>
            tpu.enqueue_dma source(%dma_start3A_311 : memref<1x256xi32, #tpu.memory_space<hbm>>) target(%dma_start3A_309 : memref<1x256xi32, #tpu.memory_space<vmem>>) target_semaphore(%dma_start3A_305 : memref<!tpu.dma_semaphore, #tpu.memory_space<semaphore_mem>>)
            "tpu.trace_stop"() : () -> ()
          } else {
          }
          %and3A_191 = arith.constant true
          %and3A_192 = arith.andi %and3A, %and3A_191 : i1
          %add3A_193 = arith.constant 1 : i32
          %add3A_194 = arith.addi %while3A_143, %add3A_193 : i32
          %select_n3A_195 = arith.select %and3A_192, %add3A_194, %while3A_143 : i32
          %ne3A_196 = arith.cmpi ne, %add3A_155, %add3A_173 : i32
          %or3A_197 = arith.constant false
          %or3A_198 = arith.ori %or3A_197, %ne3A_196 : i1
          %or3A_199 = arith.constant false
          %or3A_200 = arith.ori %or3A_198, %or3A_199 : i1
          %sub3A_201 = arith.constant 2 : i32
          %sub3A_202 = arith.subi %mul3A_149, %sub3A_201 : i32
          %add3A_203 = arith.constant 1 : i32
          %add3A_204 = arith.addi %sub3A_202, %add3A_203 : i32
          %ge3A_205 = arith.cmpi sge, %while3A_142, %add3A_204 : i32
          %not3A_206 = arith.constant true
          %not3A_207 = arith.xori %ge3A_205, %not3A_206 : i1
          %and3A_208 = arith.andi %or3A_200, %not3A_207 : i1
          %ne3A_209 = arith.cmpi ne, %add3A_155, %add3A_165 : i32
          %or3A_210 = arith.constant false
          %or3A_211 = arith.ori %or3A_210, %ne3A_209 : i1
          %or3A_212 = arith.ori %or3A_211, %eq3A_151 : i1
          %convert_element_type3A_213 = arith.extui %or3A_212 : i1 to i32
          %cond3A_214 = arith.constant 0 : i32
          %cond3A_215 = arith.cmpi ne, %convert_element_type3A_213, %cond3A_214 : i32
          scf.if %cond3A_215 {
            "tpu.trace_start"() <{level = 10 : i32, message = "ep_wait_in"}> : () -> ()
            %mul3A_294 = arith.constant 256 : i32
            %mul3A_295 = arith.muli %mul3A_294, %add3A_155 : i32
            %rem3A_296 = arith.constant 2 : i32
            %rem3A_297 = arith.remui %while3A_144, %rem3A_296 : i32
            %dma_wait3A = arith.constant 0 : i32
            %dma_wait3A_298 = arith.constant 0 : i32
            %dma_wait3A_299 = tpu.memref_slice %run_scoped3A[%rem3A_297, %dma_wait3A, %dma_wait3A_298] : memref<2x1x256xi32, #tpu.memory_space<vmem>> -> memref<1x1x256xi32, #tpu.memory_space<vmem>>
            %dma_wait3A_300 = tpu.memref_squeeze %dma_wait3A_299 : memref<1x1x256xi32, #tpu.memory_space<vmem>> -> memref<1x256xi32, #tpu.memory_space<vmem>>
            %dma_wait3A_301 = arith.constant 0 : i32
            %dma_wait3A_302 = tpu.memref_slice %arg3[%dma_wait3A_301, %mul3A_295] : memref<1x4096xi32, #tpu.memory_space<hbm>> -> memref<1x256xi32, #tpu.memory_space<hbm>>
            %dma_wait3A_303 = tpu.memref_slice %run_scoped3A_17[%rem3A_297] : memref<2x!tpu.dma_semaphore, #tpu.memory_space<semaphore_mem>> -> memref<1x!tpu.dma_semaphore, #tpu.memory_space<semaphore_mem>>
            %dma_wait3A_304 = tpu.memref_squeeze %dma_wait3A_303 : memref<1x!tpu.dma_semaphore, #tpu.memory_space<semaphore_mem>> -> memref<!tpu.dma_semaphore, #tpu.memory_space<semaphore_mem>>
            %dma_wait3A_305 = arith.constant 0 : i32
            %dma_wait3A_306 = arith.constant 0 : i32
            %dma_wait3A_307 = tpu.memref_slice %run_scoped3A[%rem3A_297, %dma_wait3A_305, %dma_wait3A_306] : memref<2x1x256xi32, #tpu.memory_space<vmem>> -> memref<1x1x256xi32, #tpu.memory_space<vmem>>
            %dma_wait3A_308 = tpu.memref_squeeze %dma_wait3A_307 : memref<1x1x256xi32, #tpu.memory_space<vmem>> -> memref<1x256xi32, #tpu.memory_space<vmem>>
            %dma_wait3A_309 = arith.constant 0 : i32
            %dma_wait3A_310 = tpu.memref_slice %arg3[%dma_wait3A_309, %mul3A_295] : memref<1x4096xi32, #tpu.memory_space<hbm>> -> memref<1x256xi32, #tpu.memory_space<hbm>>
            tpu.wait_dma2 semaphore(%dma_wait3A_304 : memref<!tpu.dma_semaphore, #tpu.memory_space<semaphore_mem>>) src(%dma_wait3A_310 : memref<1x256xi32, #tpu.memory_space<hbm>>) dst(%dma_wait3A_308 : memref<1x256xi32, #tpu.memory_space<vmem>>)
            "tpu.trace_stop"() : () -> ()
          } else {
          }
          %ne3A_216 = arith.cmpi ne, %add3A_155, %add3A_165 : i32
          %or3A_217 = arith.constant false
          %or3A_218 = arith.ori %or3A_217, %ne3A_216 : i1
          %or3A_219 = arith.constant false
          %or3A_220 = arith.ori %or3A_218, %or3A_219 : i1
          %or3A_221 = arith.ori %or3A_220, %eq3A_151 : i1
          %convert_element_type3A_222 = arith.extui %or3A_221 : i1 to i32
          %cond3A_223 = arith.constant 0 : i32
          %cond3A_224 = arith.cmpi ne, %convert_element_type3A_222, %cond3A_223 : i32
          scf.if %cond3A_224 {
          } else {
          }
          %rem3A_225 = arith.constant 2 : i32
          %rem3A_226 = arith.remui %while3A_144, %rem3A_225 : i32
          %rem3A_227 = arith.constant 2 : i32
          %rem3A_228 = arith.remui %while3A_145, %rem3A_227 : i32
          %run_scoped3A_229 = arith.constant 0 : i32
          "tpu.trace_start"() <{level = 10 : i32, message = "ep_run_kernel"}> : () -> ()
          "tpu.region"() ({
            %run_scoped3A_294 = tpu.sem_alloc : memref<!tpu.dma_semaphore, #tpu.memory_space<semaphore_mem>>
            %dma_start3A_295 = arith.constant 0 : i32
            %dma_start3A_296 = arith.constant 0 : i32
            %dma_start3A_297 = tpu.memref_slice %run_scoped3A_18[%rem3A_228, %dma_start3A_295, %dma_start3A_296] : memref<2x256x128xf32, #tpu.memory_space<vmem>> -> memref<1x256x128xf32, #tpu.memory_space<vmem>>
            %dma_start3A_298 = tpu.memref_squeeze %dma_start3A_297 : memref<1x256x128xf32, #tpu.memory_space<vmem>> -> memref<256x128xf32, #tpu.memory_space<vmem>>
            %dma_start3A_299 = arith.constant 0 : i32
            %dma_start3A_300 = arith.constant 0 : i32
            %dma_start3A_301 = tpu.memref_slice %run_scoped3A[%rem3A_226, %dma_start3A_299, %dma_start3A_300] : memref<2x1x256xi32, #tpu.memory_space<vmem>> -> memref<1x1x256xi32, #tpu.memory_space<vmem>>
            %dma_start3A_302 = tpu.memref_squeeze %dma_start3A_301 : memref<1x1x256xi32, #tpu.memory_space<vmem>> -> memref<1x256xi32, #tpu.memory_space<vmem>>
            %dma_start3A_303 = arith.constant 0 : i32
            %dma_start3A_304 = tpu.memref_slice %dma_start3A_302[%run_scoped3A_229, %dma_start3A_303] : memref<1x256xi32, #tpu.memory_space<vmem>> -> memref<1x256xi32, #tpu.memory_space<vmem>>
            %dma_start3A_305 = tpu.memref_squeeze %dma_start3A_304 : memref<1x256xi32, #tpu.memory_space<vmem>> -> memref<256xi32, #tpu.memory_space<vmem>>
            %dma_start3A_306 = arith.constant 0 : i32
            %dma_start3A_307 = arith.constant 0 : i32
            %dma_start3A_308 = tpu.memref_slice %arg2[%dma_start3A_306, %dma_start3A_307] : memref<8192x128xf32, #tpu.memory_space<hbm>> -> memref<8192x128xf32, #tpu.memory_space<hbm>>
            tpu.enqueue_indirect_dma source(%dma_start3A_308 : memref<8192x128xf32, #tpu.memory_space<hbm>>) target(%dma_start3A_298 : memref<256x128xf32, #tpu.memory_space<vmem>>) offsets(%dma_start3A_305 : memref<256xi32, #tpu.memory_space<vmem>>) semaphore(%run_scoped3A_294 : memref<!tpu.dma_semaphore, #tpu.memory_space<semaphore_mem>>)
            %dma_wait3A = arith.constant 0 : i32
            %dma_wait3A_309 = arith.constant 0 : i32
            %dma_wait3A_310 = tpu.memref_slice %run_scoped3A_18[%rem3A_228, %dma_wait3A, %dma_wait3A_309] : memref<2x256x128xf32, #tpu.memory_space<vmem>> -> memref<1x256x128xf32, #tpu.memory_space<vmem>>
            %dma_wait3A_311 = tpu.memref_squeeze %dma_wait3A_310 : memref<1x256x128xf32, #tpu.memory_space<vmem>> -> memref<256x128xf32, #tpu.memory_space<vmem>>
            %dma_wait3A_312 = arith.constant 0 : i32
            %dma_wait3A_313 = arith.constant 0 : i32
            %dma_wait3A_314 = tpu.memref_slice %run_scoped3A[%rem3A_226, %dma_wait3A_312, %dma_wait3A_313] : memref<2x1x256xi32, #tpu.memory_space<vmem>> -> memref<1x1x256xi32, #tpu.memory_space<vmem>>
            %dma_wait3A_315 = tpu.memref_squeeze %dma_wait3A_314 : memref<1x1x256xi32, #tpu.memory_space<vmem>> -> memref<1x256xi32, #tpu.memory_space<vmem>>
            %dma_wait3A_316 = arith.constant 0 : i32
            %dma_wait3A_317 = tpu.memref_slice %dma_wait3A_315[%run_scoped3A_229, %dma_wait3A_316] : memref<1x256xi32, #tpu.memory_space<vmem>> -> memref<1x256xi32, #tpu.memory_space<vmem>>
            %dma_wait3A_318 = tpu.memref_squeeze %dma_wait3A_317 : memref<1x256xi32, #tpu.memory_space<vmem>> -> memref<256xi32, #tpu.memory_space<vmem>>
            %dma_wait3A_319 = arith.constant 0 : i32
            %dma_wait3A_320 = arith.constant 0 : i32
            %dma_wait3A_321 = tpu.memref_slice %arg2[%dma_wait3A_319, %dma_wait3A_320] : memref<8192x128xf32, #tpu.memory_space<hbm>> -> memref<8192x128xf32, #tpu.memory_space<hbm>>
            tpu.wait_indirect_dma semaphore(%run_scoped3A_294 : memref<!tpu.dma_semaphore, #tpu.memory_space<semaphore_mem>>) src(%dma_wait3A_321 : memref<8192x128xf32, #tpu.memory_space<hbm>>) dst(%dma_wait3A_311 : memref<256x128xf32, #tpu.memory_space<vmem>>)
            tpu.yield
          }) : () -> ()
          "tpu.trace_stop"() : () -> ()
          %ne3A_230 = arith.cmpi ne, %add3A_155, %add3A_173 : i32
          %or3A_231 = arith.constant false
          %or3A_232 = arith.ori %or3A_231, %ne3A_230 : i1
          %or3A_233 = arith.ori %or3A_232, %eq3A_154 : i1
          %convert_element_type3A_234 = arith.extui %or3A_233 : i1 to i32
          %cond3A_235 = arith.constant 0 : i32
          %cond3A_236 = arith.cmpi ne, %convert_element_type3A_234, %cond3A_235 : i32
          scf.if %cond3A_236 {
          } else {
          }
          %and3A_237 = arith.constant false
          %and3A_238 = arith.andi %or3A_233, %and3A_237 : i1
          %ne3A_239 = arith.cmpi ne, %add3A_155, %add3A_173 : i32
          %or3A_240 = arith.constant false
          %or3A_241 = arith.ori %or3A_240, %ne3A_239 : i1
          %or3A_242 = arith.constant false
          %or3A_243 = arith.ori %or3A_241, %or3A_242 : i1
          %or3A_244 = arith.ori %or3A_243, %eq3A_154 : i1
          %convert_element_type3A_245 = arith.extui %or3A_244 : i1 to i32
          %cond3A_246 = arith.constant 0 : i32
          %cond3A_247 = arith.cmpi ne, %convert_element_type3A_245, %cond3A_246 : i32
          scf.if %cond3A_247 {
            "tpu.trace_start"() <{level = 10 : i32, message = "ep_copy_out"}> : () -> ()
            %rem3A_294 = arith.constant 2 : i32
            %rem3A_295 = arith.remui %while3A_145, %rem3A_294 : i32
            %mul3A_296 = arith.constant 256 : i32
            %mul3A_297 = arith.muli %mul3A_296, %add3A_155 : i32
            %dma_start3A_298 = arith.constant 0 : i32
            %dma_start3A_299 = arith.constant 0 : i32
            %dma_start3A_300 = tpu.memref_slice %run_scoped3A_18[%rem3A_295, %dma_start3A_298, %dma_start3A_299] : memref<2x256x128xf32, #tpu.memory_space<vmem>> -> memref<1x256x128xf32, #tpu.memory_space<vmem>>
            %dma_start3A_301 = tpu.memref_squeeze %dma_start3A_300 : memref<1x256x128xf32, #tpu.memory_space<vmem>> -> memref<256x128xf32, #tpu.memory_space<vmem>>
            %dma_start3A_302 = arith.constant 0 : i32
            %dma_start3A_303 = tpu.memref_slice %arg4[%mul3A_297, %dma_start3A_302] : memref<4096x128xf32, #tpu.memory_space<hbm>> -> memref<256x128xf32, #tpu.memory_space<hbm>>
            %dma_start3A_304 = tpu.memref_slice %run_scoped3A_19[%rem3A_295] : memref<2x!tpu.dma_semaphore, #tpu.memory_space<semaphore_mem>> -> memref<1x!tpu.dma_semaphore, #tpu.memory_space<semaphore_mem>>
            %dma_start3A_305 = tpu.memref_squeeze %dma_start3A_304 : memref<1x!tpu.dma_semaphore, #tpu.memory_space<semaphore_mem>> -> memref<!tpu.dma_semaphore, #tpu.memory_space<semaphore_mem>>
            %dma_start3A_306 = arith.constant 0 : i32
            %dma_start3A_307 = tpu.memref_slice %arg4[%mul3A_297, %dma_start3A_306] : memref<4096x128xf32, #tpu.memory_space<hbm>> -> memref<256x128xf32, #tpu.memory_space<hbm>>
            %dma_start3A_308 = arith.constant 0 : i32
            %dma_start3A_309 = arith.constant 0 : i32
            %dma_start3A_310 = tpu.memref_slice %run_scoped3A_18[%rem3A_295, %dma_start3A_308, %dma_start3A_309] : memref<2x256x128xf32, #tpu.memory_space<vmem>> -> memref<1x256x128xf32, #tpu.memory_space<vmem>>
            %dma_start3A_311 = tpu.memref_squeeze %dma_start3A_310 : memref<1x256x128xf32, #tpu.memory_space<vmem>> -> memref<256x128xf32, #tpu.memory_space<vmem>>
            tpu.enqueue_dma source(%dma_start3A_311 : memref<256x128xf32, #tpu.memory_space<vmem>>) target(%dma_start3A_307 : memref<256x128xf32, #tpu.memory_space<hbm>>) target_semaphore(%dma_start3A_305 : memref<!tpu.dma_semaphore, #tpu.memory_space<semaphore_mem>>)
            "tpu.trace_stop"() : () -> ()
          } else {
          }
          %and3A_248 = arith.constant true
          %and3A_249 = arith.andi %or3A_244, %and3A_248 : i1
          %add3A_250 = arith.constant 1 : i32
          %add3A_251 = arith.addi %while3A_145, %add3A_250 : i32
          %select_n3A_252 = arith.select %and3A_249, %add3A_251, %while3A_145 : i32
          %ne3A_253 = arith.cmpi ne, %add3A_155, %add3A_165 : i32
          %or3A_254 = arith.constant false
          %or3A_255 = arith.ori %or3A_254, %ne3A_253 : i1
          %not3A_256 = arith.constant true
          %not3A_257 = arith.xori %eq3A_151, %not3A_256 : i1
          %and3A_258 = arith.andi %or3A_255, %not3A_257 : i1
          %convert_element_type3A_259 = arith.extui %and3A_258 : i1 to i32
          %cond3A_260 = arith.constant 0 : i32
          %cond3A_261 = arith.cmpi ne, %convert_element_type3A_259, %cond3A_260 : i32
          scf.if %cond3A_261 {
          } else {
          }
          %and3A_262 = arith.constant false
          %and3A_263 = arith.andi %and3A_258, %and3A_262 : i1
          %ne3A_264 = arith.cmpi ne, %add3A_155, %add3A_165 : i32
          %or3A_265 = arith.constant false
          %or3A_266 = arith.ori %or3A_265, %ne3A_264 : i1
          %or3A_267 = arith.constant false
          %or3A_268 = arith.ori %or3A_266, %or3A_267 : i1
          %not3A_269 = arith.constant true
          %not3A_270 = arith.xori %eq3A_151, %not3A_269 : i1
          %and3A_271 = arith.andi %or3A_268, %not3A_270 : i1
          %convert_element_type3A_272 = arith.extui %and3A_271 : i1 to i32
          %cond3A_273 = arith.constant 0 : i32
          %cond3A_274 = arith.cmpi ne, %convert_element_type3A_272, %cond3A_273 : i32
          scf.if %cond3A_274 {
            "tpu.trace_start"() <{level = 10 : i32, message = "ep_wait_out"}> : () -> ()
            %rem3A_294 = arith.constant 2 : i32
            %rem3A_295 = arith.remui %while3A_146, %rem3A_294 : i32
            %mul3A_296 = arith.constant 256 : i32
            %mul3A_297 = arith.muli %mul3A_296, %add3A_165 : i32
            %dma_wait3A = arith.constant 0 : i32
            %dma_wait3A_298 = arith.constant 0 : i32
            %dma_wait3A_299 = tpu.memref_slice %run_scoped3A_18[%rem3A_295, %dma_wait3A, %dma_wait3A_298] : memref<2x256x128xf32, #tpu.memory_space<vmem>> -> memref<1x256x128xf32, #tpu.memory_space<vmem>>
            %dma_wait3A_300 = tpu.memref_squeeze %dma_wait3A_299 : memref<1x256x128xf32, #tpu.memory_space<vmem>> -> memref<256x128xf32, #tpu.memory_space<vmem>>
            %dma_wait3A_301 = arith.constant 0 : i32
            %dma_wait3A_302 = tpu.memref_slice %arg4[%mul3A_297, %dma_wait3A_301] : memref<4096x128xf32, #tpu.memory_space<hbm>> -> memref<256x128xf32, #tpu.memory_space<hbm>>
            %dma_wait3A_303 = tpu.memref_slice %run_scoped3A_19[%rem3A_295] : memref<2x!tpu.dma_semaphore, #tpu.memory_space<semaphore_mem>> -> memref<1x!tpu.dma_semaphore, #tpu.memory_space<semaphore_mem>>
            %dma_wait3A_304 = tpu.memref_squeeze %dma_wait3A_303 : memref<1x!tpu.dma_semaphore, #tpu.memory_space<semaphore_mem>> -> memref<!tpu.dma_semaphore, #tpu.memory_space<semaphore_mem>>
            %dma_wait3A_305 = arith.constant 0 : i32
            %dma_wait3A_306 = tpu.memref_slice %arg4[%mul3A_297, %dma_wait3A_305] : memref<4096x128xf32, #tpu.memory_space<hbm>> -> memref<256x128xf32, #tpu.memory_space<hbm>>
            %dma_wait3A_307 = arith.constant 0 : i32
            %dma_wait3A_308 = arith.constant 0 : i32
            %dma_wait3A_309 = tpu.memref_slice %run_scoped3A_18[%rem3A_295, %dma_wait3A_307, %dma_wait3A_308] : memref<2x256x128xf32, #tpu.memory_space<vmem>> -> memref<1x256x128xf32, #tpu.memory_space<vmem>>
            %dma_wait3A_310 = tpu.memref_squeeze %dma_wait3A_309 : memref<1x256x128xf32, #tpu.memory_space<vmem>> -> memref<256x128xf32, #tpu.memory_space<vmem>>
            tpu.wait_dma2 semaphore(%dma_wait3A_304 : memref<!tpu.dma_semaphore, #tpu.memory_space<semaphore_mem>>) src(%dma_wait3A_310 : memref<256x128xf32, #tpu.memory_space<vmem>>) dst(%dma_wait3A_306 : memref<256x128xf32, #tpu.memory_space<hbm>>)
            "tpu.trace_stop"() : () -> ()
          } else {
          }
          %and3A_275 = arith.constant true
          %and3A_276 = arith.andi %and3A_271, %and3A_275 : i1
          %add3A_277 = arith.constant 1 : i32
          %add3A_278 = arith.addi %while3A_146, %add3A_277 : i32
          %select_n3A_279 = arith.select %and3A_276, %add3A_278, %while3A_146 : i32
          %ne3A_280 = arith.cmpi ne, %add3A_155, %add3A_173 : i32
          %or3A_281 = arith.constant false
          %or3A_282 = arith.ori %or3A_281, %ne3A_280 : i1
          %or3A_283 = arith.ori %or3A_282, %eq3A_154 : i1
          %add3A_284 = arith.constant 1 : i32
          %add3A_285 = arith.addi %while3A_144, %add3A_284 : i32
          %select_n3A_286 = arith.select %or3A_283, %add3A_285, %while3A_144 : i32
          %add3A_287 = arith.constant 1 : i32
          %add3A_288 = arith.addi %while3A_147, %add3A_287 : i32
          %select_n3A_289 = arith.constant true
          %select_n3A_290 = arith.select %select_n3A_289, %add3A_288, %while3A_147 : i32
          %eq3A_291 = arith.cmpi eq, %select_n3A_290, %select_n3A : i32
          %select_n3A_292 = arith.constant 0 : i32
          %select_n3A_293 = arith.select %eq3A_291, %select_n3A_292, %select_n3A_290 : i32
          scf.yield %select_n3A_195, %select_n3A_286, %select_n3A_252, %select_n3A_279, %select_n3A_293 : i32, i32, i32, i32, i32
        }
        %sub3A_91 = arith.constant 1 : i32
        %sub3A_92 = arith.subi %while3A_90#4, %sub3A_91 : i32
        %select_n3A_93 = arith.constant true
        %select_n3A_94 = arith.select %select_n3A_93, %sub3A_92, %while3A_90#4 : i32
        %eq3A_95 = arith.constant -1 : i32
        %eq3A_96 = arith.cmpi eq, %select_n3A_94, %eq3A_95 : i32
        %sub3A_97 = arith.constant 1 : i32
        %sub3A_98 = arith.subi %select_n3A, %sub3A_97 : i32
        %select_n3A_99 = arith.select %eq3A_96, %sub3A_98, %select_n3A_94 : i32
        %sub3A_100 = arith.constant 1 : i32
        %sub3A_101 = arith.subi %mul3A_16, %sub3A_100 : i32
        %mul3A_102 = arith.constant 1 : i32
        %mul3A_103 = arith.muli %mul3A_102, %select_n3A : i32
        %eq3A_104 = arith.constant 0 : i32
        %eq3A_105 = arith.cmpi eq, %sub3A_101, %eq3A_104 : i32
        %sub3A_106 = arith.constant 1 : i32
        %sub3A_107 = arith.subi %mul3A_103, %sub3A_106 : i32
        %eq3A_108 = arith.cmpi eq, %sub3A_101, %sub3A_107 : i32
        %add3A_109 = arith.addi %select_n3A_99, %select_n3A_14 : i32
        %sub3A_110 = arith.constant 1 : i32
        %sub3A_111 = arith.subi %select_n3A_99, %sub3A_110 : i32
        %select_n3A_112 = arith.constant true
        %select_n3A_113 = arith.select %select_n3A_112, %sub3A_111, %select_n3A_99 : i32
        %eq3A_114 = arith.constant -1 : i32
        %eq3A_115 = arith.cmpi eq, %select_n3A_113, %eq3A_114 : i32
        %sub3A_116 = arith.constant 1 : i32
        %sub3A_117 = arith.subi %select_n3A, %sub3A_116 : i32
        %select_n3A_118 = arith.select %eq3A_115, %sub3A_117, %select_n3A_113 : i32
        %add3A_119 = arith.addi %select_n3A_118, %select_n3A_14 : i32
        %add3A_120 = arith.constant 1 : i32
        %add3A_121 = arith.addi %select_n3A_99, %add3A_120 : i32
        %select_n3A_122 = arith.constant true
        %select_n3A_123 = arith.select %select_n3A_122, %add3A_121, %select_n3A_99 : i32
        %eq3A_124 = arith.cmpi eq, %select_n3A_123, %select_n3A : i32
        %select_n3A_125 = arith.constant 0 : i32
        %select_n3A_126 = arith.select %eq3A_124, %select_n3A_125, %select_n3A_123 : i32
        %add3A_127 = arith.addi %select_n3A_126, %select_n3A_14 : i32
        %add3A_128 = arith.constant 1 : i32
        %add3A_129 = arith.addi %select_n3A_126, %add3A_128 : i32
        %select_n3A_130 = arith.constant true
        %select_n3A_131 = arith.select %select_n3A_130, %add3A_129, %select_n3A_126 : i32
        %eq3A_132 = arith.cmpi eq, %select_n3A_131, %select_n3A : i32
        %select_n3A_133 = arith.constant 0 : i32
        %select_n3A_134 = arith.select %eq3A_132, %select_n3A_133, %select_n3A_131 : i32
        %add3A_135 = arith.addi %select_n3A_134, %select_n3A_14 : i32
        %convert_element_type3A_136 = arith.extui %eq3A_108 : i1 to i32
        %cond3A_137 = arith.constant 0 : i32
        %cond3A_138 = arith.cmpi ne, %convert_element_type3A_136, %cond3A_137 : i32
        scf.if %cond3A_138 {
        } else {
        }
        %convert_element_type3A_139 = arith.extui %eq3A_108 : i1 to i32
        %cond3A_140 = arith.constant 0 : i32
        %cond3A_141 = arith.cmpi ne, %convert_element_type3A_139, %cond3A_140 : i32
        scf.if %cond3A_141 {
          "tpu.trace_start"() <{level = 10 : i32, message = "ep_finalize"}> : () -> ()
          %rem3A_142 = arith.constant 2 : i32
          %rem3A_143 = arith.remui %while3A_90#3, %rem3A_142 : i32
          %mul3A_144 = arith.constant 256 : i32
          %mul3A_145 = arith.muli %mul3A_144, %add3A_109 : i32
          %dma_wait3A = arith.constant 0 : i32
          %dma_wait3A_146 = arith.constant 0 : i32
          %dma_wait3A_147 = tpu.memref_slice %run_scoped3A_18[%rem3A_143, %dma_wait3A, %dma_wait3A_146] : memref<2x256x128xf32, #tpu.memory_space<vmem>> -> memref<1x256x128xf32, #tpu.memory_space<vmem>>
          %dma_wait3A_148 = tpu.memref_squeeze %dma_wait3A_147 : memref<1x256x128xf32, #tpu.memory_space<vmem>> -> memref<256x128xf32, #tpu.memory_space<vmem>>
          %dma_wait3A_149 = arith.constant 0 : i32
          %dma_wait3A_150 = tpu.memref_slice %arg4[%mul3A_145, %dma_wait3A_149] : memref<4096x128xf32, #tpu.memory_space<hbm>> -> memref<256x128xf32, #tpu.memory_space<hbm>>
          %dma_wait3A_151 = tpu.memref_slice %run_scoped3A_19[%rem3A_143] : memref<2x!tpu.dma_semaphore, #tpu.memory_space<semaphore_mem>> -> memref<1x!tpu.dma_semaphore, #tpu.memory_space<semaphore_mem>>
          %dma_wait3A_152 = tpu.memref_squeeze %dma_wait3A_151 : memref<1x!tpu.dma_semaphore, #tpu.memory_space<semaphore_mem>> -> memref<!tpu.dma_semaphore, #tpu.memory_space<semaphore_mem>>
          %dma_wait3A_153 = arith.constant 0 : i32
          %dma_wait3A_154 = tpu.memref_slice %arg4[%mul3A_145, %dma_wait3A_153] : memref<4096x128xf32, #tpu.memory_space<hbm>> -> memref<256x128xf32, #tpu.memory_space<hbm>>
          %dma_wait3A_155 = arith.constant 0 : i32
          %dma_wait3A_156 = arith.constant 0 : i32
          %dma_wait3A_157 = tpu.memref_slice %run_scoped3A_18[%rem3A_143, %dma_wait3A_155, %dma_wait3A_156] : memref<2x256x128xf32, #tpu.memory_space<vmem>> -> memref<1x256x128xf32, #tpu.memory_space<vmem>>
          %dma_wait3A_158 = tpu.memref_squeeze %dma_wait3A_157 : memref<1x256x128xf32, #tpu.memory_space<vmem>> -> memref<256x128xf32, #tpu.memory_space<vmem>>
          tpu.wait_dma2 semaphore(%dma_wait3A_152 : memref<!tpu.dma_semaphore, #tpu.memory_space<semaphore_mem>>) src(%dma_wait3A_158 : memref<256x128xf32, #tpu.memory_space<vmem>>) dst(%dma_wait3A_154 : memref<256x128xf32, #tpu.memory_space<hbm>>)
          "tpu.trace_stop"() : () -> ()
        } else {
        }
      } else {
      }
      tpu.yield
    }) : () -> ()
    return
  }
}

module attributes {stable_mosaic.version = 14 : i64} {
  func.func @_var_body(%arg0: i32, %arg1: memref<2048x512xf32, #tpu.memory_space<vmem>>, %arg2: memref<1x512xf32, #tpu.memory_space<vmem>>, %arg3: memref<1x512xf32, #tpu.memory_space<vmem>>) attributes {dimension_semantics = [#tpu.dimension_semantics<arbitrary>], iteration_bounds = array<i64: 4>, scalar_prefetch = 0 : i64, scratch_operands = 0 : i64, tpu.core_type = #tpu.core_type<tc>, window_params = [{transform_indices = @transform_0, window_bounds = array<i64: 2048, 512>}, {pipeline_mode = #tpu.pipeline_mode<synchronous>, transform_indices = @transform_1, window_bounds = array<i64: 1, 512>}, {pipeline_mode = #tpu.pipeline_mode<synchronous>, transform_indices = @transform_2, window_bounds = array<i64: 1, 512>}]} {
    %eq3A = arith.constant 0 : i32
    %eq3A_0 = arith.cmpi eq, %arg0, %eq3A : i32
    %convert_element_type3A = arith.extui %eq3A_0 : i1 to i32
    %cond3A = arith.constant 0 : i32
    %cond3A_1 = arith.cmpi ne, %convert_element_type3A, %cond3A : i32
    scf.if %cond3A_1 {
      %broadcast_in_dim3A_17 = arith.constant 0.000000e+00 : f32
      %broadcast_in_dim3A_18 = vector.broadcast %broadcast_in_dim3A_17 : f32 to vector<1x512xf32>
      %swap3A_19 = arith.constant 0 : index
      %swap3A_20 = arith.constant 0 : index
      %swap3A_21 = vector.load %arg3[%swap3A_19, %swap3A_20] : memref<1x512xf32, #tpu.memory_space<vmem>>, vector<1x512xf32>
      tpu.vector_store %arg3[%swap3A_19, %swap3A_20], %broadcast_in_dim3A_18 {strides = array<i32>} : memref<1x512xf32, #tpu.memory_space<vmem>>, vector<1x512xf32>,
    } else {
    }
    %get3A = arith.constant 0 : index
    %get3A_2 = arith.constant 0 : index
    %get3A_3 = vector.load %arg2[%get3A, %get3A_2] : memref<1x512xf32, #tpu.memory_space<vmem>>, vector<1x512xf32>
    %mul3A = arith.constant 1.22070313E-4 : f32
    %mul3A_4 = vector.broadcast %mul3A : f32 to vector<1x512xf32>
    %mul3A_5 = arith.mulf %get3A_3, %mul3A_4 : vector<1x512xf32>
    %get3A_6 = arith.constant 0 : index
    %get3A_7 = arith.constant 0 : index
    %get3A_8 = vector.load %arg1[%get3A_6, %get3A_7] : memref<2048x512xf32, #tpu.memory_space<vmem>>, vector<2048x512xf32>
    %sub3A = vector.broadcast %mul3A_5 : vector<1x512xf32> to vector<2048x512xf32>
    %sub3A_9 = arith.subf %get3A_8, %sub3A : vector<2048x512xf32>
    %get3A_10 = arith.constant 0 : index
    %get3A_11 = arith.constant 0 : index
    %get3A_12 = vector.load %arg3[%get3A_10, %get3A_11] : memref<1x512xf32, #tpu.memory_space<vmem>>, vector<1x512xf32>
    %mul3A_13 = arith.mulf %sub3A_9, %sub3A_9 : vector<2048x512xf32>
    %reduce_sum3A = arith.constant dense<0.000000e+00> : vector<512xf32>
    %reduce_sum3A_14 = vector.multi_reduction <add>, %mul3A_13, %reduce_sum3A [0] : vector<2048x512xf32> to vector<512xf32>
    %broadcast_in_dim3A = vector.shape_cast %reduce_sum3A_14 : vector<512xf32> to vector<1x512xf32>
    %add3A = arith.addf %get3A_12, %broadcast_in_dim3A : vector<1x512xf32>
    %swap3A = arith.constant 0 : index
    %swap3A_15 = arith.constant 0 : index
    %swap3A_16 = vector.load %arg3[%swap3A, %swap3A_15] : memref<1x512xf32, #tpu.memory_space<vmem>>, vector<1x512xf32>
    tpu.vector_store %arg3[%swap3A, %swap3A_15], %add3A {strides = array<i32>} : memref<1x512xf32, #tpu.memory_space<vmem>>, vector<1x512xf32>,
    return
  }
  func.func @transform_0(%arg0: i32) -> (i32, i32) {
    %c0_i32 = arith.constant 0 : i32
    %c0_i32_0 = arith.constant 0 : i32
    return %arg0, %c0_i32 : i32, i32
  }
  func.func @transform_1(%arg0: i32) -> (i32, i32) {
    %c0_i32 = arith.constant 0 : i32
    %c0_i32_0 = arith.constant 0 : i32
    %c0_i32_1 = arith.constant 0 : i32
    return %c0_i32, %c0_i32_0 : i32, i32
  }
  func.func @transform_2(%arg0: i32) -> (i32, i32) {
    %c0_i32 = arith.constant 0 : i32
    %c0_i32_0 = arith.constant 0 : i32
    %c0_i32_1 = arith.constant 0 : i32
    return %c0_i32, %c0_i32_0 : i32, i32
  }
}

module attributes {stable_mosaic.version = 14 : i64} {
  func.func @_enc1_body(%arg0: i32, %arg1: memref<1024x2048xf32, #tpu.memory_space<vmem>>, %arg2: memref<512x2048xf32, #tpu.memory_space<vmem>>, %arg3: memref<8192x64xf32, #tpu.memory_space<vmem>>, %arg4: memref<1024x512xf32, #tpu.memory_space<vmem>>, %arg5: memref<1x512xf32, #tpu.memory_space<vmem>>, %arg6: memref<8192x1xf32, #tpu.memory_space<vmem>>, %arg7: memref<8192x128xf32, #tpu.memory_space<vmem>>) attributes {dimension_semantics = [#tpu.dimension_semantics<arbitrary>], iteration_bounds = array<i64: 8>, scalar_prefetch = 0 : i64, scratch_operands = 0 : i64, tpu.core_type = #tpu.core_type<tc>, window_params = [{transform_indices = @transform_0, window_bounds = array<i64: 1024, 2048>}, {pipeline_mode = #tpu.pipeline_mode<synchronous>, transform_indices = @transform_1, window_bounds = array<i64: 512, 2048>}, {pipeline_mode = #tpu.pipeline_mode<synchronous>, transform_indices = @transform_2, window_bounds = array<i64: 8192, 64>}, {transform_indices = @transform_3, window_bounds = array<i64: 1024, 512>}, {pipeline_mode = #tpu.pipeline_mode<synchronous>, transform_indices = @transform_4, window_bounds = array<i64: 1, 512>}, {pipeline_mode = #tpu.pipeline_mode<synchronous>, transform_indices = @transform_5, window_bounds = array<i64: 8192, 1>}, {pipeline_mode = #tpu.pipeline_mode<synchronous>, transform_indices = @transform_6, window_bounds = array<i64: 8192, 128>}]} {
    %get3A = arith.constant 0 : index
    %get3A_0 = arith.constant 0 : index
    %get3A_1 = vector.load %arg1[%get3A, %get3A_0] : memref<1024x2048xf32, #tpu.memory_space<vmem>>, vector<1024x2048xf32>
    %get3A_2 = arith.constant 0 : index
    %get3A_3 = arith.constant 0 : index
    %get3A_4 = vector.load %arg2[%get3A_2, %get3A_3] : memref<512x2048xf32, #tpu.memory_space<vmem>>, vector<512x2048xf32>
    %convert_element_type3A = arith.truncf %get3A_1 : vector<1024x2048xf32> to vector<1024x2048xbf16>
    %convert_element_type3A_5 = arith.truncf %get3A_4 : vector<512x2048xf32> to vector<512x2048xbf16>
    %dot_general3A = arith.constant dense<0.000000e+00> : vector<1024x512xf32>
    %dot_general3A_6 = tpu.matmul %convert_element_type3A, %convert_element_type3A_5, %dot_general3A {dimension_numbers = #tpu.dot_dimension_numbers<[1], [1], [0], [0], [0, 0, 1, 0], [], []>, transpose_lhs_hint = false} : vector<1024x2048xbf16>, vector<512x2048xbf16>, vector<1024x512xf32> -> vector<1024x512xf32>
    %swap3A = arith.constant 0 : index
    %swap3A_7 = arith.constant 0 : index
    %swap3A_8 = vector.load %arg4[%swap3A, %swap3A_7] : memref<1024x512xf32, #tpu.memory_space<vmem>>, vector<1024x512xf32>
    tpu.vector_store %arg4[%swap3A, %swap3A_7], %dot_general3A_6 {strides = array<i32>} : memref<1024x512xf32, #tpu.memory_space<vmem>>, vector<1024x512xf32>,
    %eq3A = arith.constant 0 : i32
    %eq3A_9 = arith.cmpi eq, %arg0, %eq3A : i32
    %convert_element_type3A_10 = arith.extui %eq3A_9 : i1 to i32
    %cond3A = arith.constant 0 : i32
    %cond3A_11 = arith.cmpi ne, %convert_element_type3A_10, %cond3A : i32
    scf.if %cond3A_11 {
      %broadcast_in_dim3A_19 = arith.constant 0.000000e+00 : f32
      %broadcast_in_dim3A_20 = vector.broadcast %broadcast_in_dim3A_19 : f32 to vector<1x512xf32>
      %swap3A_21 = arith.constant 0 : index
      %swap3A_22 = arith.constant 0 : index
      %swap3A_23 = vector.load %arg5[%swap3A_21, %swap3A_22] : memref<1x512xf32, #tpu.memory_space<vmem>>, vector<1x512xf32>
      tpu.vector_store %arg5[%swap3A_21, %swap3A_22], %broadcast_in_dim3A_20 {strides = array<i32>} : memref<1x512xf32, #tpu.memory_space<vmem>>, vector<1x512xf32>,
      %get3A_24 = arith.constant 0 : index
      %get3A_25 = arith.constant 0 : index
      %get3A_26 = vector.load %arg3[%get3A_24, %get3A_25] : memref<8192x64xf32, #tpu.memory_space<vmem>>, vector<8192x64xf32>
      %mul3A = arith.mulf %get3A_26, %get3A_26 : vector<8192x64xf32>
      %reduce_sum3A_27 = arith.constant dense<0.000000e+00> : vector<8192xf32>
      %reduce_sum3A_28 = vector.multi_reduction <add>, %mul3A, %reduce_sum3A_27 [1] : vector<8192x64xf32> to vector<8192xf32>
      %broadcast_in_dim3A_29 = vector.shape_cast %reduce_sum3A_28 : vector<8192xf32> to vector<8192x1xf32>
      %swap3A_30 = arith.constant 0 : index
      %swap3A_31 = arith.constant 0 : index
      %swap3A_32 = vector.load %arg6[%swap3A_30, %swap3A_31] : memref<8192x1xf32, #tpu.memory_space<vmem>>, vector<8192x1xf32>
      tpu.vector_store %arg6[%swap3A_30, %swap3A_31], %broadcast_in_dim3A_29 {strides = array<i32>} : memref<8192x1xf32, #tpu.memory_space<vmem>>, vector<8192x1xf32>,
      %broadcast_in_dim3A_33 = arith.constant 0.000000e+00 : f32
      %broadcast_in_dim3A_34 = vector.broadcast %broadcast_in_dim3A_33 : f32 to vector<8192x64xf32>
      %concatenate3A = tpu.concatenate %get3A_26, %broadcast_in_dim3A_34 in 1 : vector<8192x64xf32>, vector<8192x64xf32> -> vector<8192x128xf32>
      %swap3A_35 = arith.constant 0 : index
      %swap3A_36 = arith.constant 0 : index
      %swap3A_37 = vector.load %arg7[%swap3A_35, %swap3A_36] : memref<8192x128xf32, #tpu.memory_space<vmem>>, vector<8192x128xf32>
      tpu.vector_store %arg7[%swap3A_35, %swap3A_36], %concatenate3A {strides = array<i32>} : memref<8192x128xf32, #tpu.memory_space<vmem>>, vector<8192x128xf32>,
    } else {
    }
    %get3A_12 = arith.constant 0 : index
    %get3A_13 = arith.constant 0 : index
    %get3A_14 = vector.load %arg5[%get3A_12, %get3A_13] : memref<1x512xf32, #tpu.memory_space<vmem>>, vector<1x512xf32>
    %reduce_sum3A = arith.constant dense<0.000000e+00> : vector<512xf32>
    %reduce_sum3A_15 = vector.multi_reduction <add>, %dot_general3A_6, %reduce_sum3A [0] : vector<1024x512xf32> to vector<512xf32>
    %broadcast_in_dim3A = vector.shape_cast %reduce_sum3A_15 : vector<512xf32> to vector<1x512xf32>
    %add3A = arith.addf %get3A_14, %broadcast_in_dim3A : vector<1x512xf32>
    %swap3A_16 = arith.constant 0 : index
    %swap3A_17 = arith.constant 0 : index
    %swap3A_18 = vector.load %arg5[%swap3A_16, %swap3A_17] : memref<1x512xf32, #tpu.memory_space<vmem>>, vector<1x512xf32>
    tpu.vector_store %arg5[%swap3A_16, %swap3A_17], %add3A {strides = array<i32>} : memref<1x512xf32, #tpu.memory_space<vmem>>, vector<1x512xf32>,
    return
  }
  func.func @transform_0(%arg0: i32) -> (i32, i32) {
    %c0_i32 = arith.constant 0 : i32
    %c0_i32_0 = arith.constant 0 : i32
    return %arg0, %c0_i32 : i32, i32
  }
  func.func @transform_1(%arg0: i32) -> (i32, i32) {
    %c0_i32 = arith.constant 0 : i32
    %c0_i32_0 = arith.constant 0 : i32
    %c0_i32_1 = arith.constant 0 : i32
    return %c0_i32, %c0_i32_0 : i32, i32
  }
  func.func @transform_2(%arg0: i32) -> (i32, i32) {
    %c0_i32 = arith.constant 0 : i32
    %c0_i32_0 = arith.constant 0 : i32
    %c0_i32_1 = arith.constant 0 : i32
    return %c0_i32, %c0_i32_0 : i32, i32
  }
  func.func @transform_3(%arg0: i32) -> (i32, i32) {
    %c0_i32 = arith.constant 0 : i32
    %c0_i32_0 = arith.constant 0 : i32
    return %arg0, %c0_i32 : i32, i32
  }
  func.func @transform_4(%arg0: i32) -> (i32, i32) {
    %c0_i32 = arith.constant 0 : i32
    %c0_i32_0 = arith.constant 0 : i32
    %c0_i32_1 = arith.constant 0 : i32
    return %c0_i32, %c0_i32_0 : i32, i32
  }
  func.func @transform_5(%arg0: i32) -> (i32, i32) {
    %c0_i32 = arith.constant 0 : i32
    %c0_i32_0 = arith.constant 0 : i32
    %c0_i32_1 = arith.constant 0 : i32
    return %c0_i32, %c0_i32_0 : i32, i32
  }
  func.func @transform_6(%arg0: i32) -> (i32, i32) {
    %c0_i32 = arith.constant 0 : i32
    %c0_i32_0 = arith.constant 0 : i32
    %c0_i32_1 = arith.constant 0 : i32
    return %c0_i32, %c0_i32_0 : i32, i32
  }
}

module attributes {stable_mosaic.version = 14 : i64} {
  func.func @_enc2_body(%arg0: i32, %arg1: memref<512x512xf32, #tpu.memory_space<vmem>>, %arg2: memref<1x512xf32, #tpu.memory_space<vmem>>, %arg3: memref<1x512xf32, #tpu.memory_space<vmem>>, %arg4: memref<1x512xf32, #tpu.memory_space<vmem>>, %arg5: memref<1x512xf32, #tpu.memory_space<vmem>>, %arg6: memref<64x512xf32, #tpu.memory_space<vmem>>, %arg7: memref<1x64xf32, #tpu.memory_space<vmem>>, %arg8: memref<8192x64xf32, #tpu.memory_space<vmem>>, %arg9: memref<1x8192xf32, #tpu.memory_space<vmem>>, %arg10: memref<512x64xf32, #tpu.memory_space<vmem>>, %arg11: memref<512x1xi32, #tpu.memory_space<vmem>>, %arg12: memref<1x512xi32, #tpu.memory_space<vmem>>) attributes {dimension_semantics = [#tpu.dimension_semantics<arbitrary>], iteration_bounds = array<i64: 8>, scalar_prefetch = 0 : i64, scratch_operands = 0 : i64, tpu.core_type = #tpu.core_type<tc>, window_params = [{transform_indices = @transform_0, window_bounds = array<i64: 512, 512>}, {pipeline_mode = #tpu.pipeline_mode<synchronous>, transform_indices = @transform_1, window_bounds = array<i64: 1, 512>}, {pipeline_mode = #tpu.pipeline_mode<synchronous>, transform_indices = @transform_2, window_bounds = array<i64: 1, 512>}, {pipeline_mode = #tpu.pipeline_mode<synchronous>, transform_indices = @transform_3, window_bounds = array<i64: 1, 512>}, {pipeline_mode = #tpu.pipeline_mode<synchronous>, transform_indices = @transform_4, window_bounds = array<i64: 1, 512>}, {pipeline_mode = #tpu.pipeline_mode<synchronous>, transform_indices = @transform_5, window_bounds = array<i64: 64, 512>}, {pipeline_mode = #tpu.pipeline_mode<synchronous>, transform_indices = @transform_6, window_bounds = array<i64: 1, 64>}, {pipeline_mode = #tpu.pipeline_mode<synchronous>, transform_indices = @transform_7, window_bounds = array<i64: 8192, 64>}, {pipeline_mode = #tpu.pipeline_mode<synchronous>, transform_indices = @transform_8, window_bounds = array<i64: 1, 8192>}, {transform_indices = @transform_9, window_bounds = array<i64: 512, 64>}, {transform_indices = @transform_10, window_bounds = array<i64: 512, 1>}, {transform_indices = @transform_11, window_bounds = array<i64: 1, 512>}]} {
    %get3A = arith.constant 0 : index
    %get3A_0 = arith.constant 0 : index
    %get3A_1 = vector.load %arg2[%get3A, %get3A_0] : memref<1x512xf32, #tpu.memory_space<vmem>>, vector<1x512xf32>
    %mul3A = arith.constant 1.22070313E-4 : f32
    %mul3A_2 = vector.broadcast %mul3A : f32 to vector<1x512xf32>
    %mul3A_3 = arith.mulf %get3A_1, %mul3A_2 : vector<1x512xf32>
    %get3A_4 = arith.constant 0 : index
    %get3A_5 = arith.constant 0 : index
    %get3A_6 = vector.load %arg3[%get3A_4, %get3A_5] : memref<1x512xf32, #tpu.memory_space<vmem>>, vector<1x512xf32>
    %mul3A_7 = arith.constant 1.22070313E-4 : f32
    %mul3A_8 = vector.broadcast %mul3A_7 : f32 to vector<1x512xf32>
    %mul3A_9 = arith.mulf %get3A_6, %mul3A_8 : vector<1x512xf32>
    %get3A_10 = arith.constant 0 : index
    %get3A_11 = arith.constant 0 : index
    %get3A_12 = vector.load %arg4[%get3A_10, %get3A_11] : memref<1x512xf32, #tpu.memory_space<vmem>>, vector<1x512xf32>
    %get3A_13 = arith.constant 0 : index
    %get3A_14 = arith.constant 0 : index
    %get3A_15 = vector.load %arg1[%get3A_13, %get3A_14] : memref<512x512xf32, #tpu.memory_space<vmem>>, vector<512x512xf32>
    %sub3A = vector.broadcast %mul3A_3 : vector<1x512xf32> to vector<512x512xf32>
    %sub3A_16 = arith.subf %get3A_15, %sub3A : vector<512x512xf32>
    %mul3A_17 = vector.broadcast %get3A_12 : vector<1x512xf32> to vector<512x512xf32>
    %mul3A_18 = arith.mulf %mul3A_17, %sub3A_16 : vector<512x512xf32>
    %add3A = arith.constant 9.99999974E-6 : f32
    %add3A_19 = vector.broadcast %add3A : f32 to vector<1x512xf32>
    %add3A_20 = arith.addf %mul3A_9, %add3A_19 : vector<1x512xf32>
    %rsqrt3A = math.rsqrt %add3A_20 : vector<1x512xf32>
    %mul3A_21 = vector.broadcast %rsqrt3A : vector<1x512xf32> to vector<512x512xf32>
    %mul3A_22 = arith.mulf %mul3A_18, %mul3A_21 : vector<512x512xf32>
    %get3A_23 = arith.constant 0 : index
    %get3A_24 = arith.constant 0 : index
    %get3A_25 = vector.load %arg5[%get3A_23, %get3A_24] : memref<1x512xf32, #tpu.memory_space<vmem>>, vector<1x512xf32>
    %add3A_26 = vector.broadcast %get3A_25 : vector<1x512xf32> to vector<512x512xf32>
    %add3A_27 = arith.addf %mul3A_22, %add3A_26 : vector<512x512xf32>
    %ge3A = arith.constant 0.000000e+00 : f32
    %ge3A_28 = vector.broadcast %ge3A : f32 to vector<512x512xf32>
    %ge3A_29 = arith.cmpf oge, %add3A_27, %ge3A_28 : vector<512x512xf32>
    %mul3A_30 = arith.constant 0.00999999977 : f32
    %mul3A_31 = vector.broadcast %mul3A_30 : f32 to vector<512x512xf32>
    %mul3A_32 = arith.mulf %mul3A_31, %add3A_27 : vector<512x512xf32>
    %select_n3A = arith.select %ge3A_29, %add3A_27, %mul3A_32 : vector<512x512xi1>, vector<512x512xf32>
    %get3A_33 = arith.constant 0 : index
    %get3A_34 = arith.constant 0 : index
    %get3A_35 = vector.load %arg6[%get3A_33, %get3A_34] : memref<64x512xf32, #tpu.memory_space<vmem>>, vector<64x512xf32>
    %convert_element_type3A = arith.truncf %select_n3A : vector<512x512xf32> to vector<512x512xbf16>
    %convert_element_type3A_36 = arith.truncf %get3A_35 : vector<64x512xf32> to vector<64x512xbf16>
    %dot_general3A = arith.constant dense<0.000000e+00> : vector<512x64xf32>
    %dot_general3A_37 = tpu.matmul %convert_element_type3A, %convert_element_type3A_36, %dot_general3A {dimension_numbers = #tpu.dot_dimension_numbers<[1], [1], [0], [0], [0, 0, 1, 0], [], []>, transpose_lhs_hint = false} : vector<512x512xbf16>, vector<64x512xbf16>, vector<512x64xf32> -> vector<512x64xf32>
    %get3A_38 = arith.constant 0 : index
    %get3A_39 = arith.constant 0 : index
    %get3A_40 = vector.load %arg7[%get3A_38, %get3A_39] : memref<1x64xf32, #tpu.memory_space<vmem>>, vector<1x64xf32>
    %add3A_41 = vector.broadcast %get3A_40 : vector<1x64xf32> to vector<512x64xf32>
    %add3A_42 = arith.addf %dot_general3A_37, %add3A_41 : vector<512x64xf32>
    %swap3A = arith.constant 0 : index
    %swap3A_43 = arith.constant 0 : index
    %swap3A_44 = vector.load %arg10[%swap3A, %swap3A_43] : memref<512x64xf32, #tpu.memory_space<vmem>>, vector<512x64xf32>
    tpu.vector_store %arg10[%swap3A, %swap3A_43], %add3A_42 {strides = array<i32>} : memref<512x64xf32, #tpu.memory_space<vmem>>, vector<512x64xf32>,
    %mul3A_45 = arith.mulf %add3A_42, %add3A_42 : vector<512x64xf32>
    %reduce_sum3A = arith.constant dense<0.000000e+00> : vector<512xf32>
    %reduce_sum3A_46 = vector.multi_reduction <add>, %mul3A_45, %reduce_sum3A [1] : vector<512x64xf32> to vector<512xf32>
    %broadcast_in_dim3A = vector.shape_cast %reduce_sum3A_46 : vector<512xf32> to vector<512x1xf32>
    %broadcast_in_dim3A_47 = arith.constant 0x7F800000 : f32
    %broadcast_in_dim3A_48 = vector.broadcast %broadcast_in_dim3A_47 : f32 to vector<512x1xf32>
    %broadcast_in_dim3A_49 = arith.constant 0 : i32
    %broadcast_in_dim3A_50 = vector.broadcast %broadcast_in_dim3A_49 : i32 to vector<512x1xi32>
    %get3A_51 = arith.constant 0 : index
    %get3A_52 = arith.constant 0 : index
    %get3A_53 = vector.load %arg8[%get3A_51, %get3A_52] : memref<8192x64xf32, #tpu.memory_space<vmem>>, vector<2048x64xf32>
    %convert_element_type3A_54 = arith.truncf %add3A_42 : vector<512x64xf32> to vector<512x64xbf16>
    %convert_element_type3A_55 = arith.truncf %get3A_53 : vector<2048x64xf32> to vector<2048x64xbf16>
    %dot_general3A_56 = arith.constant dense<0.000000e+00> : vector<512x2048xf32>
    %dot_general3A_57 = tpu.matmul %convert_element_type3A_54, %convert_element_type3A_55, %dot_general3A_56 {dimension_numbers = #tpu.dot_dimension_numbers<[1], [1], [0], [0], [0, 0, 1, 0], [], []>, transpose_lhs_hint = false} : vector<512x64xbf16>, vector<2048x64xbf16>, vector<512x2048xf32> -> vector<512x2048xf32>
    %mul3A_58 = arith.constant 2.000000e+00 : f32
    %mul3A_59 = vector.broadcast %mul3A_58 : f32 to vector<512x2048xf32>
    %mul3A_60 = arith.mulf %mul3A_59, %dot_general3A_57 : vector<512x2048xf32>
    %sub3A_61 = vector.broadcast %broadcast_in_dim3A : vector<512x1xf32> to vector<512x2048xf32>
    %sub3A_62 = arith.subf %sub3A_61, %mul3A_60 : vector<512x2048xf32>
    %get3A_63 = arith.constant 0 : index
    %get3A_64 = arith.constant 0 : index
    %get3A_65 = vector.load %arg9[%get3A_63, %get3A_64] : memref<1x8192xf32, #tpu.memory_space<vmem>>, vector<1x2048xf32>
    %add3A_66 = vector.broadcast %get3A_65 : vector<1x2048xf32> to vector<512x2048xf32>
    %add3A_67 = arith.addf %sub3A_62, %add3A_66 : vector<512x2048xf32>
    %reduce_min3A = arith.constant dense<0x7F800000> : vector<512xf32>
    %reduce_min3A_68 = vector.multi_reduction <minimumf>, %add3A_67, %reduce_min3A [1] : vector<512x2048xf32> to vector<512xf32>
    %broadcast_in_dim3A_69 = vector.shape_cast %reduce_min3A_68 : vector<512xf32> to vector<512x1xf32>
    %iota3A = tpu.iota {dimensions = array<i32: 1>} : vector<512x2048xi32>
    %add3A_70 = arith.constant 0 : i32
    %add3A_71 = vector.broadcast %add3A_70 : i32 to vector<512x2048xi32>
    %add3A_72 = arith.addi %iota3A, %add3A_71 : vector<512x2048xi32>
    %eq3A = vector.broadcast %broadcast_in_dim3A_69 : vector<512x1xf32> to vector<512x2048xf32>
    %eq3A_73 = arith.cmpf oeq, %add3A_67, %eq3A : vector<512x2048xf32>
    %jit3A = arith.constant 8192 : i32
    %broadcast_in_dim3A_74 = vector.broadcast %jit3A : i32 to vector<512x2048xi32>
    %select_n3A_75 = arith.select %eq3A_73, %add3A_72, %broadcast_in_dim3A_74 : vector<512x2048xi1>, vector<512x2048xi32>
    %reduce_min3A_76 = arith.constant dense<2147483647> : vector<512xi32>
    %reduce_min3A_77 = vector.multi_reduction <minsi>, %select_n3A_75, %reduce_min3A_76 [1] : vector<512x2048xi32> to vector<512xi32>
    %broadcast_in_dim3A_78 = vector.shape_cast %reduce_min3A_77 : vector<512xi32> to vector<512x1xi32>
    %lt3A = arith.cmpf olt, %broadcast_in_dim3A_69, %broadcast_in_dim3A_48 : vector<512x1xf32>
    %convert_element_type3A_79 = arith.truncf %broadcast_in_dim3A_69 : vector<512x1xf32> to vector<512x1xbf16>
    %convert_element_type3A_80 = arith.extf %convert_element_type3A_79 : vector<512x1xbf16> to vector<512x1xf32>
    %select_n3A_81 = arith.select %lt3A, %convert_element_type3A_80, %broadcast_in_dim3A_48 : vector<512x1xi1>, vector<512x1xf32>
    %select_n3A_82 = arith.select %lt3A, %broadcast_in_dim3A_78, %broadcast_in_dim3A_50 : vector<512x1xi1>, vector<512x1xi32>
    %get3A_83 = arith.constant 2048 : index
    %get3A_84 = arith.constant 0 : index
    %get3A_85 = vector.load %arg8[%get3A_83, %get3A_84] : memref<8192x64xf32, #tpu.memory_space<vmem>>, vector<2048x64xf32>
    %convert_element_type3A_86 = arith.truncf %add3A_42 : vector<512x64xf32> to vector<512x64xbf16>
    %convert_element_type3A_87 = arith.truncf %get3A_85 : vector<2048x64xf32> to vector<2048x64xbf16>
    %dot_general3A_88 = arith.constant dense<0.000000e+00> : vector<512x2048xf32>
    %dot_general3A_89 = tpu.matmul %convert_element_type3A_86, %convert_element_type3A_87, %dot_general3A_88 {dimension_numbers = #tpu.dot_dimension_numbers<[1], [1], [0], [0], [0, 0, 1, 0], [], []>, transpose_lhs_hint = false} : vector<512x64xbf16>, vector<2048x64xbf16>, vector<512x2048xf32> -> vector<512x2048xf32>
    %mul3A_90 = arith.constant 2.000000e+00 : f32
    %mul3A_91 = vector.broadcast %mul3A_90 : f32 to vector<512x2048xf32>
    %mul3A_92 = arith.mulf %mul3A_91, %dot_general3A_89 : vector<512x2048xf32>
    %sub3A_93 = vector.broadcast %broadcast_in_dim3A : vector<512x1xf32> to vector<512x2048xf32>
    %sub3A_94 = arith.subf %sub3A_93, %mul3A_92 : vector<512x2048xf32>
    %get3A_95 = arith.constant 0 : index
    %get3A_96 = arith.constant 2048 : index
    %get3A_97 = vector.load %arg9[%get3A_95, %get3A_96] : memref<1x8192xf32, #tpu.memory_space<vmem>>, vector<1x2048xf32>
    %add3A_98 = vector.broadcast %get3A_97 : vector<1x2048xf32> to vector<512x2048xf32>
    %add3A_99 = arith.addf %sub3A_94, %add3A_98 : vector<512x2048xf32>
    %reduce_min3A_100 = arith.constant dense<0x7F800000> : vector<512xf32>
    %reduce_min3A_101 = vector.multi_reduction <minimumf>, %add3A_99, %reduce_min3A_100 [1] : vector<512x2048xf32> to vector<512xf32>
    %broadcast_in_dim3A_102 = vector.shape_cast %reduce_min3A_101 : vector<512xf32> to vector<512x1xf32>
    %iota3A_103 = tpu.iota {dimensions = array<i32: 1>} : vector<512x2048xi32>
    %add3A_104 = arith.constant 2048 : i32
    %add3A_105 = vector.broadcast %add3A_104 : i32 to vector<512x2048xi32>
    %add3A_106 = arith.addi %iota3A_103, %add3A_105 : vector<512x2048xi32>
    %eq3A_107 = vector.broadcast %broadcast_in_dim3A_102 : vector<512x1xf32> to vector<512x2048xf32>
    %eq3A_108 = arith.cmpf oeq, %add3A_99, %eq3A_107 : vector<512x2048xf32>
    %jit3A_109 = arith.constant 8192 : i32
    %broadcast_in_dim3A_110 = vector.broadcast %jit3A_109 : i32 to vector<512x2048xi32>
    %select_n3A_111 = arith.select %eq3A_108, %add3A_106, %broadcast_in_dim3A_110 : vector<512x2048xi1>, vector<512x2048xi32>
    %reduce_min3A_112 = arith.constant dense<2147483647> : vector<512xi32>
    %reduce_min3A_113 = vector.multi_reduction <minsi>, %select_n3A_111, %reduce_min3A_112 [1] : vector<512x2048xi32> to vector<512xi32>
    %broadcast_in_dim3A_114 = vector.shape_cast %reduce_min3A_113 : vector<512xi32> to vector<512x1xi32>
    %lt3A_115 = arith.cmpf olt, %broadcast_in_dim3A_102, %select_n3A_81 : vector<512x1xf32>
    %convert_element_type3A_116 = arith.truncf %broadcast_in_dim3A_102 : vector<512x1xf32> to vector<512x1xbf16>
    %convert_element_type3A_117 = arith.extf %convert_element_type3A_116 : vector<512x1xbf16> to vector<512x1xf32>
    %select_n3A_118 = arith.select %lt3A_115, %convert_element_type3A_117, %select_n3A_81 : vector<512x1xi1>, vector<512x1xf32>
    %select_n3A_119 = arith.select %lt3A_115, %broadcast_in_dim3A_114, %select_n3A_82 : vector<512x1xi1>, vector<512x1xi32>
    %get3A_120 = arith.constant 4096 : index
    %get3A_121 = arith.constant 0 : index
    %get3A_122 = vector.load %arg8[%get3A_120, %get3A_121] : memref<8192x64xf32, #tpu.memory_space<vmem>>, vector<2048x64xf32>
    %convert_element_type3A_123 = arith.truncf %add3A_42 : vector<512x64xf32> to vector<512x64xbf16>
    %convert_element_type3A_124 = arith.truncf %get3A_122 : vector<2048x64xf32> to vector<2048x64xbf16>
    %dot_general3A_125 = arith.constant dense<0.000000e+00> : vector<512x2048xf32>
    %dot_general3A_126 = tpu.matmul %convert_element_type3A_123, %convert_element_type3A_124, %dot_general3A_125 {dimension_numbers = #tpu.dot_dimension_numbers<[1], [1], [0], [0], [0, 0, 1, 0], [], []>, transpose_lhs_hint = false} : vector<512x64xbf16>, vector<2048x64xbf16>, vector<512x2048xf32> -> vector<512x2048xf32>
    %mul3A_127 = arith.constant 2.000000e+00 : f32
    %mul3A_128 = vector.broadcast %mul3A_127 : f32 to vector<512x2048xf32>
    %mul3A_129 = arith.mulf %mul3A_128, %dot_general3A_126 : vector<512x2048xf32>
    %sub3A_130 = vector.broadcast %broadcast_in_dim3A : vector<512x1xf32> to vector<512x2048xf32>
    %sub3A_131 = arith.subf %sub3A_130, %mul3A_129 : vector<512x2048xf32>
    %get3A_132 = arith.constant 0 : index
    %get3A_133 = arith.constant 4096 : index
    %get3A_134 = vector.load %arg9[%get3A_132, %get3A_133] : memref<1x8192xf32, #tpu.memory_space<vmem>>, vector<1x2048xf32>
    %add3A_135 = vector.broadcast %get3A_134 : vector<1x2048xf32> to vector<512x2048xf32>
    %add3A_136 = arith.addf %sub3A_131, %add3A_135 : vector<512x2048xf32>
    %reduce_min3A_137 = arith.constant dense<0x7F800000> : vector<512xf32>
    %reduce_min3A_138 = vector.multi_reduction <minimumf>, %add3A_136, %reduce_min3A_137 [1] : vector<512x2048xf32> to vector<512xf32>
    %broadcast_in_dim3A_139 = vector.shape_cast %reduce_min3A_138 : vector<512xf32> to vector<512x1xf32>
    %iota3A_140 = tpu.iota {dimensions = array<i32: 1>} : vector<512x2048xi32>
    %add3A_141 = arith.constant 4096 : i32
    %add3A_142 = vector.broadcast %add3A_141 : i32 to vector<512x2048xi32>
    %add3A_143 = arith.addi %iota3A_140, %add3A_142 : vector<512x2048xi32>
    %eq3A_144 = vector.broadcast %broadcast_in_dim3A_139 : vector<512x1xf32> to vector<512x2048xf32>
    %eq3A_145 = arith.cmpf oeq, %add3A_136, %eq3A_144 : vector<512x2048xf32>
    %jit3A_146 = arith.constant 8192 : i32
    %broadcast_in_dim3A_147 = vector.broadcast %jit3A_146 : i32 to vector<512x2048xi32>
    %select_n3A_148 = arith.select %eq3A_145, %add3A_143, %broadcast_in_dim3A_147 : vector<512x2048xi1>, vector<512x2048xi32>
    %reduce_min3A_149 = arith.constant dense<2147483647> : vector<512xi32>
    %reduce_min3A_150 = vector.multi_reduction <minsi>, %select_n3A_148, %reduce_min3A_149 [1] : vector<512x2048xi32> to vector<512xi32>
    %broadcast_in_dim3A_151 = vector.shape_cast %reduce_min3A_150 : vector<512xi32> to vector<512x1xi32>
    %lt3A_152 = arith.cmpf olt, %broadcast_in_dim3A_139, %select_n3A_118 : vector<512x1xf32>
    %convert_element_type3A_153 = arith.truncf %broadcast_in_dim3A_139 : vector<512x1xf32> to vector<512x1xbf16>
    %convert_element_type3A_154 = arith.extf %convert_element_type3A_153 : vector<512x1xbf16> to vector<512x1xf32>
    %select_n3A_155 = arith.select %lt3A_152, %convert_element_type3A_154, %select_n3A_118 : vector<512x1xi1>, vector<512x1xf32>
    %select_n3A_156 = arith.select %lt3A_152, %broadcast_in_dim3A_151, %select_n3A_119 : vector<512x1xi1>, vector<512x1xi32>
    %get3A_157 = arith.constant 6144 : index
    %get3A_158 = arith.constant 0 : index
    %get3A_159 = vector.load %arg8[%get3A_157, %get3A_158] : memref<8192x64xf32, #tpu.memory_space<vmem>>, vector<2048x64xf32>
    %convert_element_type3A_160 = arith.truncf %add3A_42 : vector<512x64xf32> to vector<512x64xbf16>
    %convert_element_type3A_161 = arith.truncf %get3A_159 : vector<2048x64xf32> to vector<2048x64xbf16>
    %dot_general3A_162 = arith.constant dense<0.000000e+00> : vector<512x2048xf32>
    %dot_general3A_163 = tpu.matmul %convert_element_type3A_160, %convert_element_type3A_161, %dot_general3A_162 {dimension_numbers = #tpu.dot_dimension_numbers<[1], [1], [0], [0], [0, 0, 1, 0], [], []>, transpose_lhs_hint = false} : vector<512x64xbf16>, vector<2048x64xbf16>, vector<512x2048xf32> -> vector<512x2048xf32>
    %mul3A_164 = arith.constant 2.000000e+00 : f32
    %mul3A_165 = vector.broadcast %mul3A_164 : f32 to vector<512x2048xf32>
    %mul3A_166 = arith.mulf %mul3A_165, %dot_general3A_163 : vector<512x2048xf32>
    %sub3A_167 = vector.broadcast %broadcast_in_dim3A : vector<512x1xf32> to vector<512x2048xf32>
    %sub3A_168 = arith.subf %sub3A_167, %mul3A_166 : vector<512x2048xf32>
    %get3A_169 = arith.constant 0 : index
    %get3A_170 = arith.constant 6144 : index
    %get3A_171 = vector.load %arg9[%get3A_169, %get3A_170] : memref<1x8192xf32, #tpu.memory_space<vmem>>, vector<1x2048xf32>
    %add3A_172 = vector.broadcast %get3A_171 : vector<1x2048xf32> to vector<512x2048xf32>
    %add3A_173 = arith.addf %sub3A_168, %add3A_172 : vector<512x2048xf32>
    %reduce_min3A_174 = arith.constant dense<0x7F800000> : vector<512xf32>
    %reduce_min3A_175 = vector.multi_reduction <minimumf>, %add3A_173, %reduce_min3A_174 [1] : vector<512x2048xf32> to vector<512xf32>
    %broadcast_in_dim3A_176 = vector.shape_cast %reduce_min3A_175 : vector<512xf32> to vector<512x1xf32>
    %iota3A_177 = tpu.iota {dimensions = array<i32: 1>} : vector<512x2048xi32>
    %add3A_178 = arith.constant 6144 : i32
    %add3A_179 = vector.broadcast %add3A_178 : i32 to vector<512x2048xi32>
    %add3A_180 = arith.addi %iota3A_177, %add3A_179 : vector<512x2048xi32>
    %eq3A_181 = vector.broadcast %broadcast_in_dim3A_176 : vector<512x1xf32> to vector<512x2048xf32>
    %eq3A_182 = arith.cmpf oeq, %add3A_173, %eq3A_181 : vector<512x2048xf32>
    %jit3A_183 = arith.constant 8192 : i32
    %broadcast_in_dim3A_184 = vector.broadcast %jit3A_183 : i32 to vector<512x2048xi32>
    %select_n3A_185 = arith.select %eq3A_182, %add3A_180, %broadcast_in_dim3A_184 : vector<512x2048xi1>, vector<512x2048xi32>
    %reduce_min3A_186 = arith.constant dense<2147483647> : vector<512xi32>
    %reduce_min3A_187 = vector.multi_reduction <minsi>, %select_n3A_185, %reduce_min3A_186 [1] : vector<512x2048xi32> to vector<512xi32>
    %broadcast_in_dim3A_188 = vector.shape_cast %reduce_min3A_187 : vector<512xi32> to vector<512x1xi32>
    %lt3A_189 = arith.cmpf olt, %broadcast_in_dim3A_176, %select_n3A_155 : vector<512x1xf32>
    %select_n3A_190 = arith.select %lt3A_189, %broadcast_in_dim3A_188, %select_n3A_156 : vector<512x1xi1>, vector<512x1xi32>
    %swap3A_191 = arith.constant 0 : index
    %swap3A_192 = arith.constant 0 : index
    %swap3A_193 = vector.load %arg11[%swap3A_191, %swap3A_192] : memref<512x1xi32, #tpu.memory_space<vmem>>, vector<512x1xi32>
    tpu.vector_store %arg11[%swap3A_191, %swap3A_192], %select_n3A_190 {strides = array<i32>} : memref<512x1xi32, #tpu.memory_space<vmem>>, vector<512x1xi32>,
    %reshape3A = vector.shape_cast %select_n3A_190 : vector<512x1xi32> to vector<1x512xi32>
    %swap3A_194 = arith.constant 0 : index
    %swap3A_195 = arith.constant 0 : index
    %swap3A_196 = vector.load %arg12[%swap3A_194, %swap3A_195] : memref<1x512xi32, #tpu.memory_space<vmem>>, vector<1x512xi32>
    tpu.vector_store %arg12[%swap3A_194, %swap3A_195], %reshape3A {strides = array<i32>} : memref<1x512xi32, #tpu.memory_space<vmem>>, vector<1x512xi32>,
    return
  }
  func.func @transform_0(%arg0: i32) -> (i32, i32) {
    %add3A = arith.constant 0 : i32
    %add3A_0 = arith.addi %arg0, %add3A : i32
    %c0_i32 = arith.constant 0 : i32
    %c0_i32_1 = arith.constant 0 : i32
    return %add3A_0, %c0_i32 : i32, i32
  }
  func.func @transform_1(%arg0: i32) -> (i32, i32) {
    %c0_i32 = arith.constant 0 : i32
    %c0_i32_0 = arith.constant 0 : i32
    %c0_i32_1 = arith.constant 0 : i32
    return %c0_i32, %c0_i32_0 : i32, i32
  }
  func.func @transform_2(%arg0: i32) -> (i32, i32) {
    %c0_i32 = arith.constant 0 : i32
    %c0_i32_0 = arith.constant 0 : i32
    %c0_i32_1 = arith.constant 0 : i32
    return %c0_i32, %c0_i32_0 : i32, i32
  }
  func.func @transform_3(%arg0: i32) -> (i32, i32) {
    %c0_i32 = arith.constant 0 : i32
    %c0_i32_0 = arith.constant 0 : i32
    %c0_i32_1 = arith.constant 0 : i32
    return %c0_i32, %c0_i32_0 : i32, i32
  }
  func.func @transform_4(%arg0: i32) -> (i32, i32) {
    %c0_i32 = arith.constant 0 : i32
    %c0_i32_0 = arith.constant 0 : i32
    %c0_i32_1 = arith.constant 0 : i32
    return %c0_i32, %c0_i32_0 : i32, i32
  }
  func.func @transform_5(%arg0: i32) -> (i32, i32) {
    %c0_i32 = arith.constant 0 : i32
    %c0_i32_0 = arith.constant 0 : i32
    %c0_i32_1 = arith.constant 0 : i32
    return %c0_i32, %c0_i32_0 : i32, i32
  }
  func.func @transform_6(%arg0: i32) -> (i32, i32) {
    %c0_i32 = arith.constant 0 : i32
    %c0_i32_0 = arith.constant 0 : i32
    %c0_i32_1 = arith.constant 0 : i32
    return %c0_i32, %c0_i32_0 : i32, i32
  }
  func.func @transform_7(%arg0: i32) -> (i32, i32) {
    %c0_i32 = arith.constant 0 : i32
    %c0_i32_0 = arith.constant 0 : i32
    %c0_i32_1 = arith.constant 0 : i32
    return %c0_i32, %c0_i32_0 : i32, i32
  }
  func.func @transform_8(%arg0: i32) -> (i32, i32) {
    %c0_i32 = arith.constant 0 : i32
    %c0_i32_0 = arith.constant 0 : i32
    %c0_i32_1 = arith.constant 0 : i32
    return %c0_i32, %c0_i32_0 : i32, i32
  }
  func.func @transform_9(%arg0: i32) -> (i32, i32) {
    %c0_i32 = arith.constant 0 : i32
    %c0_i32_0 = arith.constant 0 : i32
    return %arg0, %c0_i32 : i32, i32
  }
  func.func @transform_10(%arg0: i32) -> (i32, i32) {
    %c0_i32 = arith.constant 0 : i32
    %c0_i32_0 = arith.constant 0 : i32
    return %arg0, %c0_i32 : i32, i32
  }
  func.func @transform_11(%arg0: i32) -> (i32, i32) {
    %c0_i32 = arith.constant 0 : i32
    %c0_i32_0 = arith.constant 0 : i32
    return %c0_i32, %arg0 : i32, i32
  }
}

module attributes {stable_mosaic.version = 14 : i64} {
  func.func @_enc2_body(%arg0: i32, %arg1: memref<512x512xf32, #tpu.memory_space<vmem>>, %arg2: memref<1x512xf32, #tpu.memory_space<vmem>>, %arg3: memref<1x512xf32, #tpu.memory_space<vmem>>, %arg4: memref<1x512xf32, #tpu.memory_space<vmem>>, %arg5: memref<1x512xf32, #tpu.memory_space<vmem>>, %arg6: memref<64x512xf32, #tpu.memory_space<vmem>>, %arg7: memref<1x64xf32, #tpu.memory_space<vmem>>, %arg8: memref<8192x64xf32, #tpu.memory_space<vmem>>, %arg9: memref<1x8192xf32, #tpu.memory_space<vmem>>, %arg10: memref<512x64xf32, #tpu.memory_space<vmem>>, %arg11: memref<512x1xi32, #tpu.memory_space<vmem>>, %arg12: memref<1x512xi32, #tpu.memory_space<vmem>>) attributes {dimension_semantics = [#tpu.dimension_semantics<arbitrary>], iteration_bounds = array<i64: 8>, scalar_prefetch = 0 : i64, scratch_operands = 0 : i64, tpu.core_type = #tpu.core_type<tc>, window_params = [{transform_indices = @transform_0, window_bounds = array<i64: 512, 512>}, {pipeline_mode = #tpu.pipeline_mode<synchronous>, transform_indices = @transform_1, window_bounds = array<i64: 1, 512>}, {pipeline_mode = #tpu.pipeline_mode<synchronous>, transform_indices = @transform_2, window_bounds = array<i64: 1, 512>}, {pipeline_mode = #tpu.pipeline_mode<synchronous>, transform_indices = @transform_3, window_bounds = array<i64: 1, 512>}, {pipeline_mode = #tpu.pipeline_mode<synchronous>, transform_indices = @transform_4, window_bounds = array<i64: 1, 512>}, {pipeline_mode = #tpu.pipeline_mode<synchronous>, transform_indices = @transform_5, window_bounds = array<i64: 64, 512>}, {pipeline_mode = #tpu.pipeline_mode<synchronous>, transform_indices = @transform_6, window_bounds = array<i64: 1, 64>}, {pipeline_mode = #tpu.pipeline_mode<synchronous>, transform_indices = @transform_7, window_bounds = array<i64: 8192, 64>}, {pipeline_mode = #tpu.pipeline_mode<synchronous>, transform_indices = @transform_8, window_bounds = array<i64: 1, 8192>}, {transform_indices = @transform_9, window_bounds = array<i64: 512, 64>}, {transform_indices = @transform_10, window_bounds = array<i64: 512, 1>}, {transform_indices = @transform_11, window_bounds = array<i64: 1, 512>}]} {
    %get3A = arith.constant 0 : index
    %get3A_0 = arith.constant 0 : index
    %get3A_1 = vector.load %arg2[%get3A, %get3A_0] : memref<1x512xf32, #tpu.memory_space<vmem>>, vector<1x512xf32>
    %mul3A = arith.constant 1.22070313E-4 : f32
    %mul3A_2 = vector.broadcast %mul3A : f32 to vector<1x512xf32>
    %mul3A_3 = arith.mulf %get3A_1, %mul3A_2 : vector<1x512xf32>
    %get3A_4 = arith.constant 0 : index
    %get3A_5 = arith.constant 0 : index
    %get3A_6 = vector.load %arg3[%get3A_4, %get3A_5] : memref<1x512xf32, #tpu.memory_space<vmem>>, vector<1x512xf32>
    %mul3A_7 = arith.constant 1.22070313E-4 : f32
    %mul3A_8 = vector.broadcast %mul3A_7 : f32 to vector<1x512xf32>
    %mul3A_9 = arith.mulf %get3A_6, %mul3A_8 : vector<1x512xf32>
    %get3A_10 = arith.constant 0 : index
    %get3A_11 = arith.constant 0 : index
    %get3A_12 = vector.load %arg4[%get3A_10, %get3A_11] : memref<1x512xf32, #tpu.memory_space<vmem>>, vector<1x512xf32>
    %get3A_13 = arith.constant 0 : index
    %get3A_14 = arith.constant 0 : index
    %get3A_15 = vector.load %arg1[%get3A_13, %get3A_14] : memref<512x512xf32, #tpu.memory_space<vmem>>, vector<512x512xf32>
    %sub3A = vector.broadcast %mul3A_3 : vector<1x512xf32> to vector<512x512xf32>
    %sub3A_16 = arith.subf %get3A_15, %sub3A : vector<512x512xf32>
    %mul3A_17 = vector.broadcast %get3A_12 : vector<1x512xf32> to vector<512x512xf32>
    %mul3A_18 = arith.mulf %mul3A_17, %sub3A_16 : vector<512x512xf32>
    %add3A = arith.constant 9.99999974E-6 : f32
    %add3A_19 = vector.broadcast %add3A : f32 to vector<1x512xf32>
    %add3A_20 = arith.addf %mul3A_9, %add3A_19 : vector<1x512xf32>
    %rsqrt3A = math.rsqrt %add3A_20 : vector<1x512xf32>
    %mul3A_21 = vector.broadcast %rsqrt3A : vector<1x512xf32> to vector<512x512xf32>
    %mul3A_22 = arith.mulf %mul3A_18, %mul3A_21 : vector<512x512xf32>
    %get3A_23 = arith.constant 0 : index
    %get3A_24 = arith.constant 0 : index
    %get3A_25 = vector.load %arg5[%get3A_23, %get3A_24] : memref<1x512xf32, #tpu.memory_space<vmem>>, vector<1x512xf32>
    %add3A_26 = vector.broadcast %get3A_25 : vector<1x512xf32> to vector<512x512xf32>
    %add3A_27 = arith.addf %mul3A_22, %add3A_26 : vector<512x512xf32>
    %ge3A = arith.constant 0.000000e+00 : f32
    %ge3A_28 = vector.broadcast %ge3A : f32 to vector<512x512xf32>
    %ge3A_29 = arith.cmpf oge, %add3A_27, %ge3A_28 : vector<512x512xf32>
    %mul3A_30 = arith.constant 0.00999999977 : f32
    %mul3A_31 = vector.broadcast %mul3A_30 : f32 to vector<512x512xf32>
    %mul3A_32 = arith.mulf %mul3A_31, %add3A_27 : vector<512x512xf32>
    %select_n3A = arith.select %ge3A_29, %add3A_27, %mul3A_32 : vector<512x512xi1>, vector<512x512xf32>
    %get3A_33 = arith.constant 0 : index
    %get3A_34 = arith.constant 0 : index
    %get3A_35 = vector.load %arg6[%get3A_33, %get3A_34] : memref<64x512xf32, #tpu.memory_space<vmem>>, vector<64x512xf32>
    %convert_element_type3A = arith.truncf %select_n3A : vector<512x512xf32> to vector<512x512xbf16>
    %convert_element_type3A_36 = arith.truncf %get3A_35 : vector<64x512xf32> to vector<64x512xbf16>
    %dot_general3A = arith.constant dense<0.000000e+00> : vector<512x64xf32>
    %dot_general3A_37 = tpu.matmul %convert_element_type3A, %convert_element_type3A_36, %dot_general3A {dimension_numbers = #tpu.dot_dimension_numbers<[1], [1], [0], [0], [0, 0, 1, 0], [], []>, transpose_lhs_hint = false} : vector<512x512xbf16>, vector<64x512xbf16>, vector<512x64xf32> -> vector<512x64xf32>
    %get3A_38 = arith.constant 0 : index
    %get3A_39 = arith.constant 0 : index
    %get3A_40 = vector.load %arg7[%get3A_38, %get3A_39] : memref<1x64xf32, #tpu.memory_space<vmem>>, vector<1x64xf32>
    %add3A_41 = vector.broadcast %get3A_40 : vector<1x64xf32> to vector<512x64xf32>
    %add3A_42 = arith.addf %dot_general3A_37, %add3A_41 : vector<512x64xf32>
    %swap3A = arith.constant 0 : index
    %swap3A_43 = arith.constant 0 : index
    %swap3A_44 = vector.load %arg10[%swap3A, %swap3A_43] : memref<512x64xf32, #tpu.memory_space<vmem>>, vector<512x64xf32>
    tpu.vector_store %arg10[%swap3A, %swap3A_43], %add3A_42 {strides = array<i32>} : memref<512x64xf32, #tpu.memory_space<vmem>>, vector<512x64xf32>,
    %mul3A_45 = arith.mulf %add3A_42, %add3A_42 : vector<512x64xf32>
    %reduce_sum3A = arith.constant dense<0.000000e+00> : vector<512xf32>
    %reduce_sum3A_46 = vector.multi_reduction <add>, %mul3A_45, %reduce_sum3A [1] : vector<512x64xf32> to vector<512xf32>
    %broadcast_in_dim3A = vector.shape_cast %reduce_sum3A_46 : vector<512xf32> to vector<512x1xf32>
    %broadcast_in_dim3A_47 = arith.constant 0x7F800000 : f32
    %broadcast_in_dim3A_48 = vector.broadcast %broadcast_in_dim3A_47 : f32 to vector<512x1xf32>
    %broadcast_in_dim3A_49 = arith.constant 0 : i32
    %broadcast_in_dim3A_50 = vector.broadcast %broadcast_in_dim3A_49 : i32 to vector<512x1xi32>
    %get3A_51 = arith.constant 0 : index
    %get3A_52 = arith.constant 0 : index
    %get3A_53 = vector.load %arg8[%get3A_51, %get3A_52] : memref<8192x64xf32, #tpu.memory_space<vmem>>, vector<2048x64xf32>
    %convert_element_type3A_54 = arith.truncf %add3A_42 : vector<512x64xf32> to vector<512x64xbf16>
    %convert_element_type3A_55 = arith.truncf %get3A_53 : vector<2048x64xf32> to vector<2048x64xbf16>
    %dot_general3A_56 = arith.constant dense<0.000000e+00> : vector<512x2048xf32>
    %dot_general3A_57 = tpu.matmul %convert_element_type3A_54, %convert_element_type3A_55, %dot_general3A_56 {dimension_numbers = #tpu.dot_dimension_numbers<[1], [1], [0], [0], [0, 0, 1, 0], [], []>, transpose_lhs_hint = false} : vector<512x64xbf16>, vector<2048x64xbf16>, vector<512x2048xf32> -> vector<512x2048xf32>
    %mul3A_58 = arith.constant 2.000000e+00 : f32
    %mul3A_59 = vector.broadcast %mul3A_58 : f32 to vector<512x2048xf32>
    %mul3A_60 = arith.mulf %mul3A_59, %dot_general3A_57 : vector<512x2048xf32>
    %sub3A_61 = vector.broadcast %broadcast_in_dim3A : vector<512x1xf32> to vector<512x2048xf32>
    %sub3A_62 = arith.subf %sub3A_61, %mul3A_60 : vector<512x2048xf32>
    %get3A_63 = arith.constant 0 : index
    %get3A_64 = arith.constant 0 : index
    %get3A_65 = vector.load %arg9[%get3A_63, %get3A_64] : memref<1x8192xf32, #tpu.memory_space<vmem>>, vector<1x2048xf32>
    %add3A_66 = vector.broadcast %get3A_65 : vector<1x2048xf32> to vector<512x2048xf32>
    %add3A_67 = arith.addf %sub3A_62, %add3A_66 : vector<512x2048xf32>
    %reduce_min3A = arith.constant dense<0x7F800000> : vector<512xf32>
    %reduce_min3A_68 = vector.multi_reduction <minimumf>, %add3A_67, %reduce_min3A [1] : vector<512x2048xf32> to vector<512xf32>
    %broadcast_in_dim3A_69 = vector.shape_cast %reduce_min3A_68 : vector<512xf32> to vector<512x1xf32>
    %iota3A = tpu.iota {dimensions = array<i32: 1>} : vector<512x2048xi32>
    %add3A_70 = arith.constant 0 : i32
    %add3A_71 = vector.broadcast %add3A_70 : i32 to vector<512x2048xi32>
    %add3A_72 = arith.addi %iota3A, %add3A_71 : vector<512x2048xi32>
    %eq3A = vector.broadcast %broadcast_in_dim3A_69 : vector<512x1xf32> to vector<512x2048xf32>
    %eq3A_73 = arith.cmpf oeq, %add3A_67, %eq3A : vector<512x2048xf32>
    %jit3A = arith.constant 8192 : i32
    %broadcast_in_dim3A_74 = vector.broadcast %jit3A : i32 to vector<512x2048xi32>
    %select_n3A_75 = arith.select %eq3A_73, %add3A_72, %broadcast_in_dim3A_74 : vector<512x2048xi1>, vector<512x2048xi32>
    %reduce_min3A_76 = arith.constant dense<2147483647> : vector<512xi32>
    %reduce_min3A_77 = vector.multi_reduction <minsi>, %select_n3A_75, %reduce_min3A_76 [1] : vector<512x2048xi32> to vector<512xi32>
    %broadcast_in_dim3A_78 = vector.shape_cast %reduce_min3A_77 : vector<512xi32> to vector<512x1xi32>
    %lt3A = arith.cmpf olt, %broadcast_in_dim3A_69, %broadcast_in_dim3A_48 : vector<512x1xf32>
    %convert_element_type3A_79 = arith.truncf %broadcast_in_dim3A_69 : vector<512x1xf32> to vector<512x1xbf16>
    %convert_element_type3A_80 = arith.extf %convert_element_type3A_79 : vector<512x1xbf16> to vector<512x1xf32>
    %select_n3A_81 = arith.select %lt3A, %convert_element_type3A_80, %broadcast_in_dim3A_48 : vector<512x1xi1>, vector<512x1xf32>
    %select_n3A_82 = arith.select %lt3A, %broadcast_in_dim3A_78, %broadcast_in_dim3A_50 : vector<512x1xi1>, vector<512x1xi32>
    %get3A_83 = arith.constant 2048 : index
    %get3A_84 = arith.constant 0 : index
    %get3A_85 = vector.load %arg8[%get3A_83, %get3A_84] : memref<8192x64xf32, #tpu.memory_space<vmem>>, vector<2048x64xf32>
    %convert_element_type3A_86 = arith.truncf %add3A_42 : vector<512x64xf32> to vector<512x64xbf16>
    %convert_element_type3A_87 = arith.truncf %get3A_85 : vector<2048x64xf32> to vector<2048x64xbf16>
    %dot_general3A_88 = arith.constant dense<0.000000e+00> : vector<512x2048xf32>
    %dot_general3A_89 = tpu.matmul %convert_element_type3A_86, %convert_element_type3A_87, %dot_general3A_88 {dimension_numbers = #tpu.dot_dimension_numbers<[1], [1], [0], [0], [0, 0, 1, 0], [], []>, transpose_lhs_hint = false} : vector<512x64xbf16>, vector<2048x64xbf16>, vector<512x2048xf32> -> vector<512x2048xf32>
    %mul3A_90 = arith.constant 2.000000e+00 : f32
    %mul3A_91 = vector.broadcast %mul3A_90 : f32 to vector<512x2048xf32>
    %mul3A_92 = arith.mulf %mul3A_91, %dot_general3A_89 : vector<512x2048xf32>
    %sub3A_93 = vector.broadcast %broadcast_in_dim3A : vector<512x1xf32> to vector<512x2048xf32>
    %sub3A_94 = arith.subf %sub3A_93, %mul3A_92 : vector<512x2048xf32>
    %get3A_95 = arith.constant 0 : index
    %get3A_96 = arith.constant 2048 : index
    %get3A_97 = vector.load %arg9[%get3A_95, %get3A_96] : memref<1x8192xf32, #tpu.memory_space<vmem>>, vector<1x2048xf32>
    %add3A_98 = vector.broadcast %get3A_97 : vector<1x2048xf32> to vector<512x2048xf32>
    %add3A_99 = arith.addf %sub3A_94, %add3A_98 : vector<512x2048xf32>
    %reduce_min3A_100 = arith.constant dense<0x7F800000> : vector<512xf32>
    %reduce_min3A_101 = vector.multi_reduction <minimumf>, %add3A_99, %reduce_min3A_100 [1] : vector<512x2048xf32> to vector<512xf32>
    %broadcast_in_dim3A_102 = vector.shape_cast %reduce_min3A_101 : vector<512xf32> to vector<512x1xf32>
    %iota3A_103 = tpu.iota {dimensions = array<i32: 1>} : vector<512x2048xi32>
    %add3A_104 = arith.constant 2048 : i32
    %add3A_105 = vector.broadcast %add3A_104 : i32 to vector<512x2048xi32>
    %add3A_106 = arith.addi %iota3A_103, %add3A_105 : vector<512x2048xi32>
    %eq3A_107 = vector.broadcast %broadcast_in_dim3A_102 : vector<512x1xf32> to vector<512x2048xf32>
    %eq3A_108 = arith.cmpf oeq, %add3A_99, %eq3A_107 : vector<512x2048xf32>
    %jit3A_109 = arith.constant 8192 : i32
    %broadcast_in_dim3A_110 = vector.broadcast %jit3A_109 : i32 to vector<512x2048xi32>
    %select_n3A_111 = arith.select %eq3A_108, %add3A_106, %broadcast_in_dim3A_110 : vector<512x2048xi1>, vector<512x2048xi32>
    %reduce_min3A_112 = arith.constant dense<2147483647> : vector<512xi32>
    %reduce_min3A_113 = vector.multi_reduction <minsi>, %select_n3A_111, %reduce_min3A_112 [1] : vector<512x2048xi32> to vector<512xi32>
    %broadcast_in_dim3A_114 = vector.shape_cast %reduce_min3A_113 : vector<512xi32> to vector<512x1xi32>
    %lt3A_115 = arith.cmpf olt, %broadcast_in_dim3A_102, %select_n3A_81 : vector<512x1xf32>
    %convert_element_type3A_116 = arith.truncf %broadcast_in_dim3A_102 : vector<512x1xf32> to vector<512x1xbf16>
    %convert_element_type3A_117 = arith.extf %convert_element_type3A_116 : vector<512x1xbf16> to vector<512x1xf32>
    %select_n3A_118 = arith.select %lt3A_115, %convert_element_type3A_117, %select_n3A_81 : vector<512x1xi1>, vector<512x1xf32>
    %select_n3A_119 = arith.select %lt3A_115, %broadcast_in_dim3A_114, %select_n3A_82 : vector<512x1xi1>, vector<512x1xi32>
    %get3A_120 = arith.constant 4096 : index
    %get3A_121 = arith.constant 0 : index
    %get3A_122 = vector.load %arg8[%get3A_120, %get3A_121] : memref<8192x64xf32, #tpu.memory_space<vmem>>, vector<2048x64xf32>
    %convert_element_type3A_123 = arith.truncf %add3A_42 : vector<512x64xf32> to vector<512x64xbf16>
    %convert_element_type3A_124 = arith.truncf %get3A_122 : vector<2048x64xf32> to vector<2048x64xbf16>
    %dot_general3A_125 = arith.constant dense<0.000000e+00> : vector<512x2048xf32>
    %dot_general3A_126 = tpu.matmul %convert_element_type3A_123, %convert_element_type3A_124, %dot_general3A_125 {dimension_numbers = #tpu.dot_dimension_numbers<[1], [1], [0], [0], [0, 0, 1, 0], [], []>, transpose_lhs_hint = false} : vector<512x64xbf16>, vector<2048x64xbf16>, vector<512x2048xf32> -> vector<512x2048xf32>
    %mul3A_127 = arith.constant 2.000000e+00 : f32
    %mul3A_128 = vector.broadcast %mul3A_127 : f32 to vector<512x2048xf32>
    %mul3A_129 = arith.mulf %mul3A_128, %dot_general3A_126 : vector<512x2048xf32>
    %sub3A_130 = vector.broadcast %broadcast_in_dim3A : vector<512x1xf32> to vector<512x2048xf32>
    %sub3A_131 = arith.subf %sub3A_130, %mul3A_129 : vector<512x2048xf32>
    %get3A_132 = arith.constant 0 : index
    %get3A_133 = arith.constant 4096 : index
    %get3A_134 = vector.load %arg9[%get3A_132, %get3A_133] : memref<1x8192xf32, #tpu.memory_space<vmem>>, vector<1x2048xf32>
    %add3A_135 = vector.broadcast %get3A_134 : vector<1x2048xf32> to vector<512x2048xf32>
    %add3A_136 = arith.addf %sub3A_131, %add3A_135 : vector<512x2048xf32>
    %reduce_min3A_137 = arith.constant dense<0x7F800000> : vector<512xf32>
    %reduce_min3A_138 = vector.multi_reduction <minimumf>, %add3A_136, %reduce_min3A_137 [1] : vector<512x2048xf32> to vector<512xf32>
    %broadcast_in_dim3A_139 = vector.shape_cast %reduce_min3A_138 : vector<512xf32> to vector<512x1xf32>
    %iota3A_140 = tpu.iota {dimensions = array<i32: 1>} : vector<512x2048xi32>
    %add3A_141 = arith.constant 4096 : i32
    %add3A_142 = vector.broadcast %add3A_141 : i32 to vector<512x2048xi32>
    %add3A_143 = arith.addi %iota3A_140, %add3A_142 : vector<512x2048xi32>
    %eq3A_144 = vector.broadcast %broadcast_in_dim3A_139 : vector<512x1xf32> to vector<512x2048xf32>
    %eq3A_145 = arith.cmpf oeq, %add3A_136, %eq3A_144 : vector<512x2048xf32>
    %jit3A_146 = arith.constant 8192 : i32
    %broadcast_in_dim3A_147 = vector.broadcast %jit3A_146 : i32 to vector<512x2048xi32>
    %select_n3A_148 = arith.select %eq3A_145, %add3A_143, %broadcast_in_dim3A_147 : vector<512x2048xi1>, vector<512x2048xi32>
    %reduce_min3A_149 = arith.constant dense<2147483647> : vector<512xi32>
    %reduce_min3A_150 = vector.multi_reduction <minsi>, %select_n3A_148, %reduce_min3A_149 [1] : vector<512x2048xi32> to vector<512xi32>
    %broadcast_in_dim3A_151 = vector.shape_cast %reduce_min3A_150 : vector<512xi32> to vector<512x1xi32>
    %lt3A_152 = arith.cmpf olt, %broadcast_in_dim3A_139, %select_n3A_118 : vector<512x1xf32>
    %convert_element_type3A_153 = arith.truncf %broadcast_in_dim3A_139 : vector<512x1xf32> to vector<512x1xbf16>
    %convert_element_type3A_154 = arith.extf %convert_element_type3A_153 : vector<512x1xbf16> to vector<512x1xf32>
    %select_n3A_155 = arith.select %lt3A_152, %convert_element_type3A_154, %select_n3A_118 : vector<512x1xi1>, vector<512x1xf32>
    %select_n3A_156 = arith.select %lt3A_152, %broadcast_in_dim3A_151, %select_n3A_119 : vector<512x1xi1>, vector<512x1xi32>
    %get3A_157 = arith.constant 6144 : index
    %get3A_158 = arith.constant 0 : index
    %get3A_159 = vector.load %arg8[%get3A_157, %get3A_158] : memref<8192x64xf32, #tpu.memory_space<vmem>>, vector<2048x64xf32>
    %convert_element_type3A_160 = arith.truncf %add3A_42 : vector<512x64xf32> to vector<512x64xbf16>
    %convert_element_type3A_161 = arith.truncf %get3A_159 : vector<2048x64xf32> to vector<2048x64xbf16>
    %dot_general3A_162 = arith.constant dense<0.000000e+00> : vector<512x2048xf32>
    %dot_general3A_163 = tpu.matmul %convert_element_type3A_160, %convert_element_type3A_161, %dot_general3A_162 {dimension_numbers = #tpu.dot_dimension_numbers<[1], [1], [0], [0], [0, 0, 1, 0], [], []>, transpose_lhs_hint = false} : vector<512x64xbf16>, vector<2048x64xbf16>, vector<512x2048xf32> -> vector<512x2048xf32>
    %mul3A_164 = arith.constant 2.000000e+00 : f32
    %mul3A_165 = vector.broadcast %mul3A_164 : f32 to vector<512x2048xf32>
    %mul3A_166 = arith.mulf %mul3A_165, %dot_general3A_163 : vector<512x2048xf32>
    %sub3A_167 = vector.broadcast %broadcast_in_dim3A : vector<512x1xf32> to vector<512x2048xf32>
    %sub3A_168 = arith.subf %sub3A_167, %mul3A_166 : vector<512x2048xf32>
    %get3A_169 = arith.constant 0 : index
    %get3A_170 = arith.constant 6144 : index
    %get3A_171 = vector.load %arg9[%get3A_169, %get3A_170] : memref<1x8192xf32, #tpu.memory_space<vmem>>, vector<1x2048xf32>
    %add3A_172 = vector.broadcast %get3A_171 : vector<1x2048xf32> to vector<512x2048xf32>
    %add3A_173 = arith.addf %sub3A_168, %add3A_172 : vector<512x2048xf32>
    %reduce_min3A_174 = arith.constant dense<0x7F800000> : vector<512xf32>
    %reduce_min3A_175 = vector.multi_reduction <minimumf>, %add3A_173, %reduce_min3A_174 [1] : vector<512x2048xf32> to vector<512xf32>
    %broadcast_in_dim3A_176 = vector.shape_cast %reduce_min3A_175 : vector<512xf32> to vector<512x1xf32>
    %iota3A_177 = tpu.iota {dimensions = array<i32: 1>} : vector<512x2048xi32>
    %add3A_178 = arith.constant 6144 : i32
    %add3A_179 = vector.broadcast %add3A_178 : i32 to vector<512x2048xi32>
    %add3A_180 = arith.addi %iota3A_177, %add3A_179 : vector<512x2048xi32>
    %eq3A_181 = vector.broadcast %broadcast_in_dim3A_176 : vector<512x1xf32> to vector<512x2048xf32>
    %eq3A_182 = arith.cmpf oeq, %add3A_173, %eq3A_181 : vector<512x2048xf32>
    %jit3A_183 = arith.constant 8192 : i32
    %broadcast_in_dim3A_184 = vector.broadcast %jit3A_183 : i32 to vector<512x2048xi32>
    %select_n3A_185 = arith.select %eq3A_182, %add3A_180, %broadcast_in_dim3A_184 : vector<512x2048xi1>, vector<512x2048xi32>
    %reduce_min3A_186 = arith.constant dense<2147483647> : vector<512xi32>
    %reduce_min3A_187 = vector.multi_reduction <minsi>, %select_n3A_185, %reduce_min3A_186 [1] : vector<512x2048xi32> to vector<512xi32>
    %broadcast_in_dim3A_188 = vector.shape_cast %reduce_min3A_187 : vector<512xi32> to vector<512x1xi32>
    %lt3A_189 = arith.cmpf olt, %broadcast_in_dim3A_176, %select_n3A_155 : vector<512x1xf32>
    %select_n3A_190 = arith.select %lt3A_189, %broadcast_in_dim3A_188, %select_n3A_156 : vector<512x1xi1>, vector<512x1xi32>
    %swap3A_191 = arith.constant 0 : index
    %swap3A_192 = arith.constant 0 : index
    %swap3A_193 = vector.load %arg11[%swap3A_191, %swap3A_192] : memref<512x1xi32, #tpu.memory_space<vmem>>, vector<512x1xi32>
    tpu.vector_store %arg11[%swap3A_191, %swap3A_192], %select_n3A_190 {strides = array<i32>} : memref<512x1xi32, #tpu.memory_space<vmem>>, vector<512x1xi32>,
    %reshape3A = vector.shape_cast %select_n3A_190 : vector<512x1xi32> to vector<1x512xi32>
    %swap3A_194 = arith.constant 0 : index
    %swap3A_195 = arith.constant 0 : index
    %swap3A_196 = vector.load %arg12[%swap3A_194, %swap3A_195] : memref<1x512xi32, #tpu.memory_space<vmem>>, vector<1x512xi32>
    tpu.vector_store %arg12[%swap3A_194, %swap3A_195], %reshape3A {strides = array<i32>} : memref<1x512xi32, #tpu.memory_space<vmem>>, vector<1x512xi32>,
    return
  }
  func.func @transform_0(%arg0: i32) -> (i32, i32) {
    %add3A = arith.constant 8 : i32
    %add3A_0 = arith.addi %arg0, %add3A : i32
    %c0_i32 = arith.constant 0 : i32
    %c0_i32_1 = arith.constant 0 : i32
    return %add3A_0, %c0_i32 : i32, i32
  }
  func.func @transform_1(%arg0: i32) -> (i32, i32) {
    %c0_i32 = arith.constant 0 : i32
    %c0_i32_0 = arith.constant 0 : i32
    %c0_i32_1 = arith.constant 0 : i32
    return %c0_i32, %c0_i32_0 : i32, i32
  }
  func.func @transform_2(%arg0: i32) -> (i32, i32) {
    %c0_i32 = arith.constant 0 : i32
    %c0_i32_0 = arith.constant 0 : i32
    %c0_i32_1 = arith.constant 0 : i32
    return %c0_i32, %c0_i32_0 : i32, i32
  }
  func.func @transform_3(%arg0: i32) -> (i32, i32) {
    %c0_i32 = arith.constant 0 : i32
    %c0_i32_0 = arith.constant 0 : i32
    %c0_i32_1 = arith.constant 0 : i32
    return %c0_i32, %c0_i32_0 : i32, i32
  }
  func.func @transform_4(%arg0: i32) -> (i32, i32) {
    %c0_i32 = arith.constant 0 : i32
    %c0_i32_0 = arith.constant 0 : i32
    %c0_i32_1 = arith.constant 0 : i32
    return %c0_i32, %c0_i32_0 : i32, i32
  }
  func.func @transform_5(%arg0: i32) -> (i32, i32) {
    %c0_i32 = arith.constant 0 : i32
    %c0_i32_0 = arith.constant 0 : i32
    %c0_i32_1 = arith.constant 0 : i32
    return %c0_i32, %c0_i32_0 : i32, i32
  }
  func.func @transform_6(%arg0: i32) -> (i32, i32) {
    %c0_i32 = arith.constant 0 : i32
    %c0_i32_0 = arith.constant 0 : i32
    %c0_i32_1 = arith.constant 0 : i32
    return %c0_i32, %c0_i32_0 : i32, i32
  }
  func.func @transform_7(%arg0: i32) -> (i32, i32) {
    %c0_i32 = arith.constant 0 : i32
    %c0_i32_0 = arith.constant 0 : i32
    %c0_i32_1 = arith.constant 0 : i32
    return %c0_i32, %c0_i32_0 : i32, i32
  }
  func.func @transform_8(%arg0: i32) -> (i32, i32) {
    %c0_i32 = arith.constant 0 : i32
    %c0_i32_0 = arith.constant 0 : i32
    %c0_i32_1 = arith.constant 0 : i32
    return %c0_i32, %c0_i32_0 : i32, i32
  }
  func.func @transform_9(%arg0: i32) -> (i32, i32) {
    %c0_i32 = arith.constant 0 : i32
    %c0_i32_0 = arith.constant 0 : i32
    return %arg0, %c0_i32 : i32, i32
  }
  func.func @transform_10(%arg0: i32) -> (i32, i32) {
    %c0_i32 = arith.constant 0 : i32
    %c0_i32_0 = arith.constant 0 : i32
    return %arg0, %c0_i32 : i32, i32
  }
  func.func @transform_11(%arg0: i32) -> (i32, i32) {
    %c0_i32 = arith.constant 0 : i32
    %c0_i32_0 = arith.constant 0 : i32
    return %c0_i32, %arg0 : i32, i32
  }
}

module attributes {stable_mosaic.version = 14 : i64} {
  func.func @_dec1_body(%arg0: i32, %arg1: memref<2048x128xf32, #tpu.memory_space<vmem>>, %arg2: memref<512x64xf32, #tpu.memory_space<vmem>>, %arg3: memref<2048x512xf32, #tpu.memory_space<vmem>>, %arg4: memref<1x512xf32, #tpu.memory_space<vmem>>, %arg5: memref<1x512xf32, #tpu.memory_space<vmem>>, %arg6: memref<2048x64xf32, #tpu.memory_space<vmem>>) attributes {dimension_semantics = [#tpu.dimension_semantics<arbitrary>], iteration_bounds = array<i64: 2>, scalar_prefetch = 0 : i64, scratch_operands = 0 : i64, tpu.core_type = #tpu.core_type<tc>, window_params = [{transform_indices = @transform_0, window_bounds = array<i64: 2048, 128>}, {pipeline_mode = #tpu.pipeline_mode<synchronous>, transform_indices = @transform_1, window_bounds = array<i64: 512, 64>}, {transform_indices = @transform_2, window_bounds = array<i64: 2048, 512>}, {pipeline_mode = #tpu.pipeline_mode<synchronous>, transform_indices = @transform_3, window_bounds = array<i64: 1, 512>}, {pipeline_mode = #tpu.pipeline_mode<synchronous>, transform_indices = @transform_4, window_bounds = array<i64: 1, 512>}, {transform_indices = @transform_5, window_bounds = array<i64: 2048, 64>}]} {
    %get3A = arith.constant 0 : index
    %get3A_0 = arith.constant 0 : index
    %get3A_1 = vector.load %arg1[%get3A, %get3A_0] : memref<2048x128xf32, #tpu.memory_space<vmem>>, vector<2048x64xf32>
    %swap3A = arith.constant 0 : index
    %swap3A_2 = arith.constant 0 : index
    %swap3A_3 = vector.load %arg6[%swap3A, %swap3A_2] : memref<2048x64xf32, #tpu.memory_space<vmem>>, vector<2048x64xf32>
    tpu.vector_store %arg6[%swap3A, %swap3A_2], %get3A_1 {strides = array<i32>} : memref<2048x64xf32, #tpu.memory_space<vmem>>, vector<2048x64xf32>,
    %get3A_4 = arith.constant 0 : index
    %get3A_5 = arith.constant 0 : index
    %get3A_6 = vector.load %arg2[%get3A_4, %get3A_5] : memref<512x64xf32, #tpu.memory_space<vmem>>, vector<512x64xf32>
    %convert_element_type3A = arith.truncf %get3A_1 : vector<2048x64xf32> to vector<2048x64xbf16>
    %convert_element_type3A_7 = arith.truncf %get3A_6 : vector<512x64xf32> to vector<512x64xbf16>
    %dot_general3A = arith.constant dense<0.000000e+00> : vector<2048x512xf32>
    %dot_general3A_8 = tpu.matmul %convert_element_type3A, %convert_element_type3A_7, %dot_general3A {dimension_numbers = #tpu.dot_dimension_numbers<[1], [1], [0], [0], [0, 0, 1, 0], [], []>, transpose_lhs_hint = false} : vector<2048x64xbf16>, vector<512x64xbf16>, vector<2048x512xf32> -> vector<2048x512xf32>
    %swap3A_9 = arith.constant 0 : index
    %swap3A_10 = arith.constant 0 : index
    %swap3A_11 = vector.load %arg3[%swap3A_9, %swap3A_10] : memref<2048x512xf32, #tpu.memory_space<vmem>>, vector<2048x512xf32>
    tpu.vector_store %arg3[%swap3A_9, %swap3A_10], %dot_general3A_8 {strides = array<i32>} : memref<2048x512xf32, #tpu.memory_space<vmem>>, vector<2048x512xf32>,
    %eq3A = arith.constant 0 : i32
    %eq3A_12 = arith.cmpi eq, %arg0, %eq3A : i32
    %convert_element_type3A_13 = arith.extui %eq3A_12 : i1 to i32
    %cond3A = arith.constant 0 : i32
    %cond3A_14 = arith.cmpi ne, %convert_element_type3A_13, %cond3A : i32
    scf.if %cond3A_14 {
      %broadcast_in_dim3A_32 = arith.constant 0.000000e+00 : f32
      %broadcast_in_dim3A_33 = vector.broadcast %broadcast_in_dim3A_32 : f32 to vector<1x512xf32>
      %swap3A_34 = arith.constant 0 : index
      %swap3A_35 = arith.constant 0 : index
      %swap3A_36 = vector.load %arg4[%swap3A_34, %swap3A_35] : memref<1x512xf32, #tpu.memory_space<vmem>>, vector<1x512xf32>
      tpu.vector_store %arg4[%swap3A_34, %swap3A_35], %broadcast_in_dim3A_33 {strides = array<i32>} : memref<1x512xf32, #tpu.memory_space<vmem>>, vector<1x512xf32>,
      %broadcast_in_dim3A_37 = arith.constant 0.000000e+00 : f32
      %broadcast_in_dim3A_38 = vector.broadcast %broadcast_in_dim3A_37 : f32 to vector<1x512xf32>
      %swap3A_39 = arith.constant 0 : index
      %swap3A_40 = arith.constant 0 : index
      %swap3A_41 = vector.load %arg5[%swap3A_39, %swap3A_40] : memref<1x512xf32, #tpu.memory_space<vmem>>, vector<1x512xf32>
      tpu.vector_store %arg5[%swap3A_39, %swap3A_40], %broadcast_in_dim3A_38 {strides = array<i32>} : memref<1x512xf32, #tpu.memory_space<vmem>>, vector<1x512xf32>,
    } else {
    }
    %get3A_15 = arith.constant 0 : index
    %get3A_16 = arith.constant 0 : index
    %get3A_17 = vector.load %arg4[%get3A_15, %get3A_16] : memref<1x512xf32, #tpu.memory_space<vmem>>, vector<1x512xf32>
    %reduce_sum3A = arith.constant dense<0.000000e+00> : vector<512xf32>
    %reduce_sum3A_18 = vector.multi_reduction <add>, %dot_general3A_8, %reduce_sum3A [0] : vector<2048x512xf32> to vector<512xf32>
    %broadcast_in_dim3A = vector.shape_cast %reduce_sum3A_18 : vector<512xf32> to vector<1x512xf32>
    %add3A = arith.addf %get3A_17, %broadcast_in_dim3A : vector<1x512xf32>
    %swap3A_19 = arith.constant 0 : index
    %swap3A_20 = arith.constant 0 : index
    %swap3A_21 = vector.load %arg4[%swap3A_19, %swap3A_20] : memref<1x512xf32, #tpu.memory_space<vmem>>, vector<1x512xf32>
    tpu.vector_store %arg4[%swap3A_19, %swap3A_20], %add3A {strides = array<i32>} : memref<1x512xf32, #tpu.memory_space<vmem>>, vector<1x512xf32>,
    %get3A_22 = arith.constant 0 : index
    %get3A_23 = arith.constant 0 : index
    %get3A_24 = vector.load %arg5[%get3A_22, %get3A_23] : memref<1x512xf32, #tpu.memory_space<vmem>>, vector<1x512xf32>
    %mul3A = arith.mulf %dot_general3A_8, %dot_general3A_8 : vector<2048x512xf32>
    %reduce_sum3A_25 = arith.constant dense<0.000000e+00> : vector<512xf32>
    %reduce_sum3A_26 = vector.multi_reduction <add>, %mul3A, %reduce_sum3A_25 [0] : vector<2048x512xf32> to vector<512xf32>
    %broadcast_in_dim3A_27 = vector.shape_cast %reduce_sum3A_26 : vector<512xf32> to vector<1x512xf32>
    %add3A_28 = arith.addf %get3A_24, %broadcast_in_dim3A_27 : vector<1x512xf32>
    %swap3A_29 = arith.constant 0 : index
    %swap3A_30 = arith.constant 0 : index
    %swap3A_31 = vector.load %arg5[%swap3A_29, %swap3A_30] : memref<1x512xf32, #tpu.memory_space<vmem>>, vector<1x512xf32>
    tpu.vector_store %arg5[%swap3A_29, %swap3A_30], %add3A_28 {strides = array<i32>} : memref<1x512xf32, #tpu.memory_space<vmem>>, vector<1x512xf32>,
    return
  }
  func.func @transform_0(%arg0: i32) -> (i32, i32) {
    %c0_i32 = arith.constant 0 : i32
    %c0_i32_0 = arith.constant 0 : i32
    return %arg0, %c0_i32 : i32, i32
  }
  func.func @transform_1(%arg0: i32) -> (i32, i32) {
    %c0_i32 = arith.constant 0 : i32
    %c0_i32_0 = arith.constant 0 : i32
    %c0_i32_1 = arith.constant 0 : i32
    return %c0_i32, %c0_i32_0 : i32, i32
  }
  func.func @transform_2(%arg0: i32) -> (i32, i32) {
    %c0_i32 = arith.constant 0 : i32
    %c0_i32_0 = arith.constant 0 : i32
    return %arg0, %c0_i32 : i32, i32
  }
  func.func @transform_3(%arg0: i32) -> (i32, i32) {
    %c0_i32 = arith.constant 0 : i32
    %c0_i32_0 = arith.constant 0 : i32
    %c0_i32_1 = arith.constant 0 : i32
    return %c0_i32, %c0_i32_0 : i32, i32
  }
  func.func @transform_4(%arg0: i32) -> (i32, i32) {
    %c0_i32 = arith.constant 0 : i32
    %c0_i32_0 = arith.constant 0 : i32
    %c0_i32_1 = arith.constant 0 : i32
    return %c0_i32, %c0_i32_0 : i32, i32
  }
  func.func @transform_5(%arg0: i32) -> (i32, i32) {
    %c0_i32 = arith.constant 0 : i32
    %c0_i32_0 = arith.constant 0 : i32
    return %arg0, %c0_i32 : i32, i32
  }
}

module attributes {stable_mosaic.version = 14 : i64} {
  func.func @_dec2_body(%arg0: i32, %arg1: memref<1024x512xf32, #tpu.memory_space<vmem>>, %arg2: memref<1024x512xf32, #tpu.memory_space<vmem>>, %arg3: memref<1x512xf32, #tpu.memory_space<vmem>>, %arg4: memref<1x512xf32, #tpu.memory_space<vmem>>, %arg5: memref<1x512xf32, #tpu.memory_space<vmem>>, %arg6: memref<1x512xf32, #tpu.memory_space<vmem>>, %arg7: memref<1x512xf32, #tpu.memory_space<vmem>>, %arg8: memref<1x512xf32, #tpu.memory_space<vmem>>, %arg9: memref<2048x512xf32, #tpu.memory_space<vmem>>, %arg10: memref<1x2048xf32, #tpu.memory_space<vmem>>, %arg11: memref<1024x2048xf32, #tpu.memory_space<vmem>>) attributes {dimension_semantics = [#tpu.dimension_semantics<arbitrary>], iteration_bounds = array<i64: 8>, scalar_prefetch = 0 : i64, scratch_operands = 0 : i64, tpu.core_type = #tpu.core_type<tc>, window_params = [{transform_indices = @transform_0, window_bounds = array<i64: 1024, 512>}, {transform_indices = @transform_1, window_bounds = array<i64: 1024, 512>}, {pipeline_mode = #tpu.pipeline_mode<synchronous>, transform_indices = @transform_2, window_bounds = array<i64: 1, 512>}, {pipeline_mode = #tpu.pipeline_mode<synchronous>, transform_indices = @transform_3, window_bounds = array<i64: 1, 512>}, {pipeline_mode = #tpu.pipeline_mode<synchronous>, transform_indices = @transform_4, window_bounds = array<i64: 1, 512>}, {pipeline_mode = #tpu.pipeline_mode<synchronous>, transform_indices = @transform_5, window_bounds = array<i64: 1, 512>}, {pipeline_mode = #tpu.pipeline_mode<synchronous>, transform_indices = @transform_6, window_bounds = array<i64: 1, 512>}, {pipeline_mode = #tpu.pipeline_mode<synchronous>, transform_indices = @transform_7, window_bounds = array<i64: 1, 512>}, {pipeline_mode = #tpu.pipeline_mode<synchronous>, transform_indices = @transform_8, window_bounds = array<i64: 2048, 512>}, {pipeline_mode = #tpu.pipeline_mode<synchronous>, transform_indices = @transform_9, window_bounds = array<i64: 1, 2048>}, {transform_indices = @transform_10, window_bounds = array<i64: 1024, 2048>}]} {
    %lt3A = arith.constant 4 : i32
    %lt3A_0 = arith.cmpi slt, %arg0, %lt3A : i32
    %get3A = arith.constant 0 : index
    %get3A_1 = arith.constant 0 : index
    %get3A_2 = vector.load %arg1[%get3A, %get3A_1] : memref<1024x512xf32, #tpu.memory_space<vmem>>, vector<1024x512xf32>
    %get3A_3 = arith.constant 0 : index
    %get3A_4 = arith.constant 0 : index
    %get3A_5 = vector.load %arg2[%get3A_3, %get3A_4] : memref<1024x512xf32, #tpu.memory_space<vmem>>, vector<1024x512xf32>
    %select_n3A = arith.select %lt3A_0, %get3A_2, %get3A_5 : vector<1024x512xf32>
    %get3A_6 = arith.constant 0 : index
    %get3A_7 = arith.constant 0 : index
    %get3A_8 = vector.load %arg3[%get3A_6, %get3A_7] : memref<1x512xf32, #tpu.memory_space<vmem>>, vector<1x512xf32>
    %get3A_9 = arith.constant 0 : index
    %get3A_10 = arith.constant 0 : index
    %get3A_11 = vector.load %arg5[%get3A_9, %get3A_10] : memref<1x512xf32, #tpu.memory_space<vmem>>, vector<1x512xf32>
    %add3A = arith.addf %get3A_8, %get3A_11 : vector<1x512xf32>
    %mul3A = arith.constant 1.22070313E-4 : f32
    %mul3A_12 = vector.broadcast %mul3A : f32 to vector<1x512xf32>
    %mul3A_13 = arith.mulf %add3A, %mul3A_12 : vector<1x512xf32>
    %get3A_14 = arith.constant 0 : index
    %get3A_15 = arith.constant 0 : index
    %get3A_16 = vector.load %arg4[%get3A_14, %get3A_15] : memref<1x512xf32, #tpu.memory_space<vmem>>, vector<1x512xf32>
    %get3A_17 = arith.constant 0 : index
    %get3A_18 = arith.constant 0 : index
    %get3A_19 = vector.load %arg6[%get3A_17, %get3A_18] : memref<1x512xf32, #tpu.memory_space<vmem>>, vector<1x512xf32>
    %add3A_20 = arith.addf %get3A_16, %get3A_19 : vector<1x512xf32>
    %mul3A_21 = arith.constant 1.22070313E-4 : f32
    %mul3A_22 = vector.broadcast %mul3A_21 : f32 to vector<1x512xf32>
    %mul3A_23 = arith.mulf %add3A_20, %mul3A_22 : vector<1x512xf32>
    %mul3A_24 = arith.mulf %mul3A_13, %mul3A_13 : vector<1x512xf32>
    %sub3A = arith.subf %mul3A_23, %mul3A_24 : vector<1x512xf32>
    %get3A_25 = arith.constant 0 : index
    %get3A_26 = arith.constant 0 : index
    %get3A_27 = vector.load %arg7[%get3A_25, %get3A_26] : memref<1x512xf32, #tpu.memory_space<vmem>>, vector<1x512xf32>
    %sub3A_28 = vector.broadcast %mul3A_13 : vector<1x512xf32> to vector<1024x512xf32>
    %sub3A_29 = arith.subf %select_n3A, %sub3A_28 : vector<1024x512xf32>
    %mul3A_30 = vector.broadcast %get3A_27 : vector<1x512xf32> to vector<1024x512xf32>
    %mul3A_31 = arith.mulf %mul3A_30, %sub3A_29 : vector<1024x512xf32>
    %add3A_32 = arith.constant 9.99999974E-6 : f32
    %add3A_33 = vector.broadcast %add3A_32 : f32 to vector<1x512xf32>
    %add3A_34 = arith.addf %sub3A, %add3A_33 : vector<1x512xf32>
    %rsqrt3A = math.rsqrt %add3A_34 : vector<1x512xf32>
    %mul3A_35 = vector.broadcast %rsqrt3A : vector<1x512xf32> to vector<1024x512xf32>
    %mul3A_36 = arith.mulf %mul3A_31, %mul3A_35 : vector<1024x512xf32>
    %get3A_37 = arith.constant 0 : index
    %get3A_38 = arith.constant 0 : index
    %get3A_39 = vector.load %arg8[%get3A_37, %get3A_38] : memref<1x512xf32, #tpu.memory_space<vmem>>, vector<1x512xf32>
    %add3A_40 = vector.broadcast %get3A_39 : vector<1x512xf32> to vector<1024x512xf32>
    %add3A_41 = arith.addf %mul3A_36, %add3A_40 : vector<1024x512xf32>
    %ge3A = arith.constant 0.000000e+00 : f32
    %ge3A_42 = vector.broadcast %ge3A : f32 to vector<1024x512xf32>
    %ge3A_43 = arith.cmpf oge, %add3A_41, %ge3A_42 : vector<1024x512xf32>
    %mul3A_44 = arith.constant 0.00999999977 : f32
    %mul3A_45 = vector.broadcast %mul3A_44 : f32 to vector<1024x512xf32>
    %mul3A_46 = arith.mulf %mul3A_45, %add3A_41 : vector<1024x512xf32>
    %select_n3A_47 = arith.select %ge3A_43, %add3A_41, %mul3A_46 : vector<1024x512xi1>, vector<1024x512xf32>
    %get3A_48 = arith.constant 0 : index
    %get3A_49 = arith.constant 0 : index
    %get3A_50 = vector.load %arg9[%get3A_48, %get3A_49] : memref<2048x512xf32, #tpu.memory_space<vmem>>, vector<2048x512xf32>
    %convert_element_type3A = arith.truncf %select_n3A_47 : vector<1024x512xf32> to vector<1024x512xbf16>
    %convert_element_type3A_51 = arith.truncf %get3A_50 : vector<2048x512xf32> to vector<2048x512xbf16>
    %dot_general3A = arith.constant dense<0.000000e+00> : vector<1024x2048xf32>
    %dot_general3A_52 = tpu.matmul %convert_element_type3A, %convert_element_type3A_51, %dot_general3A {dimension_numbers = #tpu.dot_dimension_numbers<[1], [1], [0], [0], [0, 0, 1, 0], [], []>, transpose_lhs_hint = false} : vector<1024x512xbf16>, vector<2048x512xbf16>, vector<1024x2048xf32> -> vector<1024x2048xf32>
    %get3A_53 = arith.constant 0 : index
    %get3A_54 = arith.constant 0 : index
    %get3A_55 = vector.load %arg10[%get3A_53, %get3A_54] : memref<1x2048xf32, #tpu.memory_space<vmem>>, vector<1x2048xf32>
    %add3A_56 = vector.broadcast %get3A_55 : vector<1x2048xf32> to vector<1024x2048xf32>
    %add3A_57 = arith.addf %dot_general3A_52, %add3A_56 : vector<1024x2048xf32>
    %swap3A = arith.constant 0 : index
    %swap3A_58 = arith.constant 0 : index
    %swap3A_59 = vector.load %arg11[%swap3A, %swap3A_58] : memref<1024x2048xf32, #tpu.memory_space<vmem>>, vector<1024x2048xf32>
    tpu.vector_store %arg11[%swap3A, %swap3A_58], %add3A_57 {strides = array<i32>} : memref<1024x2048xf32, #tpu.memory_space<vmem>>, vector<1024x2048xf32>,
    return
  }
  func.func @transform_0(%arg0: i32) -> (i32, i32) {
    %min3A = arith.constant 3 : i32
    %min3A_0 = arith.minsi %arg0, %min3A : i32
    %c0_i32 = arith.constant 0 : i32
    %c0_i32_1 = arith.constant 0 : i32
    return %min3A_0, %c0_i32 : i32, i32
  }
  func.func @transform_1(%arg0: i32) -> (i32, i32) {
    %sub3A = arith.constant 4 : i32
    %sub3A_0 = arith.subi %arg0, %sub3A : i32
    %max3A = arith.constant 0 : i32
    %max3A_1 = arith.maxsi %sub3A_0, %max3A : i32
    %c0_i32 = arith.constant 0 : i32
    %c0_i32_2 = arith.constant 0 : i32
    return %max3A_1, %c0_i32 : i32, i32
  }
  func.func @transform_2(%arg0: i32) -> (i32, i32) {
    %c0_i32 = arith.constant 0 : i32
    %c0_i32_0 = arith.constant 0 : i32
    %c0_i32_1 = arith.constant 0 : i32
    return %c0_i32, %c0_i32_0 : i32, i32
  }
  func.func @transform_3(%arg0: i32) -> (i32, i32) {
    %c0_i32 = arith.constant 0 : i32
    %c0_i32_0 = arith.constant 0 : i32
    %c0_i32_1 = arith.constant 0 : i32
    return %c0_i32, %c0_i32_0 : i32, i32
  }
  func.func @transform_4(%arg0: i32) -> (i32, i32) {
    %c0_i32 = arith.constant 0 : i32
    %c0_i32_0 = arith.constant 0 : i32
    %c0_i32_1 = arith.constant 0 : i32
    return %c0_i32, %c0_i32_0 : i32, i32
  }
  func.func @transform_5(%arg0: i32) -> (i32, i32) {
    %c0_i32 = arith.constant 0 : i32
    %c0_i32_0 = arith.constant 0 : i32
    %c0_i32_1 = arith.constant 0 : i32
    return %c0_i32, %c0_i32_0 : i32, i32
  }
  func.func @transform_6(%arg0: i32) -> (i32, i32) {
    %c0_i32 = arith.constant 0 : i32
    %c0_i32_0 = arith.constant 0 : i32
    %c0_i32_1 = arith.constant 0 : i32
    return %c0_i32, %c0_i32_0 : i32, i32
  }
  func.func @transform_7(%arg0: i32) -> (i32, i32) {
    %c0_i32 = arith.constant 0 : i32
    %c0_i32_0 = arith.constant 0 : i32
    %c0_i32_1 = arith.constant 0 : i32
    return %c0_i32, %c0_i32_0 : i32, i32
  }
  func.func @transform_8(%arg0: i32) -> (i32, i32) {
    %c0_i32 = arith.constant 0 : i32
    %c0_i32_0 = arith.constant 0 : i32
    %c0_i32_1 = arith.constant 0 : i32
    return %c0_i32, %c0_i32_0 : i32, i32
  }
  func.func @transform_9(%arg0: i32) -> (i32, i32) {
    %c0_i32 = arith.constant 0 : i32
    %c0_i32_0 = arith.constant 0 : i32
    %c0_i32_1 = arith.constant 0 : i32
    return %c0_i32, %c0_i32_0 : i32, i32
  }
  func.func @transform_10(%arg0: i32) -> (i32, i32) {
    %c0_i32 = arith.constant 0 : i32
    %c0_i32_0 = arith.constant 0 : i32
    return %arg0, %c0_i32 : i32, i32
  }
}

</mosaic_0001>

<sc_bundles>
// kernel: kernel.11.cloned.1.call-start
scs
__scs_entry_jumppad:
0x0: {  	(pc) =	sbr.rel $0x88, $3  }
0x1: {  	(tag) =	ssettag $0x0;
	lr =	simm.s32 $0x1  }
0x2: {  	[smem:$0x3F95] =	sst lr;
	_ =	strace $0xD0000000  }
0x3: {  	_ = 	snop  }
0x4: {  	_ = 	snop  }
0x5: {  	_ = 	snop  }
0x6: {  	_ = 	snop  }
0x7: {  	_ = 	snop  }
__scs_overlays_trampoline_lowered:
0x8: {  	[smem:$0x3FA4] =	sst s0  }
0x9: {  	[smem:$0x3FA5] =	sst s1  }
0xa: {  	[smem:$0x3FA6] =	sst s2  }
0xb: {  	[smem:$0x3FA7] =	sst s3  }
0xc: {  	[smem:$0x3FA8] =	sst s4  }
0xd: {  	[smem:$0x3FA9] =	sst s5  }
0xe: {  	[smem:$0x3FAA] =	sst s6  }
0xf: {  	[smem:$0x3FAB] =	sst s7  }
0x10: {  	[smem:$0x3FAC] =	sst s8  }
0x11: {  	[smem:$0x3FAD] =	sst s9;
	s0 =	simm.s32 @!p0 $0x0  }
0x12: {  	s1 =	sld [smem:$0x3F93];
	s0 =	simm.s32 @p0 $0x1  }
0x13: {  	[smem:$0x3FAE] =	sst s0;
	s0 =	simm.s32 @!p1 $0x0  }
0x14: {  	s2 =	sld [smem:$0x3F92];
	s0 =	simm.s32 @p1 $0x1  }
0x15: {  	[smem:$0x3FAF] =	sst s0;
	s0 =	simm.s32 @!p2 $0x0  }
0x16: {  	s3 =	sld [smem:$0x3FDB];
	s0 =	simm.s32 @p2 $0x1  }
0x17: {  	s4 =	simm.s32 $0x1BF5;
	[smem:$0x3FB1] =	sst s0  }
0x18: {  	s0 =	sld [smem:$0x3F94];
	_ =	swait.ge [sflag:s4], $0x0  }
0x19: {  	s7 =	sld [smem:$0x3F95]  }
0x1a: {  	s8 =	sadd.s32 $0xFFFFE003, lr  }
0x1b: {  	s9 =	sadd.s32 $0xFFFFFEF7, lr;
	s5 =	simm.s32 $0xFFFFFFFF;
	p2 =	slt.u32 s8, $0xFFFFF086  }
0x1c: {  	p1 =	slt.u32 s9, $0xF7A;
	s5 =	simm.s32 @!p2 $0x0  }
0x1d: {  	s5 =	simm.s32 @p1 $0x1;
	p0 =	seq.s32 s7, s2  }
0x1e: {  	s7 =	smul.u32 @!p0 $0xF7A, s2;
	p2 =	seq.s32 @!p0 s5, $0x0  }
0x1f: {  	s9 =	smul.u32 $0xF7A, s1;
	s8 =	simm.s32 @!p0 $0x1BF5;
	p2 =	por !p2, p0  }
0x20: {  	[sflag:s8] =	ssyncset.s32 @!p0 $0xFFFFF086;
	s6 =	sadd.s32 @!p0 s3, s7;
	s7 =	simm.s32 @!p0 $0x108  }
0x21: {  	s3 =	sadd.s32 s3, s9;
	s6 =	sadd.s32 @!p0 $0x88, s6;
	s7 =	simm.s32 @p2 $0x1082  }
0x22: {  	[simem:s7], [sflag:s8] =	dma.local @!p0 [hbm:s6], $0xF7A  }
0x23: {  	s9 =	sor.u32 $0xD0000000, s2;
	s6 =	simm.s32 $0x108;
	_ =	swait.ge @!p0 [sflag:s8], $0x0  }
0x24: {  	s3 =	sadd.s32 $0x88, s3;
	s6 =	simm.s32 @!p1 $0x1082;
	[sflag:s4] =	ssyncset.s32 $0xFFFFF086  }
0x25: {  	[simem:s6], [sflag:s4] =	dma.local [hbm:s3], $0xF7A  }
0x26: {  	[smem:$0x3F95] =	sst s1;
	(tag) =	ssettag s2;
	_ =	strace s9  }
0x27: {  	s1 =	sld [smem:$0x3FA5]  }
0x28: {  	s2 =	sld [smem:$0x3FA6]  }
0x29: {  	s4 =	sld [smem:$0x3FA8]  }
0x2a: {  	p0 =	seq.s32 s5, $0x0;
	s5 =	sld [smem:$0x3FA9]  }
0x2b: {  	s6 =	sld [smem:$0x3FAA]  }
0x2c: {  	s7 =	sld [smem:$0x3FAB]  }
0x2d: {  	s3 =	simm.s32 $0x108;
	s8 =	sld [smem:$0x3FAC]  }
0x2e: {  	s3 =	simm.s32 @!p0 $0x1082;
	s9 =	sld [smem:$0x3FAD]  }
0x2f: {  	lr =	sadd.s32 s0, s3;
	s0 =	sld [smem:$0x3FA4]  }
0x30: {  	s3 =	sld [smem:$0x3FA7]  }
0x31: {  	[smem:$0x3FB0] =	sst s10  }
0x32: {  	s10 =	sld [smem:$0x3FAE];
	_ =	sdelay $0x3  }
0x33: {  	p0 =	seq.s32 s10, $0x1;
	s10 =	sld [smem:$0x3FB0];
	_ =	sdelay $0x3  }
0x34: {  	[smem:$0x3FB0] =	sst s10  }
0x35: {  	s10 =	sld [smem:$0x3FAF];
	_ =	sdelay $0x3  }
0x36: {  	p1 =	seq.s32 s10, $0x1;
	s10 =	sld [smem:$0x3FB0];
	_ =	sdelay $0x3  }
0x37: {  	[smem:$0x3FB0] =	sst s10  }
0x38: {  	s10 =	sld [smem:$0x3FB1]  }
0x39: {  	_ = 	snop;
	(pc) =	sbr.ind lr, $3  }
0x3a: {  	_ = 	snop  }
0x3b: {  	_ = 	snop  }
0x3c: {  	p2 =	seq.s32 s10, $0x1;
	s10 =	sld [smem:$0x3FB0]  }
0x3d: {  	_ =	shalt  }
0x3e: {  	_ =	shalt  }
0x3f: {  	_ =	shalt  }
0x40: {  	_ =	shalt  }
0x41: {  	_ =	shalt  }
0x42: {  	_ =	shalt  }
0x43: {  	_ =	shalt  }
0x44: {  	_ =	shalt  }
0x45: {  	_ =	shalt  }
0x46: {  	_ =	shalt  }
0x47: {  	_ =	shalt  }
0x48: {  	_ =	shalt  }
0x49: {  	_ =	shalt  }
0x4a: {  	_ =	shalt  }
0x4b: {  	_ =	shalt  }
0x4c: {  	_ =	shalt  }
0x4d: {  	_ =	shalt  }
0x4e: {  	_ =	shalt  }
0x4f: {  	_ =	shalt  }
0x50: {  	_ =	shalt  }
0x51: {  	_ =	shalt  }
0x52: {  	_ =	shalt  }
0x53: {  	_ =	shalt  }
0x54: {  	_ =	shalt  }
0x55: {  	_ =	shalt  }
0x56: {  	_ =	shalt  }
0x57: {  	_ =	shalt  }
0x58: {  	_ =	shalt  }
0x59: {  	_ =	shalt  }
0x5a: {  	_ =	shalt  }
0x5b: {  	_ =	shalt  }
0x5c: {  	_ =	shalt  }
0x5d: {  	_ =	shalt  }
0x5e: {  	_ =	shalt  }
0x5f: {  	_ =	shalt  }
0x60: {  	_ =	shalt  }
0x61: {  	_ =	shalt  }
0x62: {  	_ =	shalt  }
0x63: {  	_ =	shalt  }
0x64: {  	_ =	shalt  }
0x65: {  	_ =	shalt  }
0x66: {  	_ =	shalt  }
0x67: {  	_ =	shalt  }
0x68: {  	_ =	shalt  }
0x69: {  	_ =	shalt  }
0x6a: {  	_ =	shalt  }
0x6b: {  	_ =	shalt  }
0x6c: {  	_ =	shalt  }
0x6d: {  	_ =	shalt  }
0x6e: {  	_ =	shalt  }
0x6f: {  	_ =	shalt  }
0x70: {  	_ =	shalt  }
0x71: {  	_ =	shalt  }
0x72: {  	_ =	shalt  }
0x73: {  	_ =	shalt  }
0x74: {  	_ =	shalt  }
0x75: {  	_ =	shalt  }
0x76: {  	_ =	shalt  }
0x77: {  	_ =	shalt  }
0x78: {  	_ =	shalt  }
0x79: {  	_ =	shalt  }
0x7a: {  	_ =	shalt  }
0x7b: {  	_ =	shalt  }
0x7c: {  	_ =	shalt  }
0x7d: {  	_ =	shalt  }
0x7e: {  	_ =	shalt  }
0x7f: {  	_ =	shalt  }
0x80: {  	_ =	shalt  }
0x81: {  	_ =	shalt  }
0x82: {  	_ =	shalt  }
0x83: {  	_ =	shalt  }
0x84: {  	_ =	shalt  }
0x85: {  	_ =	shalt  }
0x86: {  	_ =	shalt  }
0x87: {  	_ =	shalt  }
.Lfunc_end0:
.L_simem_size_0:
called_computation_lowered:
.L_overlay_start_0:
0x88: {  	s2 =	sld [smem:$0x3FD9]  }
0x89: {  	s3 =	sld [smem:$0x3FFE];
	_ =	sdelay $0x1  }
0x8a: {  	s1 =	srdreg.scid  }
0x8b: {  	s0 =	sand.u32 $0x1, s1  }
0x8c: {  	s16 =	sshll.u32 s0, $0xA;
	s2 =	sadd.s32 s3, s2  }
0x8d: {  	s2 =	sadd.s32 s2, s16  }
0x8e: {  	[smem:$0x3FBC] =	sst s2  }
0x8f: {  	_ = 	snop  }
0x90: {  	(tm) =	ssettm $0x1  }
0x91: {  	s17 =	sld [smem:$0x3FFB];
	_ =	sdelay $0x3  }
0x92: {  	_ =	strace s17  }
0x93: {  	s2 =	sld [smem:$0x3FFC];
	_ =	sdelay $0x3  }
0x94: {  	_ =	strace s2  }
0x95: {  	s2 =	sld [smem:$0x3FFD];
	_ =	sdelay $0x3  }
0x96: {  	_ =	strace s2  }
0x97: {  	_ =	strace $0x8FFFFFFF  }
0x98: {  	s18 =	sld [smem:$0x3FDB];
	_ =	sdelay $0x1  }
0x99: {  	s19 =	simm.s32 $_scs_section_size  }
0x9a: {  	s4 =	simm.s32 $_size__tile_overlayer_lowered;
	s5 =	simm.s32 $_tile_overlayer_lowered  }
0x9b: {  	s22 =	simm.s32 $0x1BFF;
	s21 =	sshll.u32 s5, $0x1;
	s2 =	sadd.s32 s19, s18  }
0x9c: {  	s6 =	simm.s32 $0x0;
	s20 =	sshll.u32 s4, $0x1;
	s4 =	sadd.s32 s21, s2  }
0x9d: {  	[timem:s6], [sflag:s22] =	dma.local [hbm:s4], s20  }
0x9e: {  	_ =	swait.ge [sflag:s22], s20  }
0x9f: {  	s3 =	ssub.s32 $0x0, s20;
	[sflag:s22] =	ssyncset.done $0x0  }
0xa0: {  	[sflag:s22] =	ssyncadd.s32 s3;
	_ =	sdelay $0x1  }
0xa1: {  	s23 =	simm.s32 $0x1B8B  }
0xa2: {  	_ =	swait.ge [sflag:s23], $0x1  }
0xa3: {  	[sflag:s23] =	ssyncset.done $0x0  }
0xa4: {  	s25 =	simm.s32 $0x1B8E;
	s24 =	sld [smem:$0x3FFE];
	[sflag:s23] =	ssyncadd.s32 $0xFFFFFFFF  }
0xa5: {  	s26 =	simm.s32 $execute0_lowered;
	[smem:$0x3FD2] =	sst s25  }
0xa6: {  	s4 =	sshll.u32 s26, $0x1;
	_ =	strace $0x80000046;
	[dreg:$0x1] =	wrdreg $0xFFFFFFFF  }
0xa7: {  	s28 =	simm.s32 $_size_execute0_lowered;
	s2 =	sadd.s32 s2, s4;
	[dreg:$0x0] =	wrdreg $0x0  }
0xa8: {  	s4 =	sshll.u32 s28, $0x1;
	[dreg:$0x2] =	wrdreg s2  }
0xa9: {  	[dreg:$0x3] =	wrdreg s4  }
0xaa: {  	[dreg:$0x4] =	wrdreg $0xC0  }
0xab: {  	_ =	task [dreg:s6], $0x5FFFF  }
0xac: {  	[dreg:$0x1] =	wrdreg $0xFFFFFFFF  }
0xad: {  	[dreg:$0x0] =	wrdreg $0x60  }
0xae: {  	[dreg:$0x2] =	wrdreg s24  }
0xaf: {  	[dreg:$0x3] =	wrdreg $0x9  }
0xb0: {  	_ =	task.clear_ibuf [dreg:s6], $0x4FFFF;
	_ =	strace $0x90000046  }
0xb1: {  	s29 =	simm.s32 $0x9;
	_ =	strace $0x8000004F  }
0xb2: {  	_ =	swait.ge [sflag:s29], $0x1  }
0xb3: {  	[sflag:s29] =	ssyncadd.s32 $0xFFFFFFFF  }
0xb4: {  	_ =	strace $0x9000004F  }
0xb5: {  	_ =	sfence  }
0xb6: {  	s30 =	sld [smem:$0x0];
	_ =	sdelay $0x2  }
0xb7: {  	s31 =	sshll.u32 s1, $0xD;
	s1 =	sshrl.u32 s1, $0x2  }
0xb8: {  	s3 =	sand.u32 $0x4000, s31;
	s1 =	sadd.s32 s1, s30  }
0xb9: {  	s0 =	sor.u32 s3, s0;
	s1 =	sshll.u32 s1, $0x11  }
0xba: {  	s0 =	sor.u32 s1, s0  }
0xbb: {  	s0 =	sadd.s32 $0x8F2B, s0  }
0xbc: {  	[sflag:s0] =	ssyncadd.remote.s32 $0x1  }
0xbd: {  	_ =	sfence.sel $0xFFFF  }
0xbe: {  	[dreg:$0x0] =	wrdreg $0xFFFFFFFF;
	(pc) =	sbr.abs _section_cstart, $3  }
0xbf: {  	[dreg:$0x1] =	wrdreg $0xFFFFFFFF  }
0xc0: {  	_ =	task.clear_ibuf [dreg:s6], $0x2FFFF;
	_ =	strace $0x9FFFFFFF  }
0xc1: {  	(tm) =	ssettm $0x7FFFFFFF  }
tec
execute0_lowered:
.L_overlay_start_1:
0x0: {  	(tag) =	ssettag $0x1  }
0x1: {  	s0 =	rddreg [dreg:$0x0];
	s1 =	srdreg.scid  }
0x2: {  	s2 =	rddreg [dreg:$0x1];
	s3 =	simm.s32 $0x0;
	s1 =	sand.u32 $0x1, s1  }
0x3: {  	[smem:$0x7FF] =	sst s3;
	s3 =	stileid.u32;
	p0 =	seq.s32 s1, $0x1  }
0x4: {  	_ =	strace $0x80000047;
	s1 =	sadd.s32 $0x23200, s0;
	s4 =	sshll.u32 @!p0 s3, $0x5  }
0x5: {  	_ =	strace @!p0 $0x80000048;
	s1 =	sadd.s32 @!p0 s1, s4;
	s4 =	simm.s32 @!p0 $0x0  }
0x6: {  	[tilespmem:s4], [sflag:$0x1] =	stream.linear.gather @!p0 [hbm4b:s1+s4], $0x100, $0x200038;
	[tilespmem:$0x10200] =	vst v63  }
0x7: {  	_ =	strace @!p0 $0x90000048  }
0x8: {  	s1 =	simm.s32 @!p0 $0x1;
	_ =	strace @!p0 $0x8000004A  }
0x9: {  	_ =	swait.ge @!p0 [sflag:s1], $0x100  }
0xa: {  	[sflag:s1] =	ssyncset.done @!p0 $0x0  }
0xb: {  	[sflag:s1] =	ssyncadd.s32 @!p0 $0xFFFFFF00  }
0xc: {  	s5 =	simm.s32 @!p0 $0x100;
	_ =	strace @!p0 $0x9000004A  }
0xd: {  	s6 =	simm.s32 @!p0 $0x200;
	s1 =	sadd.s32 $0x3200, s0;
	_ =	strace @!p0 $0x8000004B  }
0xe: {  	[tilespmem:s6], [sflag:$0x5] =	stream.indirect.gather @!p0 [hbm4b:s1+s5], $0x80, s4, s5, $0x2000b8;
	[tilespmem:$0x10200] =	vst v63  }
0xf: {  	s1 =	simm.s32 @!p0 $0x5  }
0x10: {  	_ =	swait.ge @!p0 [sflag:s1], $0x8000  }
0x11: {  	[sflag:s1] =	ssyncset.done @!p0 $0x0  }
0x12: {  	[sflag:s1] =	ssyncadd.s32 @!p0 $0xFFFF8000  }
0x13: {  	s0 =	sadd.s32 $0x23400, s0;
	s1 =	sshll.u32 @!p0 s3, $0xC;
	_ =	strace @!p0 $0x9000004B  }
0x14: {  	s0 =	sadd.s32 @!p0 s0, s1;
	_ =	strace @!p0 $0x8000004C  }
0x15: {  	[hbm4b:s0+s4] =	stream.linear.scatter @!p0 [tilespmem:s6], [sflag:$0x3], $0x8000, $0x200038;
	[tilespmem:$0x10200] =	vst v63  }
0x16: {  	_ =	strace @!p0 $0x9000004C  }
0x17: {  	s0 =	simm.s32 @!p0 $0x3;
	_ =	strace @!p0 $0x8000004E  }
0x18: {  	_ =	swait.ge @!p0 [sflag:s0], $0x8000  }
0x19: {  	[sflag:s0] =	ssyncset.done @!p0 $0x0  }
0x1a: {  	[sflag:s0] =	ssyncadd.s32 @!p0 $0xFFFF8000  }
0x1b: {  	_ =	strace @!p0 $0x9000004E  }
0x1c: {  	_ =	sfence.sel $0x180000  }
0x1d: {  	[bflag:$0x0] =	sbarrier.arrive $0xFFFF  }
0x1e: {  	p0 =	sne.s32 s3, $0x0;
	_ =	strace $0x90000047  }
0x1f: {  	s0 =	sadd.s32 @!p0 $0x100000, s2;
	[bflag:$0x2] =	sbarrier.arrive $0xFFFF  }
0x20: {  	[sflag:s0] =	ssyncadd.tile.s32 @!p0 $0x1;
	_ =	shalt  }
.Lfunc_end2:
_tile_overlayer_lowered:
.L_overlay_start_2:
0x21: {  	(tag) =	ssettag $0x2  }
0x22: {  	s0 =	rddreg [dreg:$0x0];
	s2 =	stileid.u32  }
0x23: {  	s1 =	rddreg [dreg:$0x1];
	p0 =	sne.s32 s2, $0x0  }
0x24: {  	s3 =	rddreg [dreg:$0x2];
	[bflag:$0x3] =	sbarrier.arrive $0xFFFF;
	s2 =	simm.s32 @!p0 $0x1C01  }
0x25: {  	[timem:s3], [sflag:s2] =	dma.local @!p0 [hbm:s0], s1  }
0x26: {  	s0 =	simm.s32 @!p0 $0x1  }
0x27: {  	_ =	swait.ge @!p0 [sflag:s0], s1  }
0x28: {  	s1 =	ssub.s32 @!p0 $0x0, s1;
	[sflag:s0] =	ssyncset.done @!p0 $0x0  }
0x29: {  	[sflag:s0] =	ssyncadd.s32 @!p0 s1  }
0x2a: {  	[bflag:$0x3] =	sbarrier.arrive $0xFFFF  }
0x2b: {  	_ =	shalt  }

// kernel: kernel.14.cloned.1.call-start
scs
__scs_entry_jumppad:
0x0: {  	(pc) =	sbr.rel $0x88, $3  }
0x1: {  	(tag) =	ssettag $0x0;
	lr =	simm.s32 $0x1  }
0x2: {  	[smem:$0x3F95] =	sst lr;
	_ =	strace $0xD0000000  }
0x3: {  	_ = 	snop  }
0x4: {  	_ = 	snop  }
0x5: {  	_ = 	snop  }
0x6: {  	_ = 	snop  }
0x7: {  	_ = 	snop  }
__scs_overlays_trampoline_lowered:
0x8: {  	[smem:$0x3FA4] =	sst s0  }
0x9: {  	[smem:$0x3FA5] =	sst s1  }
0xa: {  	[smem:$0x3FA6] =	sst s2  }
0xb: {  	[smem:$0x3FA7] =	sst s3  }
0xc: {  	[smem:$0x3FA8] =	sst s4  }
0xd: {  	[smem:$0x3FA9] =	sst s5  }
0xe: {  	[smem:$0x3FAA] =	sst s6  }
0xf: {  	[smem:$0x3FAB] =	sst s7  }
0x10: {  	[smem:$0x3FAC] =	sst s8  }
0x11: {  	[smem:$0x3FAD] =	sst s9;
	s0 =	simm.s32 @!p0 $0x0  }
0x12: {  	s1 =	sld [smem:$0x3F93];
	s0 =	simm.s32 @p0 $0x1  }
0x13: {  	[smem:$0x3FAE] =	sst s0;
	s0 =	simm.s32 @!p1 $0x0  }
0x14: {  	s2 =	sld [smem:$0x3F92];
	s0 =	simm.s32 @p1 $0x1  }
0x15: {  	[smem:$0x3FAF] =	sst s0;
	s0 =	simm.s32 @!p2 $0x0  }
0x16: {  	s3 =	sld [smem:$0x3FDB];
	s0 =	simm.s32 @p2 $0x1  }
0x17: {  	s4 =	simm.s32 $0x1BF5;
	[smem:$0x3FB1] =	sst s0  }
0x18: {  	s0 =	sld [smem:$0x3F94];
	_ =	swait.ge [sflag:s4], $0x0  }
0x19: {  	s7 =	sld [smem:$0x3F95]  }
0x1a: {  	s8 =	sadd.s32 $0xFFFFE003, lr  }
0x1b: {  	s9 =	sadd.s32 $0xFFFFFEF7, lr;
	s5 =	simm.s32 $0xFFFFFFFF;
	p2 =	slt.u32 s8, $0xFFFFF086  }
0x1c: {  	p1 =	slt.u32 s9, $0xF7A;
	s5 =	simm.s32 @!p2 $0x0  }
0x1d: {  	s5 =	simm.s32 @p1 $0x1;
	p0 =	seq.s32 s7, s2  }
0x1e: {  	s7 =	smul.u32 @!p0 $0xF7A, s2;
	p2 =	seq.s32 @!p0 s5, $0x0  }
0x1f: {  	s9 =	smul.u32 $0xF7A, s1;
	s8 =	simm.s32 @!p0 $0x1BF5;
	p2 =	por !p2, p0  }
0x20: {  	[sflag:s8] =	ssyncset.s32 @!p0 $0xFFFFF086;
	s6 =	sadd.s32 @!p0 s3, s7;
	s7 =	simm.s32 @!p0 $0x108  }
0x21: {  	s3 =	sadd.s32 s3, s9;
	s6 =	sadd.s32 @!p0 $0x88, s6;
	s7 =	simm.s32 @p2 $0x1082  }
0x22: {  	[simem:s7], [sflag:s8] =	dma.local @!p0 [hbm:s6], $0xF7A  }
0x23: {  	s9 =	sor.u32 $0xD0000000, s2;
	s6 =	simm.s32 $0x108;
	_ =	swait.ge @!p0 [sflag:s8], $0x0  }
0x24: {  	s3 =	sadd.s32 $0x88, s3;
	s6 =	simm.s32 @!p1 $0x1082;
	[sflag:s4] =	ssyncset.s32 $0xFFFFF086  }
0x25: {  	[simem:s6], [sflag:s4] =	dma.local [hbm:s3], $0xF7A  }
0x26: {  	[smem:$0x3F95] =	sst s1;
	(tag) =	ssettag s2;
	_ =	strace s9  }
0x27: {  	s1 =	sld [smem:$0x3FA5]  }
0x28: {  	s2 =	sld [smem:$0x3FA6]  }
0x29: {  	s4 =	sld [smem:$0x3FA8]  }
0x2a: {  	p0 =	seq.s32 s5, $0x0;
	s5 =	sld [smem:$0x3FA9]  }
0x2b: {  	s6 =	sld [smem:$0x3FAA]  }
0x2c: {  	s7 =	sld [smem:$0x3FAB]  }
0x2d: {  	s3 =	simm.s32 $0x108;
	s8 =	sld [smem:$0x3FAC]  }
0x2e: {  	s3 =	simm.s32 @!p0 $0x1082;
	s9 =	sld [smem:$0x3FAD]  }
0x2f: {  	lr =	sadd.s32 s0, s3;
	s0 =	sld [smem:$0x3FA4]  }
0x30: {  	s3 =	sld [smem:$0x3FA7]  }
0x31: {  	[smem:$0x3FB0] =	sst s10  }
0x32: {  	s10 =	sld [smem:$0x3FAE];
	_ =	sdelay $0x3  }
0x33: {  	p0 =	seq.s32 s10, $0x1;
	s10 =	sld [smem:$0x3FB0];
	_ =	sdelay $0x3  }
0x34: {  	[smem:$0x3FB0] =	sst s10  }
0x35: {  	s10 =	sld [smem:$0x3FAF];
	_ =	sdelay $0x3  }
0x36: {  	p1 =	seq.s32 s10, $0x1;
	s10 =	sld [smem:$0x3FB0];
	_ =	sdelay $0x3  }
0x37: {  	[smem:$0x3FB0] =	sst s10  }
0x38: {  	s10 =	sld [smem:$0x3FB1]  }
0x39: {  	_ = 	snop;
	(pc) =	sbr.ind lr, $3  }
0x3a: {  	_ = 	snop  }
0x3b: {  	_ = 	snop  }
0x3c: {  	p2 =	seq.s32 s10, $0x1;
	s10 =	sld [smem:$0x3FB0]  }
0x3d: {  	_ =	shalt  }
0x3e: {  	_ =	shalt  }
0x3f: {  	_ =	shalt  }
0x40: {  	_ =	shalt  }
0x41: {  	_ =	shalt  }
0x42: {  	_ =	shalt  }
0x43: {  	_ =	shalt  }
0x44: {  	_ =	shalt  }
0x45: {  	_ =	shalt  }
0x46: {  	_ =	shalt  }
0x47: {  	_ =	shalt  }
0x48: {  	_ =	shalt  }
0x49: {  	_ =	shalt  }
0x4a: {  	_ =	shalt  }
0x4b: {  	_ =	shalt  }
0x4c: {  	_ =	shalt  }
0x4d: {  	_ =	shalt  }
0x4e: {  	_ =	shalt  }
0x4f: {  	_ =	shalt  }
0x50: {  	_ =	shalt  }
0x51: {  	_ =	shalt  }
0x52: {  	_ =	shalt  }
0x53: {  	_ =	shalt  }
0x54: {  	_ =	shalt  }
0x55: {  	_ =	shalt  }
0x56: {  	_ =	shalt  }
0x57: {  	_ =	shalt  }
0x58: {  	_ =	shalt  }
0x59: {  	_ =	shalt  }
0x5a: {  	_ =	shalt  }
0x5b: {  	_ =	shalt  }
0x5c: {  	_ =	shalt  }
0x5d: {  	_ =	shalt  }
0x5e: {  	_ =	shalt  }
0x5f: {  	_ =	shalt  }
0x60: {  	_ =	shalt  }
0x61: {  	_ =	shalt  }
0x62: {  	_ =	shalt  }
0x63: {  	_ =	shalt  }
0x64: {  	_ =	shalt  }
0x65: {  	_ =	shalt  }
0x66: {  	_ =	shalt  }
0x67: {  	_ =	shalt  }
0x68: {  	_ =	shalt  }
0x69: {  	_ =	shalt  }
0x6a: {  	_ =	shalt  }
0x6b: {  	_ =	shalt  }
0x6c: {  	_ =	shalt  }
0x6d: {  	_ =	shalt  }
0x6e: {  	_ =	shalt  }
0x6f: {  	_ =	shalt  }
0x70: {  	_ =	shalt  }
0x71: {  	_ =	shalt  }
0x72: {  	_ =	shalt  }
0x73: {  	_ =	shalt  }
0x74: {  	_ =	shalt  }
0x75: {  	_ =	shalt  }
0x76: {  	_ =	shalt  }
0x77: {  	_ =	shalt  }
0x78: {  	_ =	shalt  }
0x79: {  	_ =	shalt  }
0x7a: {  	_ =	shalt  }
0x7b: {  	_ =	shalt  }
0x7c: {  	_ =	shalt  }
0x7d: {  	_ =	shalt  }
0x7e: {  	_ =	shalt  }
0x7f: {  	_ =	shalt  }
0x80: {  	_ =	shalt  }
0x81: {  	_ =	shalt  }
0x82: {  	_ =	shalt  }
0x83: {  	_ =	shalt  }
0x84: {  	_ =	shalt  }
0x85: {  	_ =	shalt  }
0x86: {  	_ =	shalt  }
0x87: {  	_ =	shalt  }
.Lfunc_end0:
.L_simem_size_0:
called_computation.1_lowered:
.L_overlay_start_0:
0x88: {  	s2 =	sld [smem:$0x3FD9]  }
0x89: {  	s3 =	sld [smem:$0x3FFE];
	_ =	sdelay $0x1  }
0x8a: {  	s1 =	srdreg.scid  }
0x8b: {  	s0 =	sand.u32 $0x1, s1  }
0x8c: {  	s15 =	sshll.u32 s0, $0xA;
	s2 =	sadd.s32 s3, s2  }
0x8d: {  	s2 =	sadd.s32 s2, s15  }
0x8e: {  	[smem:$0x3FBC] =	sst s2  }
0x8f: {  	_ = 	snop  }
0x90: {  	s2 =	sld [smem:$0x3FD0];
	_ =	sdelay $0x2  }
0x91: {  	s4 =	simm.s32 $0xB;
	s16 =	simm.s32 $0x10  }
0x92: {  	[smem:s16], [sflag:s4] =	dma.local [hbm:s2], $0x1  }
0x93: {  	_ =	swait.eq [sflag:s4], $0x1  }
0x94: {  	[sflag:s4] =	ssyncset.done $0x0  }
0x95: {  	s17 =	sld [smem:$0x11];
	[sflag:s4] =	ssyncadd.s32 $0xFFFFFFFF  }
0x96: {  	s18 =	sld [smem:$0x12];
	(tm) =	ssettm $0x1  }
0x97: {  	s19 =	sld [smem:$0x3FFB];
	_ =	sdelay $0x3  }
0x98: {  	_ =	strace s19  }
0x99: {  	s2 =	sld [smem:$0x3FFC];
	_ =	sdelay $0x3  }
0x9a: {  	_ =	strace s2  }
0x9b: {  	s2 =	sld [smem:$0x3FFD];
	_ =	sdelay $0x3  }
0x9c: {  	_ =	strace s2  }
0x9d: {  	_ =	strace $0x8FFFFFFF  }
0x9e: {  	s20 =	sld [smem:$0x3FDB];
	_ =	sdelay $0x1  }
0x9f: {  	s5 =	simm.s32 $_scs_section_size  }
0xa0: {  	s6 =	simm.s32 $_size__tile_overlayer_lowered;
	s7 =	simm.s32 $_tile_overlayer_lowered  }
0xa1: {  	s8 =	simm.s32 $0x1BFF;
	s21 =	sshll.u32 s7, $0x1;
	s5 =	sadd.s32 s5, s20  }
0xa2: {  	s22 =	simm.s32 $0x0;
	s6 =	sshll.u32 s6, $0x1;
	s7 =	sadd.s32 s21, s5  }
0xa3: {  	[timem:s22], [sflag:s8] =	dma.local [hbm:s7], s6  }
0xa4: {  	_ =	swait.ge [sflag:s8], s6  }
0xa5: {  	s6 =	ssub.s32 $0x0, s6;
	[sflag:s8] =	ssyncset.done $0x0  }
0xa6: {  	[sflag:s8] =	ssyncadd.s32 s6;
	_ =	sdelay $0x1  }
0xa7: {  	s23 =	simm.s32 $0x1B8B  }
0xa8: {  	_ =	swait.ge [sflag:s23], $0x1  }
0xa9: {  	[sflag:s23] =	ssyncset.done $0x0  }
0xaa: {  	[sflag:s23] =	ssyncadd.s32 $0xFFFFFFFF  }
0xab: {  	s6 =	sld [smem:$0x0]  }
0xac: {  	s7 =	sand.u32 $0xFFFFFFFE, s1  }
0xad: {  	p0 =	sne.s32 s1, s7  }
0xae: {  	s7 =	sshll.u32 @p0 s7, $0xE  }
0xaf: {  	s7 =	sadd.s32 @p0 $0x11B8D, s7;
	s8 =	sshll.u32 @p0 s6, $0x11  }
0xb0: {  	s7 =	sor.u32 @p0 s8, s7  }
0xb1: {  	[sflag:s7] =	ssyncadd.remote.s32 @p0 $0x1;
	_ =	sdelay $0x1  }
0xb2: {  	s7 =	simm.s32 @p0 $0x1B8D  }
0xb3: {  	_ =	swait.eq @p0 [sflag:s7], $0x1  }
0xb4: {  	[sflag:s7] =	ssyncadd.s32 @p0 $0xFFFFFFFF  }
0xb5: {  	s8 =	sshll.u32 @!p0 s1, $0xE  }
0xb6: {  	s8 =	sor.u32 @!p0 $0x4000, s8;
	s7 =	simm.s32 @!p0 $0x1B8D  }
0xb7: {  	s6 =	sshll.u32 @!p0 s6, $0x11;
	s8 =	sadd.s32 @!p0 $0x11B8D, s8;
	_ =	swait.eq @!p0 [sflag:s7], $0x1  }
0xb8: {  	s6 =	sor.u32 @!p0 s6, s8;
	[sflag:s7] =	ssyncadd.s32 @!p0 $0xFFFFFFFF  }
0xb9: {  	s25 =	simm.s32 $0x1B8E;
	s24 =	sld [smem:$0x3FFE];
	[sflag:s6] =	ssyncadd.remote.s32 @!p0 $0x1  }
0xba: {  	s26 =	simm.s32 $execute0_lowered;
	[smem:$0x3FD2] =	sst s25  }
0xbb: {  	s7 =	sshll.u32 s26, $0x1;
	_ =	strace $0x80000050;
	[dreg:$0x1] =	wrdreg $0xFFFFFFFF  }
0xbc: {  	s28 =	simm.s32 $_size_execute0_lowered;
	s5 =	sadd.s32 s5, s7;
	[dreg:$0x0] =	wrdreg $0x0  }
0xbd: {  	s7 =	sshll.u32 s28, $0x1;
	[dreg:$0x2] =	wrdreg s5  }
0xbe: {  	[dreg:$0x3] =	wrdreg s7  }
0xbf: {  	[dreg:$0x4] =	wrdreg $0xC0  }
0xc0: {  	_ =	task [dreg:s22], $0x5FFFF  }
0xc1: {  	[dreg:$0x1] =	wrdreg $0xFFFFFFFF  }
0xc2: {  	[dreg:$0x0] =	wrdreg $0x60  }
0xc3: {  	[dreg:$0x2] =	wrdreg s24  }
0xc4: {  	[dreg:$0x3] =	wrdreg s18  }
0xc5: {  	[dreg:$0x4] =	wrdreg s17  }
0xc6: {  	[dreg:$0x5] =	wrdreg $0xA  }
0xc7: {  	_ =	task.clear_ibuf [dreg:s22], $0x6FFFF;
	_ =	strace $0x90000050  }
0xc8: {  	s29 =	simm.s32 $0xA;
	_ =	strace $0x80000059  }
0xc9: {  	_ =	swait.ge [sflag:s29], $0x1  }
0xca: {  	[sflag:s29] =	ssyncadd.s32 $0xFFFFFFFF  }
0xcb: {  	_ =	strace $0x90000059  }
0xcc: {  	_ =	sfence  }
0xcd: {  	s30 =	sld [smem:$0x0];
	_ =	sdelay $0x2  }
0xce: {  	s31 =	sshll.u32 s1, $0xD;
	s1 =	sshrl.u32 s1, $0x2  }
0xcf: {  	s4 =	sand.u32 $0x4000, s31;
	s1 =	sadd.s32 s1, s30  }
0xd0: {  	s0 =	sor.u32 s4, s0;
	s1 =	sshll.u32 s1, $0x11  }
0xd1: {  	s0 =	sor.u32 s1, s0  }
0xd2: {  	s0 =	sadd.s32 $0x8F2B, s0  }
0xd3: {  	[sflag:s0] =	ssyncadd.remote.s32 $0x1  }
0xd4: {  	_ =	sfence.sel $0xFFFF  }
0xd5: {  	[dreg:$0x0] =	wrdreg $0xFFFFFFFF;
	(pc) =	sbr.abs _section_cstart, $3  }
0xd6: {  	[dreg:$0x1] =	wrdreg $0xFFFFFFFF  }
0xd7: {  	_ =	task.clear_ibuf [dreg:s22], $0x2FFFF;
	_ =	strace $0x9FFFFFFF  }
0xd8: {  	(tm) =	ssettm $0x7FFFFFFF  }
0xd9: {  	_ =	shalt  }
tec
execute0_lowered:
.L_overlay_start_1:
0x0: {  	(tag) =	ssettag $0x1  }
0x1: {  	s0 =	rddreg [dreg:$0x0]  }
0x2: {  	s1 =	rddreg [dreg:$0x1];
	s3 =	srdreg.scid  }
0x3: {  	s2 =	rddreg [dreg:$0x2];
	s5 =	simm.s32 $0x0;
	s3 =	sand.u32 $0x1, s3  }
0x4: {  	[smem:$0x7FF] =	sst s5;
	s5 =	stileid.u32;
	p0 =	seq.s32 s3, $0x1  }
0x5: {  	s4 =	rddreg [dreg:$0x3];
	_ =	strace $0x80000051;
	s3 =	sshll.u32 @!p0 s5, $0x5  }
0x6: {  	_ =	strace @!p0 $0x80000052;
	s1 =	sadd.s32 @!p0 s1, s3;
	s3 =	simm.s32 @!p0 $0x0  }
0x7: {  	[tilespmem:s3], [sflag:$0x1] =	stream.linear.gather @!p0 [hbm4b:s1+s3], $0x100, $0x200038;
	[tilespmem:$0x10200] =	vst v63  }
0x8: {  	_ =	strace @!p0 $0x90000052  }
0x9: {  	s1 =	simm.s32 @!p0 $0x1;
	_ =	strace @!p0 $0x80000054  }
0xa: {  	_ =	swait.ge @!p0 [sflag:s1], $0x100  }
0xb: {  	[sflag:s1] =	ssyncset.done @!p0 $0x0  }
0xc: {  	[sflag:s1] =	ssyncadd.s32 @!p0 $0xFFFFFF00  }
0xd: {  	s0 =	sadd.s32 $0x3200, s0;
	_ =	strace @!p0 $0x90000054  }
0xe: {  	s6 =	simm.s32 @!p0 $0x200;
	s1 =	simm.s32 @!p0 $0x100;
	_ =	strace @!p0 $0x80000055  }
0xf: {  	[tilespmem:s6], [sflag:$0x5] =	stream.indirect.gather @!p0 [hbm4b:s0+s1], $0x80, s3, s1, $0x2000b8;
	[tilespmem:$0x10200] =	vst v63  }
0x10: {  	s0 =	simm.s32 @!p0 $0x5  }
0x11: {  	_ =	swait.ge @!p0 [sflag:s0], $0x8000  }
0x12: {  	[sflag:s0] =	ssyncset.done @!p0 $0x0  }
0x13: {  	[sflag:s0] =	ssyncadd.s32 @!p0 $0xFFFF8000  }
0x14: {  	s0 =	sshll.u32 @!p0 s5, $0xC;
	_ =	strace @!p0 $0x90000055  }
0x15: {  	s0 =	sadd.s32 @!p0 s2, s0;
	_ =	strace @!p0 $0x80000056  }
0x16: {  	[hbm4b:s0+s3] =	stream.linear.scatter @!p0 [tilespmem:s6], [sflag:$0x3], $0x8000, $0x200038;
	[tilespmem:$0x10200] =	vst v63  }
0x17: {  	_ =	strace @!p0 $0x90000056  }
0x18: {  	s0 =	simm.s32 @!p0 $0x3;
	_ =	strace @!p0 $0x80000058  }
0x19: {  	_ =	swait.ge @!p0 [sflag:s0], $0x8000  }
0x1a: {  	[sflag:s0] =	ssyncset.done @!p0 $0x0  }
0x1b: {  	[sflag:s0] =	ssyncadd.s32 @!p0 $0xFFFF8000  }
0x1c: {  	_ =	strace @!p0 $0x90000058  }
0x1d: {  	_ =	sfence.sel $0x180000  }
0x1e: {  	[bflag:$0x0] =	sbarrier.arrive $0xFFFF  }
0x1f: {  	p0 =	sne.s32 s5, $0x0;
	_ =	strace $0x90000051  }
0x20: {  	s0 =	sadd.s32 @!p0 $0x100000, s4;
	[bflag:$0x2] =	sbarrier.arrive $0xFFFF  }
0x21: {  	[sflag:s0] =	ssyncadd.tile.s32 @!p0 $0x1;
	_ =	shalt  }
.Lfunc_end2:
_tile_overlayer_lowered:
.L_overlay_start_2:
0x22: {  	(tag) =	ssettag $0x2  }
0x23: {  	s0 =	rddreg [dreg:$0x0];
	s2 =	stileid.u32  }
0x24: {  	s1 =	rddreg [dreg:$0x1];
	p0 =	sne.s32 s2, $0x0  }
0x25: {  	s3 =	rddreg [dreg:$0x2];
	[bflag:$0x3] =	sbarrier.arrive $0xFFFF;
	s2 =	simm.s32 @!p0 $0x1C01  }
0x26: {  	[timem:s3], [sflag:s2] =	dma.local @!p0 [hbm:s0], s1  }
0x27: {  	s0 =	simm.s32 @!p0 $0x1  }
0x28: {  	_ =	swait.ge @!p0 [sflag:s0], s1  }
0x29: {  	s1 =	ssub.s32 @!p0 $0x0, s1;
	[sflag:s0] =	ssyncset.done @!p0 $0x0  }
0x2a: {  	[sflag:s0] =	ssyncadd.s32 @!p0 s1  }
0x2b: {  	[bflag:$0x3] =	sbarrier.arrive $0xFFFF  }
0x2c: {  	_ =	shalt  }

</sc_bundles>
